<compile_context>
chip_gen: v7x
topology: tpu7x:2x2x1
jax: 0.10.2.dev20260603
libtpu: 0.0.44.dev20260713+nightly
codegen_flags: <defaults>
</compile_context>

<pallas_src>
import functools

import jax
import jax.numpy as jnp
from jax import lax
from jax.experimental import pallas as pl
from jax.experimental.pallas import tpu as pltpu
from jax.experimental.pallas import tpu_sc as plsc

_L = 128
_C = 128
_NTILES = 32
_NSUB = 16


def _cdiv(a, b):
    return (a + b - 1) // b




def _make_deg_kernel(np_pad, chunks_per_tile, rows_per_tile):
    mesh = plsc.VectorSubcoreMesh(core_axis_name="c", subcore_axis_name="s")

    @functools.partial(
        pl.kernel,
        out_type=jax.ShapeDtypeStruct((2, np_pad), jnp.float32),
        mesh=mesh,
        scratch_types=[
            pltpu.VMEM_SHARED((np_pad,), jnp.float32),
            pltpu.VMEM((chunks_per_tile, _C), jnp.int32),
            pltpu.VMEM((_C,), jnp.float32),
        ],
    )
    def deg_kernel(dst_hbm, ones_hbm, zeros_hbm, out_hbm, dacc, dstb, onesb):
        cid = lax.axis_index("c")
        sid = lax.axis_index("s")
        wid = cid * _NSUB + sid
        pltpu.sync_copy(zeros_hbm.at[pl.ds(0, rows_per_tile)],
                        dacc.at[pl.ds(sid * rows_per_tile, rows_per_tile)])
        pltpu.sync_copy(ones_hbm, onesb)
        pltpu.sync_copy(dst_hbm.at[pl.ds(wid * chunks_per_tile, chunks_per_tile)],
                        dstb)
        plsc.subcore_barrier()

        def body(j, carry):
            pltpu.sync_copy(onesb, dacc.at[dstb.at[j]], add=True)
            return carry

        lax.fori_loop(0, chunks_per_tile, body, 0, unroll=False)
        plsc.subcore_barrier()
        pltpu.sync_copy(dacc.at[pl.ds(sid * rows_per_tile, rows_per_tile)],
                        out_hbm.at[cid, pl.ds(sid * rows_per_tile, rows_per_tile)])

    return deg_kernel


_CA = 24
_GRP = 8


def _make_agg_kernel(np_agg, chunks_per_tile, rows_per_tile):
    half_np = np_agg // 2
    stage_rows = np_agg // _NSUB
    ngroups = chunks_per_tile // _GRP
    mesh = plsc.VectorSubcoreMesh(core_axis_name="c", subcore_axis_name="s")

    @functools.partial(
        pl.kernel,
        out_type=jax.ShapeDtypeStruct((2, np_agg, _L), jnp.float32),
        mesh=mesh,
        scratch_types=[
            pltpu.VMEM_SHARED((np_agg, _L), jnp.float32),
            pltpu.VMEM_SHARED((half_np, _L), jnp.float32),
            pltpu.VMEM((_GRP, _CA), jnp.int32),
            pltpu.VMEM((_GRP, _CA), jnp.int32),
            pltpu.VMEM((_CA, _L), jnp.float32),
            pltpu.VMEM((_CA, _L), jnp.float32),
            pltpu.SemaphoreType.DMA,
            pltpu.SemaphoreType.DMA,
        ],
    )
    def agg_kernel(t_hbm, gs0_hbm, gd0_hbm, gs1_hbm, gd1_hbm, zeros_hbm,
                   out_hbm, acc, ts, srcb, dstb, r0, r1, s0, s1):
        cid = lax.axis_index("c")
        sid = lax.axis_index("s")
        wid = cid * _NSUB + sid
        rows = [r0, r1]
        sems = [s0, s1]

        pltpu.sync_copy(zeros_hbm.at[pl.ds(0, rows_per_tile)],
                        acc.at[pl.ds(sid * rows_per_tile, rows_per_tile)])

        for p, (gs_hbm, gd_hbm) in enumerate(((gs0_hbm, gd0_hbm),
                                              (gs1_hbm, gd1_hbm))):
            @pl.when(sid < 8)
            def _():
                pltpu.sync_copy(
                    t_hbm.at[pl.ds(p * half_np + sid * stage_rows, stage_rows)],
                    ts.at[pl.ds(sid * stage_rows, stage_rows)])

            plsc.subcore_barrier()

            def group(g, carry):
                base = wid * chunks_per_tile + g * _GRP
                pltpu.sync_copy(gs_hbm.at[pl.ds(base, _GRP)], srcb)
                pltpu.sync_copy(gd_hbm.at[pl.ds(base, _GRP)], dstb)
                pltpu.make_async_copy(ts.at[srcb.at[0]], r0, s0).start()

                def body(k, c2):
                    for b in range(2):
                        j = 2 * k + b
                        pltpu.make_async_copy(
                            ts.at[srcb.at[j]], rows[b], sems[b]).wait()
                        pltpu.make_async_copy(
                            ts.at[srcb.at[j + 1]], rows[1 - b],
                            sems[1 - b]).start()
                        pltpu.sync_copy(rows[b], acc.at[dstb.at[j]], add=True)
                    return c2

                lax.fori_loop(0, _GRP // 2 - 1, body, 0, unroll=False)
                j = _GRP - 2
                pltpu.make_async_copy(ts.at[srcb.at[j]], r0, s0).wait()
                pltpu.make_async_copy(ts.at[srcb.at[j + 1]], r1, s1).start()
                pltpu.sync_copy(r0, acc.at[dstb.at[j]], add=True)
                pltpu.make_async_copy(ts.at[srcb.at[j + 1]], r1, s1).wait()
                pltpu.sync_copy(r1, acc.at[dstb.at[j + 1]], add=True)
                return carry

            lax.fori_loop(0, ngroups, group, 0, unroll=False)
            plsc.subcore_barrier()

        pltpu.sync_copy(acc.at[pl.ds(sid * rows_per_tile, rows_per_tile)],
                        out_hbm.at[cid, pl.ds(sid * rows_per_tile, rows_per_tile)])

    return agg_kernel



_RB = 1000


def _tc_first(degp, x, w):
    n = x.shape[0]
    grid = n // _RB

    def body(degp_ref, x_ref, w_ref, t_ref, dinv_ref):
        deg = degp_ref[0] + degp_ref[1] + 1.0
        dinv = lax.rsqrt(deg)
        h = jnp.dot(x_ref[...], w_ref[...],
                    preferred_element_type=jnp.float32)
        t_ref[...] = h * dinv
        dinv_ref[...] = dinv

    return pl.pallas_call(
        body,
        grid=(grid,),
        in_specs=[
            pl.BlockSpec((2, _RB, 1), lambda i: (0, i, 0)),
            pl.BlockSpec((_RB, _L), lambda i: (i, 0)),
            pl.BlockSpec((_L, _L), lambda i: (0, 0)),
        ],
        out_specs=[
            pl.BlockSpec((_RB, _L), lambda i: (i, 0)),
            pl.BlockSpec((_RB, 1), lambda i: (i, 0)),
        ],
        out_shape=[
            jax.ShapeDtypeStruct((n, _L), jnp.float32),
            jax.ShapeDtypeStruct((n, 1), jnp.float32),
        ],
    )(degp, x, w)


def _tc_mid(sp, t, dinv, b, w):
    n = t.shape[0]
    grid = n // _RB

    def body(sp_ref, t_ref, dinv_ref, b_ref, w_ref, t2_ref):
        s = sp_ref[0] + sp_ref[1] + t_ref[...]
        y = jnp.maximum(s * dinv_ref[...] + b_ref[...], 0.0)
        h2 = jnp.dot(y, w_ref[...], preferred_element_type=jnp.float32)
        t2_ref[...] = h2 * dinv_ref[...]

    return pl.pallas_call(
        body,
        grid=(grid,),
        in_specs=[
            pl.BlockSpec((2, _RB, _L), lambda i: (0, i, 0)),
            pl.BlockSpec((_RB, _L), lambda i: (i, 0)),
            pl.BlockSpec((_RB, 1), lambda i: (i, 0)),
            pl.BlockSpec((1, _L), lambda i: (0, 0)),
            pl.BlockSpec((_L, _L), lambda i: (0, 0)),
        ],
        out_specs=pl.BlockSpec((_RB, _L), lambda i: (i, 0)),
        out_shape=jax.ShapeDtypeStruct((n, _L), jnp.float32),
    )(sp, t, dinv, b, w)


def _tc_last(sp, t, dinv, b):
    n = t.shape[0]
    grid = n // _RB

    def body(sp_ref, t_ref, dinv_ref, b_ref, out_ref):
        s = sp_ref[0] + sp_ref[1] + t_ref[...]
        out_ref[...] = jnp.maximum(s * dinv_ref[...] + b_ref[...], 0.0)

    return pl.pallas_call(
        body,
        grid=(grid,),
        in_specs=[
            pl.BlockSpec((2, _RB, _L), lambda i: (0, i, 0)),
            pl.BlockSpec((_RB, _L), lambda i: (i, 0)),
            pl.BlockSpec((_RB, 1), lambda i: (i, 0)),
            pl.BlockSpec((1, _L), lambda i: (0, 0)),
        ],
        out_specs=pl.BlockSpec((_RB, _L), lambda i: (i, 0)),
        out_shape=jax.ShapeDtypeStruct((n, _L), jnp.float32),
    )(sp, t, dinv, b)




def kernel(x, edge_index, W1, b1, W2, b2):
    n, d = x.shape
    e = edge_index.shape[1]

    np_deg = _cdiv(n + 1, _NSUB * 128) * _NSUB * 128
    rows_deg = np_deg // _NSUB
    chunks_deg = _cdiv(e, _NTILES * _C * 8) * 8
    ep_deg = chunks_deg * _NTILES * _C

    np_agg = _cdiv(n + 1, _NSUB * 8) * _NSUB * 8
    rows_agg = np_agg // _NSUB
    half_np = np_agg // 2
    chunks_agg = _cdiv(e, _NTILES * _CA * 8) * 8
    ep_agg = chunks_agg * _NTILES * _CA

    src = edge_index[0]
    dst = edge_index[1]

    pad_d = ep_deg - e
    dst_p = jnp.concatenate(
        [dst, n + jnp.arange(pad_d, dtype=jnp.int32) % (np_deg - n)]
    ).reshape(ep_deg // _C, _C)

    pad_a = ep_agg - e
    pos = jnp.arange(ep_agg, dtype=jnp.int32)
    srcf = jnp.concatenate([src, jnp.zeros((pad_a,), jnp.int32)])
    dstf = jnp.concatenate([dst, jnp.zeros((pad_a,), jnp.int32)])
    valid = pos < e
    scr = n + pos % (np_agg - n)
    dmy = pos % half_np
    gs, gd = [], []
    for p in range(2):
        inp = valid & (srcf >= p * half_np) & (srcf < (p + 1) * half_np)
        gs.append(jnp.where(inp, srcf - p * half_np, dmy)
                  .reshape(ep_agg // _CA, _CA))
        gd.append(jnp.where(inp, dstf, scr).reshape(ep_agg // _CA, _CA))

    zeros2d = jnp.zeros((rows_agg, _L), jnp.float32)
    zeros1d = jnp.zeros((rows_deg,), jnp.float32)
    ones1d = jnp.ones((_C,), jnp.float32)

    deg_k = _make_deg_kernel(np_deg, chunks_deg, rows_deg)
    agg_k = _make_agg_kernel(np_agg, chunks_agg, rows_agg)

    degp = deg_k(dst_p, ones1d, zeros1d)
    degp3 = degp[:, :, None]

    t1, dinv = _tc_first(degp3, x, W1)
    t1p = jnp.pad(t1, ((0, np_agg - n), (0, 0)))
    sp1 = agg_k(t1p, gs[0], gd[0], gs[1], gd[1], zeros2d)
    t2 = _tc_mid(sp1, t1, dinv, b1.reshape(1, _L), W2)
    t2p = jnp.pad(t2, ((0, np_agg - n), (0, 0)))
    sp2 = agg_k(t2p, gs[0], gd[0], gs[1], gd[1], zeros2d)
    return _tc_last(sp2, t2, dinv, b2.reshape(1, _L))

# --- scband reference (transcript-rebuilt; emitter-appended) ---
"""Pipeline reference for scband-gcnbackbone-52312701665402 (READ-ONLY COPY).

The authoritative reference and input builder live on the scoring server;
editing this copy changes nothing except your own understanding.
"""

import jax, jax.numpy as jnp
import numpy as np

N = 10000
E = 320000
D = 128
H = 128

def setup_inputs(seed: int = 0) -> dict:
    key = jax.random.key(seed)
    k1, k2, k3, k4 = jax.random.split(key, 4)
    x = jax.random.normal(k1, (N, D), dtype=jnp.float32)
    edge_index = jax.random.randint(k2, (2, E), 0, N, dtype=jnp.int32)
    W1 = jax.random.normal(k3, (D, H), dtype=jnp.float32) * (1.0 / np.sqrt(D))
    b1 = jnp.zeros((H,), dtype=jnp.float32)
    W2 = jax.random.normal(k4, (H, H), dtype=jnp.float32) * (1.0 / np.sqrt(H))
    b2 = jnp.zeros((H,), dtype=jnp.float32)
    return {"x": x, "edge_index": edge_index, "W1": W1, "b1": b1, "W2": W2, "b2": b2}

def _gcn_layer(x, edge_index, W, b):
    # Faithful GCNConv: add self-loops, symmetric deg normalization, scatter-add aggregation
    n = x.shape[0]
    loop = jnp.arange(n, dtype=edge_index.dtype)
    src = jnp.concatenate([edge_index[0], loop])
    dst = jnp.concatenate([edge_index[1], loop])
    ones = jnp.ones(src.shape[0], dtype=x.dtype)
    deg = jax.ops.segment_sum(ones, dst, num_segments=n)
    deg_inv_sqrt = jnp.where(deg > 0, 1.0 / jnp.sqrt(deg), 0.0)
    norm = deg_inv_sqrt[src] * deg_inv_sqrt[dst]
    h = x @ W
    msg = h[src] * norm[:, None]
    out = jax.ops.segment_sum(msg, dst, num_segments=n)
    return out + b

def reference(x, edge_index, W1, b1, W2, b2):
    h = jax.nn.relu(_gcn_layer(x, edge_index, W1, b1))
    h = jax.nn.relu(_gcn_layer(h, edge_index, W2, b2))
    return h

if __name__ == "__main__":
    import jax
    _d = setup_inputs()
    print(jax.jit(kernel)(*tuple(_d.values())))

</pallas_src>

<mosaic_0001>
#map = affine_map<(d0, d1) -> (0, 0)>
#map1 = affine_map<(d0, d1) -> (0, 0, 0)>
module attributes {stable_mosaic.version = 14 : i64} {
  func.func @agg_kernel(%arg0: i32, %arg1: i32, %arg2: memref<10112x128xf32, #tpu.memory_space<hbm>>, %arg3: memref<13568x24xi32, #tpu.memory_space<hbm>>, %arg4: memref<13568x24xi32, #tpu.memory_space<hbm>>, %arg5: memref<13568x24xi32, #tpu.memory_space<hbm>>, %arg6: memref<13568x24xi32, #tpu.memory_space<hbm>>, %arg7: memref<632x128xf32, #tpu.memory_space<hbm>>, %arg8: memref<2x10112x128xf32, #tpu.memory_space<hbm>>, %arg9: memref<10112x128xf32, #tpu.memory_space<vmem_shared>>, %arg10: memref<5056x128xf32, #tpu.memory_space<vmem_shared>>, %arg11: memref<8x24xi32, #tpu.memory_space<vmem>>, %arg12: memref<8x24xi32, #tpu.memory_space<vmem>>, %arg13: memref<24x128xf32, #tpu.memory_space<vmem>>, %arg14: memref<24x128xf32, #tpu.memory_space<vmem>>, %arg15: memref<!tpu.dma_semaphore, #tpu.memory_space<semaphore_mem>>, %arg16: memref<!tpu.dma_semaphore, #tpu.memory_space<semaphore_mem>>) attributes {dimension_semantics = [#tpu.dimension_semantics<core_parallel>, #tpu.dimension_semantics<subcore_parallel>], iteration_bounds = array<i64: 2, 16>, scalar_prefetch = 0 : i64, scratch_operands = 8 : i64, tpu.core_type = #tpu.core_type<sc_vector_subcore>, window_params = [{transform_indices = #map}, {transform_indices = #map}, {transform_indices = #map}, {transform_indices = #map}, {transform_indices = #map}, {transform_indices = #map}, {transform_indices = #map1}]} {
    %mul3A = arith.constant 16 : i32
    %mul3A_0 = arith.muli %arg0, %mul3A : i32
    %add3A = arith.addi %mul3A_0, %arg1 : i32
    %mul3A_1 = arith.constant 632 : i32
    %mul3A_2 = arith.muli %arg1, %mul3A_1 : i32
    "tpu.region"() ({
      %run_scoped3A = tpu.sem_alloc : memref<!tpu.dma_semaphore, #tpu.memory_space<semaphore_mem>>
      %dma_start3A = arith.constant 0 : i32
      %dma_start3A_28 = tpu.memref_slice %arg9[%mul3A_2, %dma_start3A] : memref<10112x128xf32, #tpu.memory_space<vmem_shared>> -> memref<632x128xf32, #tpu.memory_space<vmem_shared>>
      %dma_start3A_29 = arith.constant 0 : i32
      %dma_start3A_30 = arith.constant 0 : i32
      %dma_start3A_31 = tpu.memref_slice %arg7[%dma_start3A_29, %dma_start3A_30] : memref<632x128xf32, #tpu.memory_space<hbm>> -> memref<632x128xf32, #tpu.memory_space<hbm>>
      tpu.enqueue_dma source(%dma_start3A_31 : memref<632x128xf32, #tpu.memory_space<hbm>>) target(%dma_start3A_28 : memref<632x128xf32, #tpu.memory_space<vmem_shared>>) target_semaphore(%run_scoped3A : memref<!tpu.dma_semaphore, #tpu.memory_space<semaphore_mem>>)
      %dma_wait3A = arith.constant 0 : i32
      %dma_wait3A_32 = tpu.memref_slice %arg9[%mul3A_2, %dma_wait3A] : memref<10112x128xf32, #tpu.memory_space<vmem_shared>> -> memref<632x128xf32, #tpu.memory_space<vmem_shared>>
      %dma_wait3A_33 = arith.constant 0 : i32
      %dma_wait3A_34 = arith.constant 0 : i32
      %dma_wait3A_35 = tpu.memref_slice %arg7[%dma_wait3A_33, %dma_wait3A_34] : memref<632x128xf32, #tpu.memory_space<hbm>> -> memref<632x128xf32, #tpu.memory_space<hbm>>
      tpu.wait_dma2 semaphore(%run_scoped3A : memref<!tpu.dma_semaphore, #tpu.memory_space<semaphore_mem>>) src(%dma_wait3A_35 : memref<632x128xf32, #tpu.memory_space<hbm>>) dst(%dma_wait3A_32 : memref<632x128xf32, #tpu.memory_space<vmem_shared>>)
      tpu.yield
    }) : () -> ()
    %lt3A = arith.constant 8 : i32
    %lt3A_3 = arith.cmpi slt, %arg1, %lt3A : i32
    %convert_element_type3A = arith.extui %lt3A_3 : i1 to i32
    %cond3A = arith.constant 0 : i32
    %cond3A_4 = arith.cmpi ne, %convert_element_type3A, %cond3A : i32
    scf.if %cond3A_4 {
      %mul3A_28 = arith.constant 632 : i32
      %mul3A_29 = arith.muli %arg1, %mul3A_28 : i32
      %add3A_30 = arith.constant 0 : i32
      %add3A_31 = arith.addi %add3A_30, %mul3A_29 : i32
      %mul3A_32 = arith.constant 632 : i32
      %mul3A_33 = arith.muli %arg1, %mul3A_32 : i32
      "tpu.region"() ({
        %run_scoped3A = tpu.sem_alloc : memref<!tpu.dma_semaphore, #tpu.memory_space<semaphore_mem>>
        %dma_start3A = arith.constant 0 : i32
        %dma_start3A_34 = tpu.memref_slice %arg10[%mul3A_33, %dma_start3A] : memref<5056x128xf32, #tpu.memory_space<vmem_shared>> -> memref<632x128xf32, #tpu.memory_space<vmem_shared>>
        %dma_start3A_35 = arith.constant 0 : i32
        %dma_start3A_36 = tpu.memref_slice %arg2[%add3A_31, %dma_start3A_35] : memref<10112x128xf32, #tpu.memory_space<hbm>> -> memref<632x128xf32, #tpu.memory_space<hbm>>
        tpu.enqueue_dma source(%dma_start3A_36 : memref<632x128xf32, #tpu.memory_space<hbm>>) target(%dma_start3A_34 : memref<632x128xf32, #tpu.memory_space<vmem_shared>>) target_semaphore(%run_scoped3A : memref<!tpu.dma_semaphore, #tpu.memory_space<semaphore_mem>>)
        %dma_wait3A = arith.constant 0 : i32
        %dma_wait3A_37 = tpu.memref_slice %arg10[%mul3A_33, %dma_wait3A] : memref<5056x128xf32, #tpu.memory_space<vmem_shared>> -> memref<632x128xf32, #tpu.memory_space<vmem_shared>>
        %dma_wait3A_38 = arith.constant 0 : i32
        %dma_wait3A_39 = tpu.memref_slice %arg2[%add3A_31, %dma_wait3A_38] : memref<10112x128xf32, #tpu.memory_space<hbm>> -> memref<632x128xf32, #tpu.memory_space<hbm>>
        tpu.wait_dma2 semaphore(%run_scoped3A : memref<!tpu.dma_semaphore, #tpu.memory_space<semaphore_mem>>) src(%dma_wait3A_39 : memref<632x128xf32, #tpu.memory_space<hbm>>) dst(%dma_wait3A_37 : memref<632x128xf32, #tpu.memory_space<vmem_shared>>)
        tpu.yield
      }) : () -> ()
    } else {
    }
    %barrier3A = arith.constant 0 : index
    tpu.barrier barrier_id(%barrier3A)
    %scan3A = arith.constant 0 : i32
    %scan3A_5 = arith.constant 0 : i32
    %scan3A_6 = arith.constant 53 : i32
    %scan3A_7 = arith.addi %scan3A_5, %scan3A_6 : i32
    %scan3A_8 = arith.constant 1 : i32
    scf.for %scan3A_28 = %scan3A_5 to %scan3A_7 step %scan3A_8  : i32 {
      %mul3A_29 = arith.constant 424 : i32
      %mul3A_30 = arith.muli %add3A, %mul3A_29 : i32
      %mul3A_31 = arith.constant 8 : i32
      %mul3A_32 = arith.muli %scan3A_28, %mul3A_31 : i32
      %add3A_33 = arith.addi %mul3A_30, %mul3A_32 : i32
      "tpu.region"() ({
        %run_scoped3A_67 = tpu.sem_alloc : memref<!tpu.dma_semaphore, #tpu.memory_space<semaphore_mem>>
        %dma_start3A_68 = arith.constant 0 : i32
        %dma_start3A_69 = tpu.memref_slice %arg3[%add3A_33, %dma_start3A_68] : memref<13568x24xi32, #tpu.memory_space<hbm>> -> memref<8x24xi32, #tpu.memory_space<hbm>>
        %dma_start3A_70 = arith.constant 0 : i32
        %dma_start3A_71 = tpu.memref_slice %arg3[%add3A_33, %dma_start3A_70] : memref<13568x24xi32, #tpu.memory_space<hbm>> -> memref<8x24xi32, #tpu.memory_space<hbm>>
        tpu.enqueue_dma source(%dma_start3A_71 : memref<8x24xi32, #tpu.memory_space<hbm>>) target(%arg11 : memref<8x24xi32, #tpu.memory_space<vmem>>) target_semaphore(%run_scoped3A_67 : memref<!tpu.dma_semaphore, #tpu.memory_space<semaphore_mem>>)
        %dma_wait3A_72 = arith.constant 0 : i32
        %dma_wait3A_73 = tpu.memref_slice %arg3[%add3A_33, %dma_wait3A_72] : memref<13568x24xi32, #tpu.memory_space<hbm>> -> memref<8x24xi32, #tpu.memory_space<hbm>>
        %dma_wait3A_74 = arith.constant 0 : i32
        %dma_wait3A_75 = tpu.memref_slice %arg3[%add3A_33, %dma_wait3A_74] : memref<13568x24xi32, #tpu.memory_space<hbm>> -> memref<8x24xi32, #tpu.memory_space<hbm>>
        tpu.wait_dma2 semaphore(%run_scoped3A_67 : memref<!tpu.dma_semaphore, #tpu.memory_space<semaphore_mem>>) src(%dma_wait3A_75 : memref<8x24xi32, #tpu.memory_space<hbm>>) dst(%arg11 : memref<8x24xi32, #tpu.memory_space<vmem>>)
        tpu.yield
      }) : () -> ()
      "tpu.region"() ({
        %run_scoped3A_67 = tpu.sem_alloc : memref<!tpu.dma_semaphore, #tpu.memory_space<semaphore_mem>>
        %dma_start3A_68 = arith.constant 0 : i32
        %dma_start3A_69 = tpu.memref_slice %arg4[%add3A_33, %dma_start3A_68] : memref<13568x24xi32, #tpu.memory_space<hbm>> -> memref<8x24xi32, #tpu.memory_space<hbm>>
        %dma_start3A_70 = arith.constant 0 : i32
        %dma_start3A_71 = tpu.memref_slice %arg4[%add3A_33, %dma_start3A_70] : memref<13568x24xi32, #tpu.memory_space<hbm>> -> memref<8x24xi32, #tpu.memory_space<hbm>>
        tpu.enqueue_dma source(%dma_start3A_71 : memref<8x24xi32, #tpu.memory_space<hbm>>) target(%arg12 : memref<8x24xi32, #tpu.memory_space<vmem>>) target_semaphore(%run_scoped3A_67 : memref<!tpu.dma_semaphore, #tpu.memory_space<semaphore_mem>>)
        %dma_wait3A_72 = arith.constant 0 : i32
        %dma_wait3A_73 = tpu.memref_slice %arg4[%add3A_33, %dma_wait3A_72] : memref<13568x24xi32, #tpu.memory_space<hbm>> -> memref<8x24xi32, #tpu.memory_space<hbm>>
        %dma_wait3A_74 = arith.constant 0 : i32
        %dma_wait3A_75 = tpu.memref_slice %arg4[%add3A_33, %dma_wait3A_74] : memref<13568x24xi32, #tpu.memory_space<hbm>> -> memref<8x24xi32, #tpu.memory_space<hbm>>
        tpu.wait_dma2 semaphore(%run_scoped3A_67 : memref<!tpu.dma_semaphore, #tpu.memory_space<semaphore_mem>>) src(%dma_wait3A_75 : memref<8x24xi32, #tpu.memory_space<hbm>>) dst(%arg12 : memref<8x24xi32, #tpu.memory_space<vmem>>)
        tpu.yield
      }) : () -> ()
      %dma_start3A = arith.constant 0 : i32
      %dma_start3A_34 = arith.constant 0 : i32
      %dma_start3A_35 = tpu.memref_slice %arg11[%dma_start3A, %dma_start3A_34] : memref<8x24xi32, #tpu.memory_space<vmem>> -> memref<1x24xi32, #tpu.memory_space<vmem>>
      %dma_start3A_36 = tpu.memref_squeeze %dma_start3A_35 : memref<1x24xi32, #tpu.memory_space<vmem>> -> memref<24xi32, #tpu.memory_space<vmem>>
      %dma_start3A_37 = arith.constant 0 : i32
      %dma_start3A_38 = arith.constant 0 : i32
      %dma_start3A_39 = tpu.memref_slice %arg10[%dma_start3A_37, %dma_start3A_38] : memref<5056x128xf32, #tpu.memory_space<vmem_shared>> -> memref<5056x128xf32, #tpu.memory_space<vmem_shared>>
      tpu.enqueue_indirect_dma source(%dma_start3A_39 : memref<5056x128xf32, #tpu.memory_space<vmem_shared>>) target(%arg13 : memref<24x128xf32, #tpu.memory_space<vmem>>) offsets(%dma_start3A_36 : memref<24xi32, #tpu.memory_space<vmem>>) semaphore(%arg15 : memref<!tpu.dma_semaphore, #tpu.memory_space<semaphore_mem>>)
      %scan3A_40 = arith.constant 0 : i32
      %scan3A_41 = arith.constant 0 : i32
      %scan3A_42 = arith.constant 3 : i32
      %scan3A_43 = arith.addi %scan3A_41, %scan3A_42 : i32
      %scan3A_44 = arith.constant 1 : i32
      scf.for %scan3A_67 = %scan3A_41 to %scan3A_43 step %scan3A_44  : i32 {
        %mul3A_68 = arith.constant 2 : i32
        %mul3A_69 = arith.muli %mul3A_68, %scan3A_67 : i32
        %add3A_70 = arith.constant 0 : i32
        %add3A_71 = arith.addi %mul3A_69, %add3A_70 : i32
        %dma_wait3A_72 = arith.constant 0 : i32
        %dma_wait3A_73 = tpu.memref_slice %arg11[%add3A_71, %dma_wait3A_72] : memref<8x24xi32, #tpu.memory_space<vmem>> -> memref<1x24xi32, #tpu.memory_space<vmem>>
        %dma_wait3A_74 = tpu.memref_squeeze %dma_wait3A_73 : memref<1x24xi32, #tpu.memory_space<vmem>> -> memref<24xi32, #tpu.memory_space<vmem>>
        %dma_wait3A_75 = arith.constant 0 : i32
        %dma_wait3A_76 = arith.constant 0 : i32
        %dma_wait3A_77 = tpu.memref_slice %arg10[%dma_wait3A_75, %dma_wait3A_76] : memref<5056x128xf32, #tpu.memory_space<vmem_shared>> -> memref<5056x128xf32, #tpu.memory_space<vmem_shared>>
        tpu.wait_indirect_dma semaphore(%arg15 : memref<!tpu.dma_semaphore, #tpu.memory_space<semaphore_mem>>) src(%dma_wait3A_77 : memref<5056x128xf32, #tpu.memory_space<vmem_shared>>) dst(%arg13 : memref<24x128xf32, #tpu.memory_space<vmem>>)
        %add3A_78 = arith.constant 1 : i32
        %add3A_79 = arith.addi %add3A_71, %add3A_78 : i32
        %dma_start3A_80 = arith.constant 0 : i32
        %dma_start3A_81 = tpu.memref_slice %arg11[%add3A_79, %dma_start3A_80] : memref<8x24xi32, #tpu.memory_space<vmem>> -> memref<1x24xi32, #tpu.memory_space<vmem>>
        %dma_start3A_82 = tpu.memref_squeeze %dma_start3A_81 : memref<1x24xi32, #tpu.memory_space<vmem>> -> memref<24xi32, #tpu.memory_space<vmem>>
        %dma_start3A_83 = arith.constant 0 : i32
        %dma_start3A_84 = arith.constant 0 : i32
        %dma_start3A_85 = tpu.memref_slice %arg10[%dma_start3A_83, %dma_start3A_84] : memref<5056x128xf32, #tpu.memory_space<vmem_shared>> -> memref<5056x128xf32, #tpu.memory_space<vmem_shared>>
        tpu.enqueue_indirect_dma source(%dma_start3A_85 : memref<5056x128xf32, #tpu.memory_space<vmem_shared>>) target(%arg14 : memref<24x128xf32, #tpu.memory_space<vmem>>) offsets(%dma_start3A_82 : memref<24xi32, #tpu.memory_space<vmem>>) semaphore(%arg16 : memref<!tpu.dma_semaphore, #tpu.memory_space<semaphore_mem>>)
        "tpu.region"() ({
          %run_scoped3A_104 = tpu.sem_alloc : memref<!tpu.dma_semaphore, #tpu.memory_space<semaphore_mem>>
          %dma_start3A_105 = arith.constant 0 : i32
          %dma_start3A_106 = tpu.memref_slice %arg12[%add3A_71, %dma_start3A_105] : memref<8x24xi32, #tpu.memory_space<vmem>> -> memref<1x24xi32, #tpu.memory_space<vmem>>
          %dma_start3A_107 = tpu.memref_squeeze %dma_start3A_106 : memref<1x24xi32, #tpu.memory_space<vmem>> -> memref<24xi32, #tpu.memory_space<vmem>>
          %dma_start3A_108 = arith.constant 0 : i32
          %dma_start3A_109 = arith.constant 0 : i32
          %dma_start3A_110 = tpu.memref_slice %arg9[%dma_start3A_108, %dma_start3A_109] : memref<10112x128xf32, #tpu.memory_space<vmem_shared>> -> memref<10112x128xf32, #tpu.memory_space<vmem_shared>>
          tpu.enqueue_indirect_dma source(%arg13 : memref<24x128xf32, #tpu.memory_space<vmem>>) target(%dma_start3A_110 : memref<10112x128xf32, #tpu.memory_space<vmem_shared>>) offsets(%dma_start3A_107 : memref<24xi32, #tpu.memory_space<vmem>>) semaphore(%run_scoped3A_104 : memref<!tpu.dma_semaphore, #tpu.memory_space<semaphore_mem>>) {add = true}
          %dma_wait3A_111 = arith.constant 0 : i32
          %dma_wait3A_112 = tpu.memref_slice %arg12[%add3A_71, %dma_wait3A_111] : memref<8x24xi32, #tpu.memory_space<vmem>> -> memref<1x24xi32, #tpu.memory_space<vmem>>
          %dma_wait3A_113 = tpu.memref_squeeze %dma_wait3A_112 : memref<1x24xi32, #tpu.memory_space<vmem>> -> memref<24xi32, #tpu.memory_space<vmem>>
          %dma_wait3A_114 = arith.constant 0 : i32
          %dma_wait3A_115 = arith.constant 0 : i32
          %dma_wait3A_116 = tpu.memref_slice %arg9[%dma_wait3A_114, %dma_wait3A_115] : memref<10112x128xf32, #tpu.memory_space<vmem_shared>> -> memref<10112x128xf32, #tpu.memory_space<vmem_shared>>
          tpu.wait_indirect_dma semaphore(%run_scoped3A_104 : memref<!tpu.dma_semaphore, #tpu.memory_space<semaphore_mem>>) src(%arg13 : memref<24x128xf32, #tpu.memory_space<vmem>>) dst(%dma_wait3A_116 : memref<10112x128xf32, #tpu.memory_space<vmem_shared>>)
          tpu.yield
        }) : () -> ()
        %mul3A_86 = arith.constant 2 : i32
        %mul3A_87 = arith.muli %mul3A_86, %scan3A_67 : i32
        %add3A_88 = arith.constant 1 : i32
        %add3A_89 = arith.addi %mul3A_87, %add3A_88 : i32
        %dma_wait3A_90 = arith.constant 0 : i32
        %dma_wait3A_91 = tpu.memref_slice %arg11[%add3A_89, %dma_wait3A_90] : memref<8x24xi32, #tpu.memory_space<vmem>> -> memref<1x24xi32, #tpu.memory_space<vmem>>
        %dma_wait3A_92 = tpu.memref_squeeze %dma_wait3A_91 : memref<1x24xi32, #tpu.memory_space<vmem>> -> memref<24xi32, #tpu.memory_space<vmem>>
        %dma_wait3A_93 = arith.constant 0 : i32
        %dma_wait3A_94 = arith.constant 0 : i32
        %dma_wait3A_95 = tpu.memref_slice %arg10[%dma_wait3A_93, %dma_wait3A_94] : memref<5056x128xf32, #tpu.memory_space<vmem_shared>> -> memref<5056x128xf32, #tpu.memory_space<vmem_shared>>
        tpu.wait_indirect_dma semaphore(%arg16 : memref<!tpu.dma_semaphore, #tpu.memory_space<semaphore_mem>>) src(%dma_wait3A_95 : memref<5056x128xf32, #tpu.memory_space<vmem_shared>>) dst(%arg14 : memref<24x128xf32, #tpu.memory_space<vmem>>)
        %add3A_96 = arith.constant 1 : i32
        %add3A_97 = arith.addi %add3A_89, %add3A_96 : i32
        %dma_start3A_98 = arith.constant 0 : i32
        %dma_start3A_99 = tpu.memref_slice %arg11[%add3A_97, %dma_start3A_98] : memref<8x24xi32, #tpu.memory_space<vmem>> -> memref<1x24xi32, #tpu.memory_space<vmem>>
        %dma_start3A_100 = tpu.memref_squeeze %dma_start3A_99 : memref<1x24xi32, #tpu.memory_space<vmem>> -> memref<24xi32, #tpu.memory_space<vmem>>
        %dma_start3A_101 = arith.constant 0 : i32
        %dma_start3A_102 = arith.constant 0 : i32
        %dma_start3A_103 = tpu.memref_slice %arg10[%dma_start3A_101, %dma_start3A_102] : memref<5056x128xf32, #tpu.memory_space<vmem_shared>> -> memref<5056x128xf32, #tpu.memory_space<vmem_shared>>
        tpu.enqueue_indirect_dma source(%dma_start3A_103 : memref<5056x128xf32, #tpu.memory_space<vmem_shared>>) target(%arg13 : memref<24x128xf32, #tpu.memory_space<vmem>>) offsets(%dma_start3A_100 : memref<24xi32, #tpu.memory_space<vmem>>) semaphore(%arg15 : memref<!tpu.dma_semaphore, #tpu.memory_space<semaphore_mem>>)
        "tpu.region"() ({
          %run_scoped3A_104 = tpu.sem_alloc : memref<!tpu.dma_semaphore, #tpu.memory_space<semaphore_mem>>
          %dma_start3A_105 = arith.constant 0 : i32
          %dma_start3A_106 = tpu.memref_slice %arg12[%add3A_89, %dma_start3A_105] : memref<8x24xi32, #tpu.memory_space<vmem>> -> memref<1x24xi32, #tpu.memory_space<vmem>>
          %dma_start3A_107 = tpu.memref_squeeze %dma_start3A_106 : memref<1x24xi32, #tpu.memory_space<vmem>> -> memref<24xi32, #tpu.memory_space<vmem>>
          %dma_start3A_108 = arith.constant 0 : i32
          %dma_start3A_109 = arith.constant 0 : i32
          %dma_start3A_110 = tpu.memref_slice %arg9[%dma_start3A_108, %dma_start3A_109] : memref<10112x128xf32, #tpu.memory_space<vmem_shared>> -> memref<10112x128xf32, #tpu.memory_space<vmem_shared>>
          tpu.enqueue_indirect_dma source(%arg14 : memref<24x128xf32, #tpu.memory_space<vmem>>) target(%dma_start3A_110 : memref<10112x128xf32, #tpu.memory_space<vmem_shared>>) offsets(%dma_start3A_107 : memref<24xi32, #tpu.memory_space<vmem>>) semaphore(%run_scoped3A_104 : memref<!tpu.dma_semaphore, #tpu.memory_space<semaphore_mem>>) {add = true}
          %dma_wait3A_111 = arith.constant 0 : i32
          %dma_wait3A_112 = tpu.memref_slice %arg12[%add3A_89, %dma_wait3A_111] : memref<8x24xi32, #tpu.memory_space<vmem>> -> memref<1x24xi32, #tpu.memory_space<vmem>>
          %dma_wait3A_113 = tpu.memref_squeeze %dma_wait3A_112 : memref<1x24xi32, #tpu.memory_space<vmem>> -> memref<24xi32, #tpu.memory_space<vmem>>
          %dma_wait3A_114 = arith.constant 0 : i32
          %dma_wait3A_115 = arith.constant 0 : i32
          %dma_wait3A_116 = tpu.memref_slice %arg9[%dma_wait3A_114, %dma_wait3A_115] : memref<10112x128xf32, #tpu.memory_space<vmem_shared>> -> memref<10112x128xf32, #tpu.memory_space<vmem_shared>>
          tpu.wait_indirect_dma semaphore(%run_scoped3A_104 : memref<!tpu.dma_semaphore, #tpu.memory_space<semaphore_mem>>) src(%arg14 : memref<24x128xf32, #tpu.memory_space<vmem>>) dst(%dma_wait3A_116 : memref<10112x128xf32, #tpu.memory_space<vmem_shared>>)
          tpu.yield
        }) : () -> ()
      }
      %scan3A_45 = arith.constant 3 : i32
      %dma_wait3A = arith.constant 6 : i32
      %dma_wait3A_46 = arith.constant 0 : i32
      %dma_wait3A_47 = tpu.memref_slice %arg11[%dma_wait3A, %dma_wait3A_46] : memref<8x24xi32, #tpu.memory_space<vmem>> -> memref<1x24xi32, #tpu.memory_space<vmem>>
      %dma_wait3A_48 = tpu.memref_squeeze %dma_wait3A_47 : memref<1x24xi32, #tpu.memory_space<vmem>> -> memref<24xi32, #tpu.memory_space<vmem>>
      %dma_wait3A_49 = arith.constant 0 : i32
      %dma_wait3A_50 = arith.constant 0 : i32
      %dma_wait3A_51 = tpu.memref_slice %arg10[%dma_wait3A_49, %dma_wait3A_50] : memref<5056x128xf32, #tpu.memory_space<vmem_shared>> -> memref<5056x128xf32, #tpu.memory_space<vmem_shared>>
      tpu.wait_indirect_dma semaphore(%arg15 : memref<!tpu.dma_semaphore, #tpu.memory_space<semaphore_mem>>) src(%dma_wait3A_51 : memref<5056x128xf32, #tpu.memory_space<vmem_shared>>) dst(%arg13 : memref<24x128xf32, #tpu.memory_space<vmem>>)
      %dma_start3A_52 = arith.constant 7 : i32
      %dma_start3A_53 = arith.constant 0 : i32
      %dma_start3A_54 = tpu.memref_slice %arg11[%dma_start3A_52, %dma_start3A_53] : memref<8x24xi32, #tpu.memory_space<vmem>> -> memref<1x24xi32, #tpu.memory_space<vmem>>
      %dma_start3A_55 = tpu.memref_squeeze %dma_start3A_54 : memref<1x24xi32, #tpu.memory_space<vmem>> -> memref<24xi32, #tpu.memory_space<vmem>>
      %dma_start3A_56 = arith.constant 0 : i32
      %dma_start3A_57 = arith.constant 0 : i32
      %dma_start3A_58 = tpu.memref_slice %arg10[%dma_start3A_56, %dma_start3A_57] : memref<5056x128xf32, #tpu.memory_space<vmem_shared>> -> memref<5056x128xf32, #tpu.memory_space<vmem_shared>>
      tpu.enqueue_indirect_dma source(%dma_start3A_58 : memref<5056x128xf32, #tpu.memory_space<vmem_shared>>) target(%arg14 : memref<24x128xf32, #tpu.memory_space<vmem>>) offsets(%dma_start3A_55 : memref<24xi32, #tpu.memory_space<vmem>>) semaphore(%arg16 : memref<!tpu.dma_semaphore, #tpu.memory_space<semaphore_mem>>)
      %run_scoped3A = arith.constant 6 : i32
      "tpu.region"() ({
        %run_scoped3A_67 = tpu.sem_alloc : memref<!tpu.dma_semaphore, #tpu.memory_space<semaphore_mem>>
        %dma_start3A_68 = arith.constant 0 : i32
        %dma_start3A_69 = tpu.memref_slice %arg12[%run_scoped3A, %dma_start3A_68] : memref<8x24xi32, #tpu.memory_space<vmem>> -> memref<1x24xi32, #tpu.memory_space<vmem>>
        %dma_start3A_70 = tpu.memref_squeeze %dma_start3A_69 : memref<1x24xi32, #tpu.memory_space<vmem>> -> memref<24xi32, #tpu.memory_space<vmem>>
        %dma_start3A_71 = arith.constant 0 : i32
        %dma_start3A_72 = arith.constant 0 : i32
        %dma_start3A_73 = tpu.memref_slice %arg9[%dma_start3A_71, %dma_start3A_72] : memref<10112x128xf32, #tpu.memory_space<vmem_shared>> -> memref<10112x128xf32, #tpu.memory_space<vmem_shared>>
        tpu.enqueue_indirect_dma source(%arg13 : memref<24x128xf32, #tpu.memory_space<vmem>>) target(%dma_start3A_73 : memref<10112x128xf32, #tpu.memory_space<vmem_shared>>) offsets(%dma_start3A_70 : memref<24xi32, #tpu.memory_space<vmem>>) semaphore(%run_scoped3A_67 : memref<!tpu.dma_semaphore, #tpu.memory_space<semaphore_mem>>) {add = true}
        %dma_wait3A_74 = arith.constant 0 : i32
        %dma_wait3A_75 = tpu.memref_slice %arg12[%run_scoped3A, %dma_wait3A_74] : memref<8x24xi32, #tpu.memory_space<vmem>> -> memref<1x24xi32, #tpu.memory_space<vmem>>
        %dma_wait3A_76 = tpu.memref_squeeze %dma_wait3A_75 : memref<1x24xi32, #tpu.memory_space<vmem>> -> memref<24xi32, #tpu.memory_space<vmem>>
        %dma_wait3A_77 = arith.constant 0 : i32
        %dma_wait3A_78 = arith.constant 0 : i32
        %dma_wait3A_79 = tpu.memref_slice %arg9[%dma_wait3A_77, %dma_wait3A_78] : memref<10112x128xf32, #tpu.memory_space<vmem_shared>> -> memref<10112x128xf32, #tpu.memory_space<vmem_shared>>
        tpu.wait_indirect_dma semaphore(%run_scoped3A_67 : memref<!tpu.dma_semaphore, #tpu.memory_space<semaphore_mem>>) src(%arg13 : memref<24x128xf32, #tpu.memory_space<vmem>>) dst(%dma_wait3A_79 : memref<10112x128xf32, #tpu.memory_space<vmem_shared>>)
        tpu.yield
      }) : () -> ()
      %dma_wait3A_59 = arith.constant 7 : i32
      %dma_wait3A_60 = arith.constant 0 : i32
      %dma_wait3A_61 = tpu.memref_slice %arg11[%dma_wait3A_59, %dma_wait3A_60] : memref<8x24xi32, #tpu.memory_space<vmem>> -> memref<1x24xi32, #tpu.memory_space<vmem>>
      %dma_wait3A_62 = tpu.memref_squeeze %dma_wait3A_61 : memref<1x24xi32, #tpu.memory_space<vmem>> -> memref<24xi32, #tpu.memory_space<vmem>>
      %dma_wait3A_63 = arith.constant 0 : i32
      %dma_wait3A_64 = arith.constant 0 : i32
      %dma_wait3A_65 = tpu.memref_slice %arg10[%dma_wait3A_63, %dma_wait3A_64] : memref<5056x128xf32, #tpu.memory_space<vmem_shared>> -> memref<5056x128xf32, #tpu.memory_space<vmem_shared>>
      tpu.wait_indirect_dma semaphore(%arg16 : memref<!tpu.dma_semaphore, #tpu.memory_space<semaphore_mem>>) src(%dma_wait3A_65 : memref<5056x128xf32, #tpu.memory_space<vmem_shared>>) dst(%arg14 : memref<24x128xf32, #tpu.memory_space<vmem>>)
      %run_scoped3A_66 = arith.constant 7 : i32
      "tpu.region"() ({
        %run_scoped3A_67 = tpu.sem_alloc : memref<!tpu.dma_semaphore, #tpu.memory_space<semaphore_mem>>
        %dma_start3A_68 = arith.constant 0 : i32
        %dma_start3A_69 = tpu.memref_slice %arg12[%run_scoped3A_66, %dma_start3A_68] : memref<8x24xi32, #tpu.memory_space<vmem>> -> memref<1x24xi32, #tpu.memory_space<vmem>>
        %dma_start3A_70 = tpu.memref_squeeze %dma_start3A_69 : memref<1x24xi32, #tpu.memory_space<vmem>> -> memref<24xi32, #tpu.memory_space<vmem>>
        %dma_start3A_71 = arith.constant 0 : i32
        %dma_start3A_72 = arith.constant 0 : i32
        %dma_start3A_73 = tpu.memref_slice %arg9[%dma_start3A_71, %dma_start3A_72] : memref<10112x128xf32, #tpu.memory_space<vmem_shared>> -> memref<10112x128xf32, #tpu.memory_space<vmem_shared>>
        tpu.enqueue_indirect_dma source(%arg14 : memref<24x128xf32, #tpu.memory_space<vmem>>) target(%dma_start3A_73 : memref<10112x128xf32, #tpu.memory_space<vmem_shared>>) offsets(%dma_start3A_70 : memref<24xi32, #tpu.memory_space<vmem>>) semaphore(%run_scoped3A_67 : memref<!tpu.dma_semaphore, #tpu.memory_space<semaphore_mem>>) {add = true}
        %dma_wait3A_74 = arith.constant 0 : i32
        %dma_wait3A_75 = tpu.memref_slice %arg12[%run_scoped3A_66, %dma_wait3A_74] : memref<8x24xi32, #tpu.memory_space<vmem>> -> memref<1x24xi32, #tpu.memory_space<vmem>>
        %dma_wait3A_76 = tpu.memref_squeeze %dma_wait3A_75 : memref<1x24xi32, #tpu.memory_space<vmem>> -> memref<24xi32, #tpu.memory_space<vmem>>
        %dma_wait3A_77 = arith.constant 0 : i32
        %dma_wait3A_78 = arith.constant 0 : i32
        %dma_wait3A_79 = tpu.memref_slice %arg9[%dma_wait3A_77, %dma_wait3A_78] : memref<10112x128xf32, #tpu.memory_space<vmem_shared>> -> memref<10112x128xf32, #tpu.memory_space<vmem_shared>>
        tpu.wait_indirect_dma semaphore(%run_scoped3A_67 : memref<!tpu.dma_semaphore, #tpu.memory_space<semaphore_mem>>) src(%arg14 : memref<24x128xf32, #tpu.memory_space<vmem>>) dst(%dma_wait3A_79 : memref<10112x128xf32, #tpu.memory_space<vmem_shared>>)
        tpu.yield
      }) : () -> ()
    }
    %scan3A_9 = arith.constant 53 : i32
    %barrier3A_10 = arith.constant 0 : index
    tpu.barrier barrier_id(%barrier3A_10)
    %lt3A_11 = arith.constant 8 : i32
    %lt3A_12 = arith.cmpi slt, %arg1, %lt3A_11 : i32
    %convert_element_type3A_13 = arith.extui %lt3A_12 : i1 to i32
    %cond3A_14 = arith.constant 0 : i32
    %cond3A_15 = arith.cmpi ne, %convert_element_type3A_13, %cond3A_14 : i32
    scf.if %cond3A_15 {
      %mul3A_28 = arith.constant 632 : i32
      %mul3A_29 = arith.muli %arg1, %mul3A_28 : i32
      %add3A_30 = arith.constant 5056 : i32
      %add3A_31 = arith.addi %add3A_30, %mul3A_29 : i32
      %mul3A_32 = arith.constant 632 : i32
      %mul3A_33 = arith.muli %arg1, %mul3A_32 : i32
      "tpu.region"() ({
        %run_scoped3A = tpu.sem_alloc : memref<!tpu.dma_semaphore, #tpu.memory_space<semaphore_mem>>
        %dma_start3A = arith.constant 0 : i32
        %dma_start3A_34 = tpu.memref_slice %arg10[%mul3A_33, %dma_start3A] : memref<5056x128xf32, #tpu.memory_space<vmem_shared>> -> memref<632x128xf32, #tpu.memory_space<vmem_shared>>
        %dma_start3A_35 = arith.constant 0 : i32
        %dma_start3A_36 = tpu.memref_slice %arg2[%add3A_31, %dma_start3A_35] : memref<10112x128xf32, #tpu.memory_space<hbm>> -> memref<632x128xf32, #tpu.memory_space<hbm>>
        tpu.enqueue_dma source(%dma_start3A_36 : memref<632x128xf32, #tpu.memory_space<hbm>>) target(%dma_start3A_34 : memref<632x128xf32, #tpu.memory_space<vmem_shared>>) target_semaphore(%run_scoped3A : memref<!tpu.dma_semaphore, #tpu.memory_space<semaphore_mem>>)
        %dma_wait3A = arith.constant 0 : i32
        %dma_wait3A_37 = tpu.memref_slice %arg10[%mul3A_33, %dma_wait3A] : memref<5056x128xf32, #tpu.memory_space<vmem_shared>> -> memref<632x128xf32, #tpu.memory_space<vmem_shared>>
        %dma_wait3A_38 = arith.constant 0 : i32
        %dma_wait3A_39 = tpu.memref_slice %arg2[%add3A_31, %dma_wait3A_38] : memref<10112x128xf32, #tpu.memory_space<hbm>> -> memref<632x128xf32, #tpu.memory_space<hbm>>
        tpu.wait_dma2 semaphore(%run_scoped3A : memref<!tpu.dma_semaphore, #tpu.memory_space<semaphore_mem>>) src(%dma_wait3A_39 : memref<632x128xf32, #tpu.memory_space<hbm>>) dst(%dma_wait3A_37 : memref<632x128xf32, #tpu.memory_space<vmem_shared>>)
        tpu.yield
      }) : () -> ()
    } else {
    }
    %barrier3A_16 = arith.constant 0 : index
    tpu.barrier barrier_id(%barrier3A_16)
    %scan3A_17 = arith.constant 0 : i32
    %scan3A_18 = arith.constant 0 : i32
    %scan3A_19 = arith.constant 53 : i32
    %scan3A_20 = arith.addi %scan3A_18, %scan3A_19 : i32
    %scan3A_21 = arith.constant 1 : i32
    scf.for %scan3A_28 = %scan3A_18 to %scan3A_20 step %scan3A_21  : i32 {
      %mul3A_29 = arith.constant 424 : i32
      %mul3A_30 = arith.muli %add3A, %mul3A_29 : i32
      %mul3A_31 = arith.constant 8 : i32
      %mul3A_32 = arith.muli %scan3A_28, %mul3A_31 : i32
      %add3A_33 = arith.addi %mul3A_30, %mul3A_32 : i32
      "tpu.region"() ({
        %run_scoped3A_67 = tpu.sem_alloc : memref<!tpu.dma_semaphore, #tpu.memory_space<semaphore_mem>>
        %dma_start3A_68 = arith.constant 0 : i32
        %dma_start3A_69 = tpu.memref_slice %arg5[%add3A_33, %dma_start3A_68] : memref<13568x24xi32, #tpu.memory_space<hbm>> -> memref<8x24xi32, #tpu.memory_space<hbm>>
        %dma_start3A_70 = arith.constant 0 : i32
        %dma_start3A_71 = tpu.memref_slice %arg5[%add3A_33, %dma_start3A_70] : memref<13568x24xi32, #tpu.memory_space<hbm>> -> memref<8x24xi32, #tpu.memory_space<hbm>>
        tpu.enqueue_dma source(%dma_start3A_71 : memref<8x24xi32, #tpu.memory_space<hbm>>) target(%arg11 : memref<8x24xi32, #tpu.memory_space<vmem>>) target_semaphore(%run_scoped3A_67 : memref<!tpu.dma_semaphore, #tpu.memory_space<semaphore_mem>>)
        %dma_wait3A_72 = arith.constant 0 : i32
        %dma_wait3A_73 = tpu.memref_slice %arg5[%add3A_33, %dma_wait3A_72] : memref<13568x24xi32, #tpu.memory_space<hbm>> -> memref<8x24xi32, #tpu.memory_space<hbm>>
        %dma_wait3A_74 = arith.constant 0 : i32
        %dma_wait3A_75 = tpu.memref_slice %arg5[%add3A_33, %dma_wait3A_74] : memref<13568x24xi32, #tpu.memory_space<hbm>> -> memref<8x24xi32, #tpu.memory_space<hbm>>
        tpu.wait_dma2 semaphore(%run_scoped3A_67 : memref<!tpu.dma_semaphore, #tpu.memory_space<semaphore_mem>>) src(%dma_wait3A_75 : memref<8x24xi32, #tpu.memory_space<hbm>>) dst(%arg11 : memref<8x24xi32, #tpu.memory_space<vmem>>)
        tpu.yield
      }) : () -> ()
      "tpu.region"() ({
        %run_scoped3A_67 = tpu.sem_alloc : memref<!tpu.dma_semaphore, #tpu.memory_space<semaphore_mem>>
        %dma_start3A_68 = arith.constant 0 : i32
        %dma_start3A_69 = tpu.memref_slice %arg6[%add3A_33, %dma_start3A_68] : memref<13568x24xi32, #tpu.memory_space<hbm>> -> memref<8x24xi32, #tpu.memory_space<hbm>>
        %dma_start3A_70 = arith.constant 0 : i32
        %dma_start3A_71 = tpu.memref_slice %arg6[%add3A_33, %dma_start3A_70] : memref<13568x24xi32, #tpu.memory_space<hbm>> -> memref<8x24xi32, #tpu.memory_space<hbm>>
        tpu.enqueue_dma source(%dma_start3A_71 : memref<8x24xi32, #tpu.memory_space<hbm>>) target(%arg12 : memref<8x24xi32, #tpu.memory_space<vmem>>) target_semaphore(%run_scoped3A_67 : memref<!tpu.dma_semaphore, #tpu.memory_space<semaphore_mem>>)
        %dma_wait3A_72 = arith.constant 0 : i32
        %dma_wait3A_73 = tpu.memref_slice %arg6[%add3A_33, %dma_wait3A_72] : memref<13568x24xi32, #tpu.memory_space<hbm>> -> memref<8x24xi32, #tpu.memory_space<hbm>>
        %dma_wait3A_74 = arith.constant 0 : i32
        %dma_wait3A_75 = tpu.memref_slice %arg6[%add3A_33, %dma_wait3A_74] : memref<13568x24xi32, #tpu.memory_space<hbm>> -> memref<8x24xi32, #tpu.memory_space<hbm>>
        tpu.wait_dma2 semaphore(%run_scoped3A_67 : memref<!tpu.dma_semaphore, #tpu.memory_space<semaphore_mem>>) src(%dma_wait3A_75 : memref<8x24xi32, #tpu.memory_space<hbm>>) dst(%arg12 : memref<8x24xi32, #tpu.memory_space<vmem>>)
        tpu.yield
      }) : () -> ()
      %dma_start3A = arith.constant 0 : i32
      %dma_start3A_34 = arith.constant 0 : i32
      %dma_start3A_35 = tpu.memref_slice %arg11[%dma_start3A, %dma_start3A_34] : memref<8x24xi32, #tpu.memory_space<vmem>> -> memref<1x24xi32, #tpu.memory_space<vmem>>
      %dma_start3A_36 = tpu.memref_squeeze %dma_start3A_35 : memref<1x24xi32, #tpu.memory_space<vmem>> -> memref<24xi32, #tpu.memory_space<vmem>>
      %dma_start3A_37 = arith.constant 0 : i32
      %dma_start3A_38 = arith.constant 0 : i32
      %dma_start3A_39 = tpu.memref_slice %arg10[%dma_start3A_37, %dma_start3A_38] : memref<5056x128xf32, #tpu.memory_space<vmem_shared>> -> memref<5056x128xf32, #tpu.memory_space<vmem_shared>>
      tpu.enqueue_indirect_dma source(%dma_start3A_39 : memref<5056x128xf32, #tpu.memory_space<vmem_shared>>) target(%arg13 : memref<24x128xf32, #tpu.memory_space<vmem>>) offsets(%dma_start3A_36 : memref<24xi32, #tpu.memory_space<vmem>>) semaphore(%arg15 : memref<!tpu.dma_semaphore, #tpu.memory_space<semaphore_mem>>)
      %scan3A_40 = arith.constant 0 : i32
      %scan3A_41 = arith.constant 0 : i32
      %scan3A_42 = arith.constant 3 : i32
      %scan3A_43 = arith.addi %scan3A_41, %scan3A_42 : i32
      %scan3A_44 = arith.constant 1 : i32
      scf.for %scan3A_67 = %scan3A_41 to %scan3A_43 step %scan3A_44  : i32 {
        %mul3A_68 = arith.constant 2 : i32
        %mul3A_69 = arith.muli %mul3A_68, %scan3A_67 : i32
        %add3A_70 = arith.constant 0 : i32
        %add3A_71 = arith.addi %mul3A_69, %add3A_70 : i32
        %dma_wait3A_72 = arith.constant 0 : i32
        %dma_wait3A_73 = tpu.memref_slice %arg11[%add3A_71, %dma_wait3A_72] : memref<8x24xi32, #tpu.memory_space<vmem>> -> memref<1x24xi32, #tpu.memory_space<vmem>>
        %dma_wait3A_74 = tpu.memref_squeeze %dma_wait3A_73 : memref<1x24xi32, #tpu.memory_space<vmem>> -> memref<24xi32, #tpu.memory_space<vmem>>
        %dma_wait3A_75 = arith.constant 0 : i32
        %dma_wait3A_76 = arith.constant 0 : i32
        %dma_wait3A_77 = tpu.memref_slice %arg10[%dma_wait3A_75, %dma_wait3A_76] : memref<5056x128xf32, #tpu.memory_space<vmem_shared>> -> memref<5056x128xf32, #tpu.memory_space<vmem_shared>>
        tpu.wait_indirect_dma semaphore(%arg15 : memref<!tpu.dma_semaphore, #tpu.memory_space<semaphore_mem>>) src(%dma_wait3A_77 : memref<5056x128xf32, #tpu.memory_space<vmem_shared>>) dst(%arg13 : memref<24x128xf32, #tpu.memory_space<vmem>>)
        %add3A_78 = arith.constant 1 : i32
        %add3A_79 = arith.addi %add3A_71, %add3A_78 : i32
        %dma_start3A_80 = arith.constant 0 : i32
        %dma_start3A_81 = tpu.memref_slice %arg11[%add3A_79, %dma_start3A_80] : memref<8x24xi32, #tpu.memory_space<vmem>> -> memref<1x24xi32, #tpu.memory_space<vmem>>
        %dma_start3A_82 = tpu.memref_squeeze %dma_start3A_81 : memref<1x24xi32, #tpu.memory_space<vmem>> -> memref<24xi32, #tpu.memory_space<vmem>>
        %dma_start3A_83 = arith.constant 0 : i32
        %dma_start3A_84 = arith.constant 0 : i32
        %dma_start3A_85 = tpu.memref_slice %arg10[%dma_start3A_83, %dma_start3A_84] : memref<5056x128xf32, #tpu.memory_space<vmem_shared>> -> memref<5056x128xf32, #tpu.memory_space<vmem_shared>>
        tpu.enqueue_indirect_dma source(%dma_start3A_85 : memref<5056x128xf32, #tpu.memory_space<vmem_shared>>) target(%arg14 : memref<24x128xf32, #tpu.memory_space<vmem>>) offsets(%dma_start3A_82 : memref<24xi32, #tpu.memory_space<vmem>>) semaphore(%arg16 : memref<!tpu.dma_semaphore, #tpu.memory_space<semaphore_mem>>)
        "tpu.region"() ({
          %run_scoped3A_104 = tpu.sem_alloc : memref<!tpu.dma_semaphore, #tpu.memory_space<semaphore_mem>>
          %dma_start3A_105 = arith.constant 0 : i32
          %dma_start3A_106 = tpu.memref_slice %arg12[%add3A_71, %dma_start3A_105] : memref<8x24xi32, #tpu.memory_space<vmem>> -> memref<1x24xi32, #tpu.memory_space<vmem>>
          %dma_start3A_107 = tpu.memref_squeeze %dma_start3A_106 : memref<1x24xi32, #tpu.memory_space<vmem>> -> memref<24xi32, #tpu.memory_space<vmem>>
          %dma_start3A_108 = arith.constant 0 : i32
          %dma_start3A_109 = arith.constant 0 : i32
          %dma_start3A_110 = tpu.memref_slice %arg9[%dma_start3A_108, %dma_start3A_109] : memref<10112x128xf32, #tpu.memory_space<vmem_shared>> -> memref<10112x128xf32, #tpu.memory_space<vmem_shared>>
          tpu.enqueue_indirect_dma source(%arg13 : memref<24x128xf32, #tpu.memory_space<vmem>>) target(%dma_start3A_110 : memref<10112x128xf32, #tpu.memory_space<vmem_shared>>) offsets(%dma_start3A_107 : memref<24xi32, #tpu.memory_space<vmem>>) semaphore(%run_scoped3A_104 : memref<!tpu.dma_semaphore, #tpu.memory_space<semaphore_mem>>) {add = true}
          %dma_wait3A_111 = arith.constant 0 : i32
          %dma_wait3A_112 = tpu.memref_slice %arg12[%add3A_71, %dma_wait3A_111] : memref<8x24xi32, #tpu.memory_space<vmem>> -> memref<1x24xi32, #tpu.memory_space<vmem>>
          %dma_wait3A_113 = tpu.memref_squeeze %dma_wait3A_112 : memref<1x24xi32, #tpu.memory_space<vmem>> -> memref<24xi32, #tpu.memory_space<vmem>>
          %dma_wait3A_114 = arith.constant 0 : i32
          %dma_wait3A_115 = arith.constant 0 : i32
          %dma_wait3A_116 = tpu.memref_slice %arg9[%dma_wait3A_114, %dma_wait3A_115] : memref<10112x128xf32, #tpu.memory_space<vmem_shared>> -> memref<10112x128xf32, #tpu.memory_space<vmem_shared>>
          tpu.wait_indirect_dma semaphore(%run_scoped3A_104 : memref<!tpu.dma_semaphore, #tpu.memory_space<semaphore_mem>>) src(%arg13 : memref<24x128xf32, #tpu.memory_space<vmem>>) dst(%dma_wait3A_116 : memref<10112x128xf32, #tpu.memory_space<vmem_shared>>)
          tpu.yield
        }) : () -> ()
        %mul3A_86 = arith.constant 2 : i32
        %mul3A_87 = arith.muli %mul3A_86, %scan3A_67 : i32
        %add3A_88 = arith.constant 1 : i32
        %add3A_89 = arith.addi %mul3A_87, %add3A_88 : i32
        %dma_wait3A_90 = arith.constant 0 : i32
        %dma_wait3A_91 = tpu.memref_slice %arg11[%add3A_89, %dma_wait3A_90] : memref<8x24xi32, #tpu.memory_space<vmem>> -> memref<1x24xi32, #tpu.memory_space<vmem>>
        %dma_wait3A_92 = tpu.memref_squeeze %dma_wait3A_91 : memref<1x24xi32, #tpu.memory_space<vmem>> -> memref<24xi32, #tpu.memory_space<vmem>>
        %dma_wait3A_93 = arith.constant 0 : i32
        %dma_wait3A_94 = arith.constant 0 : i32
        %dma_wait3A_95 = tpu.memref_slice %arg10[%dma_wait3A_93, %dma_wait3A_94] : memref<5056x128xf32, #tpu.memory_space<vmem_shared>> -> memref<5056x128xf32, #tpu.memory_space<vmem_shared>>
        tpu.wait_indirect_dma semaphore(%arg16 : memref<!tpu.dma_semaphore, #tpu.memory_space<semaphore_mem>>) src(%dma_wait3A_95 : memref<5056x128xf32, #tpu.memory_space<vmem_shared>>) dst(%arg14 : memref<24x128xf32, #tpu.memory_space<vmem>>)
        %add3A_96 = arith.constant 1 : i32
        %add3A_97 = arith.addi %add3A_89, %add3A_96 : i32
        %dma_start3A_98 = arith.constant 0 : i32
        %dma_start3A_99 = tpu.memref_slice %arg11[%add3A_97, %dma_start3A_98] : memref<8x24xi32, #tpu.memory_space<vmem>> -> memref<1x24xi32, #tpu.memory_space<vmem>>
        %dma_start3A_100 = tpu.memref_squeeze %dma_start3A_99 : memref<1x24xi32, #tpu.memory_space<vmem>> -> memref<24xi32, #tpu.memory_space<vmem>>
        %dma_start3A_101 = arith.constant 0 : i32
        %dma_start3A_102 = arith.constant 0 : i32
        %dma_start3A_103 = tpu.memref_slice %arg10[%dma_start3A_101, %dma_start3A_102] : memref<5056x128xf32, #tpu.memory_space<vmem_shared>> -> memref<5056x128xf32, #tpu.memory_space<vmem_shared>>
        tpu.enqueue_indirect_dma source(%dma_start3A_103 : memref<5056x128xf32, #tpu.memory_space<vmem_shared>>) target(%arg13 : memref<24x128xf32, #tpu.memory_space<vmem>>) offsets(%dma_start3A_100 : memref<24xi32, #tpu.memory_space<vmem>>) semaphore(%arg15 : memref<!tpu.dma_semaphore, #tpu.memory_space<semaphore_mem>>)
        "tpu.region"() ({
          %run_scoped3A_104 = tpu.sem_alloc : memref<!tpu.dma_semaphore, #tpu.memory_space<semaphore_mem>>
          %dma_start3A_105 = arith.constant 0 : i32
          %dma_start3A_106 = tpu.memref_slice %arg12[%add3A_89, %dma_start3A_105] : memref<8x24xi32, #tpu.memory_space<vmem>> -> memref<1x24xi32, #tpu.memory_space<vmem>>
          %dma_start3A_107 = tpu.memref_squeeze %dma_start3A_106 : memref<1x24xi32, #tpu.memory_space<vmem>> -> memref<24xi32, #tpu.memory_space<vmem>>
          %dma_start3A_108 = arith.constant 0 : i32
          %dma_start3A_109 = arith.constant 0 : i32
          %dma_start3A_110 = tpu.memref_slice %arg9[%dma_start3A_108, %dma_start3A_109] : memref<10112x128xf32, #tpu.memory_space<vmem_shared>> -> memref<10112x128xf32, #tpu.memory_space<vmem_shared>>
          tpu.enqueue_indirect_dma source(%arg14 : memref<24x128xf32, #tpu.memory_space<vmem>>) target(%dma_start3A_110 : memref<10112x128xf32, #tpu.memory_space<vmem_shared>>) offsets(%dma_start3A_107 : memref<24xi32, #tpu.memory_space<vmem>>) semaphore(%run_scoped3A_104 : memref<!tpu.dma_semaphore, #tpu.memory_space<semaphore_mem>>) {add = true}
          %dma_wait3A_111 = arith.constant 0 : i32
          %dma_wait3A_112 = tpu.memref_slice %arg12[%add3A_89, %dma_wait3A_111] : memref<8x24xi32, #tpu.memory_space<vmem>> -> memref<1x24xi32, #tpu.memory_space<vmem>>
          %dma_wait3A_113 = tpu.memref_squeeze %dma_wait3A_112 : memref<1x24xi32, #tpu.memory_space<vmem>> -> memref<24xi32, #tpu.memory_space<vmem>>
          %dma_wait3A_114 = arith.constant 0 : i32
          %dma_wait3A_115 = arith.constant 0 : i32
          %dma_wait3A_116 = tpu.memref_slice %arg9[%dma_wait3A_114, %dma_wait3A_115] : memref<10112x128xf32, #tpu.memory_space<vmem_shared>> -> memref<10112x128xf32, #tpu.memory_space<vmem_shared>>
          tpu.wait_indirect_dma semaphore(%run_scoped3A_104 : memref<!tpu.dma_semaphore, #tpu.memory_space<semaphore_mem>>) src(%arg14 : memref<24x128xf32, #tpu.memory_space<vmem>>) dst(%dma_wait3A_116 : memref<10112x128xf32, #tpu.memory_space<vmem_shared>>)
          tpu.yield
        }) : () -> ()
      }
      %scan3A_45 = arith.constant 3 : i32
      %dma_wait3A = arith.constant 6 : i32
      %dma_wait3A_46 = arith.constant 0 : i32
      %dma_wait3A_47 = tpu.memref_slice %arg11[%dma_wait3A, %dma_wait3A_46] : memref<8x24xi32, #tpu.memory_space<vmem>> -> memref<1x24xi32, #tpu.memory_space<vmem>>
      %dma_wait3A_48 = tpu.memref_squeeze %dma_wait3A_47 : memref<1x24xi32, #tpu.memory_space<vmem>> -> memref<24xi32, #tpu.memory_space<vmem>>
      %dma_wait3A_49 = arith.constant 0 : i32
      %dma_wait3A_50 = arith.constant 0 : i32
      %dma_wait3A_51 = tpu.memref_slice %arg10[%dma_wait3A_49, %dma_wait3A_50] : memref<5056x128xf32, #tpu.memory_space<vmem_shared>> -> memref<5056x128xf32, #tpu.memory_space<vmem_shared>>
      tpu.wait_indirect_dma semaphore(%arg15 : memref<!tpu.dma_semaphore, #tpu.memory_space<semaphore_mem>>) src(%dma_wait3A_51 : memref<5056x128xf32, #tpu.memory_space<vmem_shared>>) dst(%arg13 : memref<24x128xf32, #tpu.memory_space<vmem>>)
      %dma_start3A_52 = arith.constant 7 : i32
      %dma_start3A_53 = arith.constant 0 : i32
      %dma_start3A_54 = tpu.memref_slice %arg11[%dma_start3A_52, %dma_start3A_53] : memref<8x24xi32, #tpu.memory_space<vmem>> -> memref<1x24xi32, #tpu.memory_space<vmem>>
      %dma_start3A_55 = tpu.memref_squeeze %dma_start3A_54 : memref<1x24xi32, #tpu.memory_space<vmem>> -> memref<24xi32, #tpu.memory_space<vmem>>
      %dma_start3A_56 = arith.constant 0 : i32
      %dma_start3A_57 = arith.constant 0 : i32
      %dma_start3A_58 = tpu.memref_slice %arg10[%dma_start3A_56, %dma_start3A_57] : memref<5056x128xf32, #tpu.memory_space<vmem_shared>> -> memref<5056x128xf32, #tpu.memory_space<vmem_shared>>
      tpu.enqueue_indirect_dma source(%dma_start3A_58 : memref<5056x128xf32, #tpu.memory_space<vmem_shared>>) target(%arg14 : memref<24x128xf32, #tpu.memory_space<vmem>>) offsets(%dma_start3A_55 : memref<24xi32, #tpu.memory_space<vmem>>) semaphore(%arg16 : memref<!tpu.dma_semaphore, #tpu.memory_space<semaphore_mem>>)
      %run_scoped3A = arith.constant 6 : i32
      "tpu.region"() ({
        %run_scoped3A_67 = tpu.sem_alloc : memref<!tpu.dma_semaphore, #tpu.memory_space<semaphore_mem>>
        %dma_start3A_68 = arith.constant 0 : i32
        %dma_start3A_69 = tpu.memref_slice %arg12[%run_scoped3A, %dma_start3A_68] : memref<8x24xi32, #tpu.memory_space<vmem>> -> memref<1x24xi32, #tpu.memory_space<vmem>>
        %dma_start3A_70 = tpu.memref_squeeze %dma_start3A_69 : memref<1x24xi32, #tpu.memory_space<vmem>> -> memref<24xi32, #tpu.memory_space<vmem>>
        %dma_start3A_71 = arith.constant 0 : i32
        %dma_start3A_72 = arith.constant 0 : i32
        %dma_start3A_73 = tpu.memref_slice %arg9[%dma_start3A_71, %dma_start3A_72] : memref<10112x128xf32, #tpu.memory_space<vmem_shared>> -> memref<10112x128xf32, #tpu.memory_space<vmem_shared>>
        tpu.enqueue_indirect_dma source(%arg13 : memref<24x128xf32, #tpu.memory_space<vmem>>) target(%dma_start3A_73 : memref<10112x128xf32, #tpu.memory_space<vmem_shared>>) offsets(%dma_start3A_70 : memref<24xi32, #tpu.memory_space<vmem>>) semaphore(%run_scoped3A_67 : memref<!tpu.dma_semaphore, #tpu.memory_space<semaphore_mem>>) {add = true}
        %dma_wait3A_74 = arith.constant 0 : i32
        %dma_wait3A_75 = tpu.memref_slice %arg12[%run_scoped3A, %dma_wait3A_74] : memref<8x24xi32, #tpu.memory_space<vmem>> -> memref<1x24xi32, #tpu.memory_space<vmem>>
        %dma_wait3A_76 = tpu.memref_squeeze %dma_wait3A_75 : memref<1x24xi32, #tpu.memory_space<vmem>> -> memref<24xi32, #tpu.memory_space<vmem>>
        %dma_wait3A_77 = arith.constant 0 : i32
        %dma_wait3A_78 = arith.constant 0 : i32
        %dma_wait3A_79 = tpu.memref_slice %arg9[%dma_wait3A_77, %dma_wait3A_78] : memref<10112x128xf32, #tpu.memory_space<vmem_shared>> -> memref<10112x128xf32, #tpu.memory_space<vmem_shared>>
        tpu.wait_indirect_dma semaphore(%run_scoped3A_67 : memref<!tpu.dma_semaphore, #tpu.memory_space<semaphore_mem>>) src(%arg13 : memref<24x128xf32, #tpu.memory_space<vmem>>) dst(%dma_wait3A_79 : memref<10112x128xf32, #tpu.memory_space<vmem_shared>>)
        tpu.yield
      }) : () -> ()
      %dma_wait3A_59 = arith.constant 7 : i32
      %dma_wait3A_60 = arith.constant 0 : i32
      %dma_wait3A_61 = tpu.memref_slice %arg11[%dma_wait3A_59, %dma_wait3A_60] : memref<8x24xi32, #tpu.memory_space<vmem>> -> memref<1x24xi32, #tpu.memory_space<vmem>>
      %dma_wait3A_62 = tpu.memref_squeeze %dma_wait3A_61 : memref<1x24xi32, #tpu.memory_space<vmem>> -> memref<24xi32, #tpu.memory_space<vmem>>
      %dma_wait3A_63 = arith.constant 0 : i32
      %dma_wait3A_64 = arith.constant 0 : i32
      %dma_wait3A_65 = tpu.memref_slice %arg10[%dma_wait3A_63, %dma_wait3A_64] : memref<5056x128xf32, #tpu.memory_space<vmem_shared>> -> memref<5056x128xf32, #tpu.memory_space<vmem_shared>>
      tpu.wait_indirect_dma semaphore(%arg16 : memref<!tpu.dma_semaphore, #tpu.memory_space<semaphore_mem>>) src(%dma_wait3A_65 : memref<5056x128xf32, #tpu.memory_space<vmem_shared>>) dst(%arg14 : memref<24x128xf32, #tpu.memory_space<vmem>>)
      %run_scoped3A_66 = arith.constant 7 : i32
      "tpu.region"() ({
        %run_scoped3A_67 = tpu.sem_alloc : memref<!tpu.dma_semaphore, #tpu.memory_space<semaphore_mem>>
        %dma_start3A_68 = arith.constant 0 : i32
        %dma_start3A_69 = tpu.memref_slice %arg12[%run_scoped3A_66, %dma_start3A_68] : memref<8x24xi32, #tpu.memory_space<vmem>> -> memref<1x24xi32, #tpu.memory_space<vmem>>
        %dma_start3A_70 = tpu.memref_squeeze %dma_start3A_69 : memref<1x24xi32, #tpu.memory_space<vmem>> -> memref<24xi32, #tpu.memory_space<vmem>>
        %dma_start3A_71 = arith.constant 0 : i32
        %dma_start3A_72 = arith.constant 0 : i32
        %dma_start3A_73 = tpu.memref_slice %arg9[%dma_start3A_71, %dma_start3A_72] : memref<10112x128xf32, #tpu.memory_space<vmem_shared>> -> memref<10112x128xf32, #tpu.memory_space<vmem_shared>>
        tpu.enqueue_indirect_dma source(%arg14 : memref<24x128xf32, #tpu.memory_space<vmem>>) target(%dma_start3A_73 : memref<10112x128xf32, #tpu.memory_space<vmem_shared>>) offsets(%dma_start3A_70 : memref<24xi32, #tpu.memory_space<vmem>>) semaphore(%run_scoped3A_67 : memref<!tpu.dma_semaphore, #tpu.memory_space<semaphore_mem>>) {add = true}
        %dma_wait3A_74 = arith.constant 0 : i32
        %dma_wait3A_75 = tpu.memref_slice %arg12[%run_scoped3A_66, %dma_wait3A_74] : memref<8x24xi32, #tpu.memory_space<vmem>> -> memref<1x24xi32, #tpu.memory_space<vmem>>
        %dma_wait3A_76 = tpu.memref_squeeze %dma_wait3A_75 : memref<1x24xi32, #tpu.memory_space<vmem>> -> memref<24xi32, #tpu.memory_space<vmem>>
        %dma_wait3A_77 = arith.constant 0 : i32
        %dma_wait3A_78 = arith.constant 0 : i32
        %dma_wait3A_79 = tpu.memref_slice %arg9[%dma_wait3A_77, %dma_wait3A_78] : memref<10112x128xf32, #tpu.memory_space<vmem_shared>> -> memref<10112x128xf32, #tpu.memory_space<vmem_shared>>
        tpu.wait_indirect_dma semaphore(%run_scoped3A_67 : memref<!tpu.dma_semaphore, #tpu.memory_space<semaphore_mem>>) src(%arg14 : memref<24x128xf32, #tpu.memory_space<vmem>>) dst(%dma_wait3A_79 : memref<10112x128xf32, #tpu.memory_space<vmem_shared>>)
        tpu.yield
      }) : () -> ()
    }
    %scan3A_22 = arith.constant 53 : i32
    %barrier3A_23 = arith.constant 0 : index
    tpu.barrier barrier_id(%barrier3A_23)
    %mul3A_24 = arith.constant 632 : i32
    %mul3A_25 = arith.muli %arg1, %mul3A_24 : i32
    %mul3A_26 = arith.constant 632 : i32
    %mul3A_27 = arith.muli %arg1, %mul3A_26 : i32
    "tpu.region"() ({
      %run_scoped3A = tpu.sem_alloc : memref<!tpu.dma_semaphore, #tpu.memory_space<semaphore_mem>>
      %dma_start3A = arith.constant 0 : i32
      %dma_start3A_28 = tpu.memref_slice %arg8[%arg0, %mul3A_27, %dma_start3A] : memref<2x10112x128xf32, #tpu.memory_space<hbm>> -> memref<1x632x128xf32, #tpu.memory_space<hbm>>
      %dma_start3A_29 = tpu.memref_squeeze %dma_start3A_28 : memref<1x632x128xf32, #tpu.memory_space<hbm>> -> memref<632x128xf32, #tpu.memory_space<hbm>>
      %dma_start3A_30 = arith.constant 0 : i32
      %dma_start3A_31 = tpu.memref_slice %arg9[%mul3A_25, %dma_start3A_30] : memref<10112x128xf32, #tpu.memory_space<vmem_shared>> -> memref<632x128xf32, #tpu.memory_space<vmem_shared>>
      tpu.enqueue_dma source(%dma_start3A_31 : memref<632x128xf32, #tpu.memory_space<vmem_shared>>) target(%dma_start3A_29 : memref<632x128xf32, #tpu.memory_space<hbm>>) target_semaphore(%run_scoped3A : memref<!tpu.dma_semaphore, #tpu.memory_space<semaphore_mem>>)
      %dma_wait3A = arith.constant 0 : i32
      %dma_wait3A_32 = tpu.memref_slice %arg8[%arg0, %mul3A_27, %dma_wait3A] : memref<2x10112x128xf32, #tpu.memory_space<hbm>> -> memref<1x632x128xf32, #tpu.memory_space<hbm>>
      %dma_wait3A_33 = tpu.memref_squeeze %dma_wait3A_32 : memref<1x632x128xf32, #tpu.memory_space<hbm>> -> memref<632x128xf32, #tpu.memory_space<hbm>>
      %dma_wait3A_34 = arith.constant 0 : i32
      %dma_wait3A_35 = tpu.memref_slice %arg9[%mul3A_25, %dma_wait3A_34] : memref<10112x128xf32, #tpu.memory_space<vmem_shared>> -> memref<632x128xf32, #tpu.memory_space<vmem_shared>>
      tpu.wait_dma2 semaphore(%run_scoped3A : memref<!tpu.dma_semaphore, #tpu.memory_space<semaphore_mem>>) src(%dma_wait3A_35 : memref<632x128xf32, #tpu.memory_space<vmem_shared>>) dst(%dma_wait3A_33 : memref<632x128xf32, #tpu.memory_space<hbm>>)
      tpu.yield
    }) : () -> ()
    return
  }
}

#map = affine_map<(d0, d1) -> (0, 0)>
#map1 = affine_map<(d0, d1) -> (0)>
module attributes {stable_mosaic.version = 14 : i64} {
  func.func @deg_kernel(%arg0: i32, %arg1: i32, %arg2: memref<2560x128xi32, #tpu.memory_space<hbm>>, %arg3: memref<128xf32, #tpu.memory_space<hbm>>, %arg4: memref<640xf32, #tpu.memory_space<hbm>>, %arg5: memref<2x10240xf32, #tpu.memory_space<hbm>>, %arg6: memref<10240xf32, #tpu.memory_space<vmem_shared>>, %arg7: memref<80x128xi32, #tpu.memory_space<vmem>>, %arg8: memref<128xf32, #tpu.memory_space<vmem>>) attributes {dimension_semantics = [#tpu.dimension_semantics<core_parallel>, #tpu.dimension_semantics<subcore_parallel>], iteration_bounds = array<i64: 2, 16>, scalar_prefetch = 0 : i64, scratch_operands = 3 : i64, tpu.core_type = #tpu.core_type<sc_vector_subcore>, window_params = [{transform_indices = #map}, {transform_indices = #map1}, {transform_indices = #map1}, {transform_indices = #map}]} {
    %mul3A = arith.constant 16 : i32
    %mul3A_0 = arith.muli %arg0, %mul3A : i32
    %add3A = arith.addi %mul3A_0, %arg1 : i32
    %mul3A_1 = arith.constant 640 : i32
    %mul3A_2 = arith.muli %arg1, %mul3A_1 : i32
    "tpu.region"() ({
      %run_scoped3A = tpu.sem_alloc : memref<!tpu.dma_semaphore, #tpu.memory_space<semaphore_mem>>
      %dma_start3A = tpu.memref_slice %arg6[%mul3A_2] : memref<10240xf32, #tpu.memory_space<vmem_shared>> -> memref<640xf32, #tpu.memory_space<vmem_shared>>
      %dma_start3A_15 = arith.constant 0 : i32
      %dma_start3A_16 = tpu.memref_slice %arg4[%dma_start3A_15] : memref<640xf32, #tpu.memory_space<hbm>> -> memref<640xf32, #tpu.memory_space<hbm>>
      tpu.enqueue_dma source(%dma_start3A_16 : memref<640xf32, #tpu.memory_space<hbm>>) target(%dma_start3A : memref<640xf32, #tpu.memory_space<vmem_shared>>) target_semaphore(%run_scoped3A : memref<!tpu.dma_semaphore, #tpu.memory_space<semaphore_mem>>)
      %dma_wait3A = tpu.memref_slice %arg6[%mul3A_2] : memref<10240xf32, #tpu.memory_space<vmem_shared>> -> memref<640xf32, #tpu.memory_space<vmem_shared>>
      %dma_wait3A_17 = arith.constant 0 : i32
      %dma_wait3A_18 = tpu.memref_slice %arg4[%dma_wait3A_17] : memref<640xf32, #tpu.memory_space<hbm>> -> memref<640xf32, #tpu.memory_space<hbm>>
      tpu.wait_dma2 semaphore(%run_scoped3A : memref<!tpu.dma_semaphore, #tpu.memory_space<semaphore_mem>>) src(%dma_wait3A_18 : memref<640xf32, #tpu.memory_space<hbm>>) dst(%dma_wait3A : memref<640xf32, #tpu.memory_space<vmem_shared>>)
      tpu.yield
    }) : () -> ()
    "tpu.region"() ({
      %run_scoped3A = tpu.sem_alloc : memref<!tpu.dma_semaphore, #tpu.memory_space<semaphore_mem>>
      tpu.enqueue_dma source(%arg3 : memref<128xf32, #tpu.memory_space<hbm>>) target(%arg8 : memref<128xf32, #tpu.memory_space<vmem>>) target_semaphore(%run_scoped3A : memref<!tpu.dma_semaphore, #tpu.memory_space<semaphore_mem>>)
      tpu.wait_dma2 semaphore(%run_scoped3A : memref<!tpu.dma_semaphore, #tpu.memory_space<semaphore_mem>>) src(%arg3 : memref<128xf32, #tpu.memory_space<hbm>>) dst(%arg8 : memref<128xf32, #tpu.memory_space<vmem>>)
      tpu.yield
    }) : () -> ()
    %mul3A_3 = arith.constant 80 : i32
    %mul3A_4 = arith.muli %add3A, %mul3A_3 : i32
    "tpu.region"() ({
      %run_scoped3A = tpu.sem_alloc : memref<!tpu.dma_semaphore, #tpu.memory_space<semaphore_mem>>
      %dma_start3A = arith.constant 0 : i32
      %dma_start3A_15 = tpu.memref_slice %arg2[%mul3A_4, %dma_start3A] : memref<2560x128xi32, #tpu.memory_space<hbm>> -> memref<80x128xi32, #tpu.memory_space<hbm>>
      %dma_start3A_16 = arith.constant 0 : i32
      %dma_start3A_17 = tpu.memref_slice %arg2[%mul3A_4, %dma_start3A_16] : memref<2560x128xi32, #tpu.memory_space<hbm>> -> memref<80x128xi32, #tpu.memory_space<hbm>>
      tpu.enqueue_dma source(%dma_start3A_17 : memref<80x128xi32, #tpu.memory_space<hbm>>) target(%arg7 : memref<80x128xi32, #tpu.memory_space<vmem>>) target_semaphore(%run_scoped3A : memref<!tpu.dma_semaphore, #tpu.memory_space<semaphore_mem>>)
      %dma_wait3A = arith.constant 0 : i32
      %dma_wait3A_18 = tpu.memref_slice %arg2[%mul3A_4, %dma_wait3A] : memref<2560x128xi32, #tpu.memory_space<hbm>> -> memref<80x128xi32, #tpu.memory_space<hbm>>
      %dma_wait3A_19 = arith.constant 0 : i32
      %dma_wait3A_20 = tpu.memref_slice %arg2[%mul3A_4, %dma_wait3A_19] : memref<2560x128xi32, #tpu.memory_space<hbm>> -> memref<80x128xi32, #tpu.memory_space<hbm>>
      tpu.wait_dma2 semaphore(%run_scoped3A : memref<!tpu.dma_semaphore, #tpu.memory_space<semaphore_mem>>) src(%dma_wait3A_20 : memref<80x128xi32, #tpu.memory_space<hbm>>) dst(%arg7 : memref<80x128xi32, #tpu.memory_space<vmem>>)
      tpu.yield
    }) : () -> ()
    %barrier3A = arith.constant 0 : index
    tpu.barrier barrier_id(%barrier3A)
    %scan3A = arith.constant 0 : i32
    %scan3A_5 = arith.constant 0 : i32
    %scan3A_6 = arith.constant 80 : i32
    %scan3A_7 = arith.addi %scan3A_5, %scan3A_6 : i32
    %scan3A_8 = arith.constant 1 : i32
    scf.for %scan3A_15 = %scan3A_5 to %scan3A_7 step %scan3A_8  : i32 {
      "tpu.region"() ({
        %run_scoped3A = tpu.sem_alloc : memref<!tpu.dma_semaphore, #tpu.memory_space<semaphore_mem>>
        %dma_start3A = arith.constant 0 : i32
        %dma_start3A_16 = tpu.memref_slice %arg7[%scan3A_15, %dma_start3A] : memref<80x128xi32, #tpu.memory_space<vmem>> -> memref<1x128xi32, #tpu.memory_space<vmem>>
        %dma_start3A_17 = tpu.memref_squeeze %dma_start3A_16 : memref<1x128xi32, #tpu.memory_space<vmem>> -> memref<128xi32, #tpu.memory_space<vmem>>
        %dma_start3A_18 = arith.constant 0 : i32
        %dma_start3A_19 = tpu.memref_slice %arg6[%dma_start3A_18] : memref<10240xf32, #tpu.memory_space<vmem_shared>> -> memref<10240xf32, #tpu.memory_space<vmem_shared>>
        tpu.enqueue_indirect_dma source(%arg8 : memref<128xf32, #tpu.memory_space<vmem>>) target(%dma_start3A_19 : memref<10240xf32, #tpu.memory_space<vmem_shared>>) offsets(%dma_start3A_17 : memref<128xi32, #tpu.memory_space<vmem>>) semaphore(%run_scoped3A : memref<!tpu.dma_semaphore, #tpu.memory_space<semaphore_mem>>) {add = true}
        %dma_wait3A = arith.constant 0 : i32
        %dma_wait3A_20 = tpu.memref_slice %arg7[%scan3A_15, %dma_wait3A] : memref<80x128xi32, #tpu.memory_space<vmem>> -> memref<1x128xi32, #tpu.memory_space<vmem>>
        %dma_wait3A_21 = tpu.memref_squeeze %dma_wait3A_20 : memref<1x128xi32, #tpu.memory_space<vmem>> -> memref<128xi32, #tpu.memory_space<vmem>>
        %dma_wait3A_22 = arith.constant 0 : i32
        %dma_wait3A_23 = tpu.memref_slice %arg6[%dma_wait3A_22] : memref<10240xf32, #tpu.memory_space<vmem_shared>> -> memref<10240xf32, #tpu.memory_space<vmem_shared>>
        tpu.wait_indirect_dma semaphore(%run_scoped3A : memref<!tpu.dma_semaphore, #tpu.memory_space<semaphore_mem>>) src(%arg8 : memref<128xf32, #tpu.memory_space<vmem>>) dst(%dma_wait3A_23 : memref<10240xf32, #tpu.memory_space<vmem_shared>>)
        tpu.yield
      }) : () -> ()
    }
    %scan3A_9 = arith.constant 80 : i32
    %barrier3A_10 = arith.constant 0 : index
    tpu.barrier barrier_id(%barrier3A_10)
    %mul3A_11 = arith.constant 640 : i32
    %mul3A_12 = arith.muli %arg1, %mul3A_11 : i32
    %mul3A_13 = arith.constant 640 : i32
    %mul3A_14 = arith.muli %arg1, %mul3A_13 : i32
    "tpu.region"() ({
      %run_scoped3A = tpu.sem_alloc : memref<!tpu.dma_semaphore, #tpu.memory_space<semaphore_mem>>
      %dma_start3A = tpu.memref_slice %arg5[%arg0, %mul3A_14] : memref<2x10240xf32, #tpu.memory_space<hbm>> -> memref<1x640xf32, #tpu.memory_space<hbm>>
      %dma_start3A_15 = tpu.memref_squeeze %dma_start3A : memref<1x640xf32, #tpu.memory_space<hbm>> -> memref<640xf32, #tpu.memory_space<hbm>>
      %dma_start3A_16 = tpu.memref_slice %arg6[%mul3A_12] : memref<10240xf32, #tpu.memory_space<vmem_shared>> -> memref<640xf32, #tpu.memory_space<vmem_shared>>
      tpu.enqueue_dma source(%dma_start3A_16 : memref<640xf32, #tpu.memory_space<vmem_shared>>) target(%dma_start3A_15 : memref<640xf32, #tpu.memory_space<hbm>>) target_semaphore(%run_scoped3A : memref<!tpu.dma_semaphore, #tpu.memory_space<semaphore_mem>>)
      %dma_wait3A = tpu.memref_slice %arg5[%arg0, %mul3A_14] : memref<2x10240xf32, #tpu.memory_space<hbm>> -> memref<1x640xf32, #tpu.memory_space<hbm>>
      %dma_wait3A_17 = tpu.memref_squeeze %dma_wait3A : memref<1x640xf32, #tpu.memory_space<hbm>> -> memref<640xf32, #tpu.memory_space<hbm>>
      %dma_wait3A_18 = tpu.memref_slice %arg6[%mul3A_12] : memref<10240xf32, #tpu.memory_space<vmem_shared>> -> memref<640xf32, #tpu.memory_space<vmem_shared>>
      tpu.wait_dma2 semaphore(%run_scoped3A : memref<!tpu.dma_semaphore, #tpu.memory_space<semaphore_mem>>) src(%dma_wait3A_18 : memref<640xf32, #tpu.memory_space<vmem_shared>>) dst(%dma_wait3A_17 : memref<640xf32, #tpu.memory_space<hbm>>)
      tpu.yield
    }) : () -> ()
    return
  }
}

#map = affine_map<(d0, d1) -> (0, 0)>
#map1 = affine_map<(d0, d1) -> (0, 0, 0)>
module attributes {stable_mosaic.version = 14 : i64} {
  func.func @agg_kernel(%arg0: i32, %arg1: i32, %arg2: memref<10112x128xf32, #tpu.memory_space<hbm>>, %arg3: memref<13568x24xi32, #tpu.memory_space<hbm>>, %arg4: memref<13568x24xi32, #tpu.memory_space<hbm>>, %arg5: memref<13568x24xi32, #tpu.memory_space<hbm>>, %arg6: memref<13568x24xi32, #tpu.memory_space<hbm>>, %arg7: memref<632x128xf32, #tpu.memory_space<hbm>>, %arg8: memref<2x10112x128xf32, #tpu.memory_space<hbm>>, %arg9: memref<10112x128xf32, #tpu.memory_space<vmem_shared>>, %arg10: memref<5056x128xf32, #tpu.memory_space<vmem_shared>>, %arg11: memref<8x24xi32, #tpu.memory_space<vmem>>, %arg12: memref<8x24xi32, #tpu.memory_space<vmem>>, %arg13: memref<24x128xf32, #tpu.memory_space<vmem>>, %arg14: memref<24x128xf32, #tpu.memory_space<vmem>>, %arg15: memref<!tpu.dma_semaphore, #tpu.memory_space<semaphore_mem>>, %arg16: memref<!tpu.dma_semaphore, #tpu.memory_space<semaphore_mem>>) attributes {dimension_semantics = [#tpu.dimension_semantics<core_parallel>, #tpu.dimension_semantics<subcore_parallel>], iteration_bounds = array<i64: 2, 16>, scalar_prefetch = 0 : i64, scratch_operands = 8 : i64, tpu.core_type = #tpu.core_type<sc_vector_subcore>, window_params = [{transform_indices = #map}, {transform_indices = #map}, {transform_indices = #map}, {transform_indices = #map}, {transform_indices = #map}, {transform_indices = #map}, {transform_indices = #map1}]} {
    %mul3A = arith.constant 16 : i32
    %mul3A_0 = arith.muli %arg0, %mul3A : i32
    %add3A = arith.addi %mul3A_0, %arg1 : i32
    %mul3A_1 = arith.constant 632 : i32
    %mul3A_2 = arith.muli %arg1, %mul3A_1 : i32
    "tpu.region"() ({
      %run_scoped3A = tpu.sem_alloc : memref<!tpu.dma_semaphore, #tpu.memory_space<semaphore_mem>>
      %dma_start3A = arith.constant 0 : i32
      %dma_start3A_28 = tpu.memref_slice %arg9[%mul3A_2, %dma_start3A] : memref<10112x128xf32, #tpu.memory_space<vmem_shared>> -> memref<632x128xf32, #tpu.memory_space<vmem_shared>>
      %dma_start3A_29 = arith.constant 0 : i32
      %dma_start3A_30 = arith.constant 0 : i32
      %dma_start3A_31 = tpu.memref_slice %arg7[%dma_start3A_29, %dma_start3A_30] : memref<632x128xf32, #tpu.memory_space<hbm>> -> memref<632x128xf32, #tpu.memory_space<hbm>>
      tpu.enqueue_dma source(%dma_start3A_31 : memref<632x128xf32, #tpu.memory_space<hbm>>) target(%dma_start3A_28 : memref<632x128xf32, #tpu.memory_space<vmem_shared>>) target_semaphore(%run_scoped3A : memref<!tpu.dma_semaphore, #tpu.memory_space<semaphore_mem>>)
      %dma_wait3A = arith.constant 0 : i32
      %dma_wait3A_32 = tpu.memref_slice %arg9[%mul3A_2, %dma_wait3A] : memref<10112x128xf32, #tpu.memory_space<vmem_shared>> -> memref<632x128xf32, #tpu.memory_space<vmem_shared>>
      %dma_wait3A_33 = arith.constant 0 : i32
      %dma_wait3A_34 = arith.constant 0 : i32
      %dma_wait3A_35 = tpu.memref_slice %arg7[%dma_wait3A_33, %dma_wait3A_34] : memref<632x128xf32, #tpu.memory_space<hbm>> -> memref<632x128xf32, #tpu.memory_space<hbm>>
      tpu.wait_dma2 semaphore(%run_scoped3A : memref<!tpu.dma_semaphore, #tpu.memory_space<semaphore_mem>>) src(%dma_wait3A_35 : memref<632x128xf32, #tpu.memory_space<hbm>>) dst(%dma_wait3A_32 : memref<632x128xf32, #tpu.memory_space<vmem_shared>>)
      tpu.yield
    }) : () -> ()
    %lt3A = arith.constant 8 : i32
    %lt3A_3 = arith.cmpi slt, %arg1, %lt3A : i32
    %convert_element_type3A = arith.extui %lt3A_3 : i1 to i32
    %cond3A = arith.constant 0 : i32
    %cond3A_4 = arith.cmpi ne, %convert_element_type3A, %cond3A : i32
    scf.if %cond3A_4 {
      %mul3A_28 = arith.constant 632 : i32
      %mul3A_29 = arith.muli %arg1, %mul3A_28 : i32
      %add3A_30 = arith.constant 0 : i32
      %add3A_31 = arith.addi %add3A_30, %mul3A_29 : i32
      %mul3A_32 = arith.constant 632 : i32
      %mul3A_33 = arith.muli %arg1, %mul3A_32 : i32
      "tpu.region"() ({
        %run_scoped3A = tpu.sem_alloc : memref<!tpu.dma_semaphore, #tpu.memory_space<semaphore_mem>>
        %dma_start3A = arith.constant 0 : i32
        %dma_start3A_34 = tpu.memref_slice %arg10[%mul3A_33, %dma_start3A] : memref<5056x128xf32, #tpu.memory_space<vmem_shared>> -> memref<632x128xf32, #tpu.memory_space<vmem_shared>>
        %dma_start3A_35 = arith.constant 0 : i32
        %dma_start3A_36 = tpu.memref_slice %arg2[%add3A_31, %dma_start3A_35] : memref<10112x128xf32, #tpu.memory_space<hbm>> -> memref<632x128xf32, #tpu.memory_space<hbm>>
        tpu.enqueue_dma source(%dma_start3A_36 : memref<632x128xf32, #tpu.memory_space<hbm>>) target(%dma_start3A_34 : memref<632x128xf32, #tpu.memory_space<vmem_shared>>) target_semaphore(%run_scoped3A : memref<!tpu.dma_semaphore, #tpu.memory_space<semaphore_mem>>)
        %dma_wait3A = arith.constant 0 : i32
        %dma_wait3A_37 = tpu.memref_slice %arg10[%mul3A_33, %dma_wait3A] : memref<5056x128xf32, #tpu.memory_space<vmem_shared>> -> memref<632x128xf32, #tpu.memory_space<vmem_shared>>
        %dma_wait3A_38 = arith.constant 0 : i32
        %dma_wait3A_39 = tpu.memref_slice %arg2[%add3A_31, %dma_wait3A_38] : memref<10112x128xf32, #tpu.memory_space<hbm>> -> memref<632x128xf32, #tpu.memory_space<hbm>>
        tpu.wait_dma2 semaphore(%run_scoped3A : memref<!tpu.dma_semaphore, #tpu.memory_space<semaphore_mem>>) src(%dma_wait3A_39 : memref<632x128xf32, #tpu.memory_space<hbm>>) dst(%dma_wait3A_37 : memref<632x128xf32, #tpu.memory_space<vmem_shared>>)
        tpu.yield
      }) : () -> ()
    } else {
    }
    %barrier3A = arith.constant 0 : index
    tpu.barrier barrier_id(%barrier3A)
    %scan3A = arith.constant 0 : i32
    %scan3A_5 = arith.constant 0 : i32
    %scan3A_6 = arith.constant 53 : i32
    %scan3A_7 = arith.addi %scan3A_5, %scan3A_6 : i32
    %scan3A_8 = arith.constant 1 : i32
    scf.for %scan3A_28 = %scan3A_5 to %scan3A_7 step %scan3A_8  : i32 {
      %mul3A_29 = arith.constant 424 : i32
      %mul3A_30 = arith.muli %add3A, %mul3A_29 : i32
      %mul3A_31 = arith.constant 8 : i32
      %mul3A_32 = arith.muli %scan3A_28, %mul3A_31 : i32
      %add3A_33 = arith.addi %mul3A_30, %mul3A_32 : i32
      "tpu.region"() ({
        %run_scoped3A_67 = tpu.sem_alloc : memref<!tpu.dma_semaphore, #tpu.memory_space<semaphore_mem>>
        %dma_start3A_68 = arith.constant 0 : i32
        %dma_start3A_69 = tpu.memref_slice %arg3[%add3A_33, %dma_start3A_68] : memref<13568x24xi32, #tpu.memory_space<hbm>> -> memref<8x24xi32, #tpu.memory_space<hbm>>
        %dma_start3A_70 = arith.constant 0 : i32
        %dma_start3A_71 = tpu.memref_slice %arg3[%add3A_33, %dma_start3A_70] : memref<13568x24xi32, #tpu.memory_space<hbm>> -> memref<8x24xi32, #tpu.memory_space<hbm>>
        tpu.enqueue_dma source(%dma_start3A_71 : memref<8x24xi32, #tpu.memory_space<hbm>>) target(%arg11 : memref<8x24xi32, #tpu.memory_space<vmem>>) target_semaphore(%run_scoped3A_67 : memref<!tpu.dma_semaphore, #tpu.memory_space<semaphore_mem>>)
        %dma_wait3A_72 = arith.constant 0 : i32
        %dma_wait3A_73 = tpu.memref_slice %arg3[%add3A_33, %dma_wait3A_72] : memref<13568x24xi32, #tpu.memory_space<hbm>> -> memref<8x24xi32, #tpu.memory_space<hbm>>
        %dma_wait3A_74 = arith.constant 0 : i32
        %dma_wait3A_75 = tpu.memref_slice %arg3[%add3A_33, %dma_wait3A_74] : memref<13568x24xi32, #tpu.memory_space<hbm>> -> memref<8x24xi32, #tpu.memory_space<hbm>>
        tpu.wait_dma2 semaphore(%run_scoped3A_67 : memref<!tpu.dma_semaphore, #tpu.memory_space<semaphore_mem>>) src(%dma_wait3A_75 : memref<8x24xi32, #tpu.memory_space<hbm>>) dst(%arg11 : memref<8x24xi32, #tpu.memory_space<vmem>>)
        tpu.yield
      }) : () -> ()
      "tpu.region"() ({
        %run_scoped3A_67 = tpu.sem_alloc : memref<!tpu.dma_semaphore, #tpu.memory_space<semaphore_mem>>
        %dma_start3A_68 = arith.constant 0 : i32
        %dma_start3A_69 = tpu.memref_slice %arg4[%add3A_33, %dma_start3A_68] : memref<13568x24xi32, #tpu.memory_space<hbm>> -> memref<8x24xi32, #tpu.memory_space<hbm>>
        %dma_start3A_70 = arith.constant 0 : i32
        %dma_start3A_71 = tpu.memref_slice %arg4[%add3A_33, %dma_start3A_70] : memref<13568x24xi32, #tpu.memory_space<hbm>> -> memref<8x24xi32, #tpu.memory_space<hbm>>
        tpu.enqueue_dma source(%dma_start3A_71 : memref<8x24xi32, #tpu.memory_space<hbm>>) target(%arg12 : memref<8x24xi32, #tpu.memory_space<vmem>>) target_semaphore(%run_scoped3A_67 : memref<!tpu.dma_semaphore, #tpu.memory_space<semaphore_mem>>)
        %dma_wait3A_72 = arith.constant 0 : i32
        %dma_wait3A_73 = tpu.memref_slice %arg4[%add3A_33, %dma_wait3A_72] : memref<13568x24xi32, #tpu.memory_space<hbm>> -> memref<8x24xi32, #tpu.memory_space<hbm>>
        %dma_wait3A_74 = arith.constant 0 : i32
        %dma_wait3A_75 = tpu.memref_slice %arg4[%add3A_33, %dma_wait3A_74] : memref<13568x24xi32, #tpu.memory_space<hbm>> -> memref<8x24xi32, #tpu.memory_space<hbm>>
        tpu.wait_dma2 semaphore(%run_scoped3A_67 : memref<!tpu.dma_semaphore, #tpu.memory_space<semaphore_mem>>) src(%dma_wait3A_75 : memref<8x24xi32, #tpu.memory_space<hbm>>) dst(%arg12 : memref<8x24xi32, #tpu.memory_space<vmem>>)
        tpu.yield
      }) : () -> ()
      %dma_start3A = arith.constant 0 : i32
      %dma_start3A_34 = arith.constant 0 : i32
      %dma_start3A_35 = tpu.memref_slice %arg11[%dma_start3A, %dma_start3A_34] : memref<8x24xi32, #tpu.memory_space<vmem>> -> memref<1x24xi32, #tpu.memory_space<vmem>>
      %dma_start3A_36 = tpu.memref_squeeze %dma_start3A_35 : memref<1x24xi32, #tpu.memory_space<vmem>> -> memref<24xi32, #tpu.memory_space<vmem>>
      %dma_start3A_37 = arith.constant 0 : i32
      %dma_start3A_38 = arith.constant 0 : i32
      %dma_start3A_39 = tpu.memref_slice %arg10[%dma_start3A_37, %dma_start3A_38] : memref<5056x128xf32, #tpu.memory_space<vmem_shared>> -> memref<5056x128xf32, #tpu.memory_space<vmem_shared>>
      tpu.enqueue_indirect_dma source(%dma_start3A_39 : memref<5056x128xf32, #tpu.memory_space<vmem_shared>>) target(%arg13 : memref<24x128xf32, #tpu.memory_space<vmem>>) offsets(%dma_start3A_36 : memref<24xi32, #tpu.memory_space<vmem>>) semaphore(%arg15 : memref<!tpu.dma_semaphore, #tpu.memory_space<semaphore_mem>>)
      %scan3A_40 = arith.constant 0 : i32
      %scan3A_41 = arith.constant 0 : i32
      %scan3A_42 = arith.constant 3 : i32
      %scan3A_43 = arith.addi %scan3A_41, %scan3A_42 : i32
      %scan3A_44 = arith.constant 1 : i32
      scf.for %scan3A_67 = %scan3A_41 to %scan3A_43 step %scan3A_44  : i32 {
        %mul3A_68 = arith.constant 2 : i32
        %mul3A_69 = arith.muli %mul3A_68, %scan3A_67 : i32
        %add3A_70 = arith.constant 0 : i32
        %add3A_71 = arith.addi %mul3A_69, %add3A_70 : i32
        %dma_wait3A_72 = arith.constant 0 : i32
        %dma_wait3A_73 = tpu.memref_slice %arg11[%add3A_71, %dma_wait3A_72] : memref<8x24xi32, #tpu.memory_space<vmem>> -> memref<1x24xi32, #tpu.memory_space<vmem>>
        %dma_wait3A_74 = tpu.memref_squeeze %dma_wait3A_73 : memref<1x24xi32, #tpu.memory_space<vmem>> -> memref<24xi32, #tpu.memory_space<vmem>>
        %dma_wait3A_75 = arith.constant 0 : i32
        %dma_wait3A_76 = arith.constant 0 : i32
        %dma_wait3A_77 = tpu.memref_slice %arg10[%dma_wait3A_75, %dma_wait3A_76] : memref<5056x128xf32, #tpu.memory_space<vmem_shared>> -> memref<5056x128xf32, #tpu.memory_space<vmem_shared>>
        tpu.wait_indirect_dma semaphore(%arg15 : memref<!tpu.dma_semaphore, #tpu.memory_space<semaphore_mem>>) src(%dma_wait3A_77 : memref<5056x128xf32, #tpu.memory_space<vmem_shared>>) dst(%arg13 : memref<24x128xf32, #tpu.memory_space<vmem>>)
        %add3A_78 = arith.constant 1 : i32
        %add3A_79 = arith.addi %add3A_71, %add3A_78 : i32
        %dma_start3A_80 = arith.constant 0 : i32
        %dma_start3A_81 = tpu.memref_slice %arg11[%add3A_79, %dma_start3A_80] : memref<8x24xi32, #tpu.memory_space<vmem>> -> memref<1x24xi32, #tpu.memory_space<vmem>>
        %dma_start3A_82 = tpu.memref_squeeze %dma_start3A_81 : memref<1x24xi32, #tpu.memory_space<vmem>> -> memref<24xi32, #tpu.memory_space<vmem>>
        %dma_start3A_83 = arith.constant 0 : i32
        %dma_start3A_84 = arith.constant 0 : i32
        %dma_start3A_85 = tpu.memref_slice %arg10[%dma_start3A_83, %dma_start3A_84] : memref<5056x128xf32, #tpu.memory_space<vmem_shared>> -> memref<5056x128xf32, #tpu.memory_space<vmem_shared>>
        tpu.enqueue_indirect_dma source(%dma_start3A_85 : memref<5056x128xf32, #tpu.memory_space<vmem_shared>>) target(%arg14 : memref<24x128xf32, #tpu.memory_space<vmem>>) offsets(%dma_start3A_82 : memref<24xi32, #tpu.memory_space<vmem>>) semaphore(%arg16 : memref<!tpu.dma_semaphore, #tpu.memory_space<semaphore_mem>>)
        "tpu.region"() ({
          %run_scoped3A_104 = tpu.sem_alloc : memref<!tpu.dma_semaphore, #tpu.memory_space<semaphore_mem>>
          %dma_start3A_105 = arith.constant 0 : i32
          %dma_start3A_106 = tpu.memref_slice %arg12[%add3A_71, %dma_start3A_105] : memref<8x24xi32, #tpu.memory_space<vmem>> -> memref<1x24xi32, #tpu.memory_space<vmem>>
          %dma_start3A_107 = tpu.memref_squeeze %dma_start3A_106 : memref<1x24xi32, #tpu.memory_space<vmem>> -> memref<24xi32, #tpu.memory_space<vmem>>
          %dma_start3A_108 = arith.constant 0 : i32
          %dma_start3A_109 = arith.constant 0 : i32
          %dma_start3A_110 = tpu.memref_slice %arg9[%dma_start3A_108, %dma_start3A_109] : memref<10112x128xf32, #tpu.memory_space<vmem_shared>> -> memref<10112x128xf32, #tpu.memory_space<vmem_shared>>
          tpu.enqueue_indirect_dma source(%arg13 : memref<24x128xf32, #tpu.memory_space<vmem>>) target(%dma_start3A_110 : memref<10112x128xf32, #tpu.memory_space<vmem_shared>>) offsets(%dma_start3A_107 : memref<24xi32, #tpu.memory_space<vmem>>) semaphore(%run_scoped3A_104 : memref<!tpu.dma_semaphore, #tpu.memory_space<semaphore_mem>>) {add = true}
          %dma_wait3A_111 = arith.constant 0 : i32
          %dma_wait3A_112 = tpu.memref_slice %arg12[%add3A_71, %dma_wait3A_111] : memref<8x24xi32, #tpu.memory_space<vmem>> -> memref<1x24xi32, #tpu.memory_space<vmem>>
          %dma_wait3A_113 = tpu.memref_squeeze %dma_wait3A_112 : memref<1x24xi32, #tpu.memory_space<vmem>> -> memref<24xi32, #tpu.memory_space<vmem>>
          %dma_wait3A_114 = arith.constant 0 : i32
          %dma_wait3A_115 = arith.constant 0 : i32
          %dma_wait3A_116 = tpu.memref_slice %arg9[%dma_wait3A_114, %dma_wait3A_115] : memref<10112x128xf32, #tpu.memory_space<vmem_shared>> -> memref<10112x128xf32, #tpu.memory_space<vmem_shared>>
          tpu.wait_indirect_dma semaphore(%run_scoped3A_104 : memref<!tpu.dma_semaphore, #tpu.memory_space<semaphore_mem>>) src(%arg13 : memref<24x128xf32, #tpu.memory_space<vmem>>) dst(%dma_wait3A_116 : memref<10112x128xf32, #tpu.memory_space<vmem_shared>>)
          tpu.yield
        }) : () -> ()
        %mul3A_86 = arith.constant 2 : i32
        %mul3A_87 = arith.muli %mul3A_86, %scan3A_67 : i32
        %add3A_88 = arith.constant 1 : i32
        %add3A_89 = arith.addi %mul3A_87, %add3A_88 : i32
        %dma_wait3A_90 = arith.constant 0 : i32
        %dma_wait3A_91 = tpu.memref_slice %arg11[%add3A_89, %dma_wait3A_90] : memref<8x24xi32, #tpu.memory_space<vmem>> -> memref<1x24xi32, #tpu.memory_space<vmem>>
        %dma_wait3A_92 = tpu.memref_squeeze %dma_wait3A_91 : memref<1x24xi32, #tpu.memory_space<vmem>> -> memref<24xi32, #tpu.memory_space<vmem>>
        %dma_wait3A_93 = arith.constant 0 : i32
        %dma_wait3A_94 = arith.constant 0 : i32
        %dma_wait3A_95 = tpu.memref_slice %arg10[%dma_wait3A_93, %dma_wait3A_94] : memref<5056x128xf32, #tpu.memory_space<vmem_shared>> -> memref<5056x128xf32, #tpu.memory_space<vmem_shared>>
        tpu.wait_indirect_dma semaphore(%arg16 : memref<!tpu.dma_semaphore, #tpu.memory_space<semaphore_mem>>) src(%dma_wait3A_95 : memref<5056x128xf32, #tpu.memory_space<vmem_shared>>) dst(%arg14 : memref<24x128xf32, #tpu.memory_space<vmem>>)
        %add3A_96 = arith.constant 1 : i32
        %add3A_97 = arith.addi %add3A_89, %add3A_96 : i32
        %dma_start3A_98 = arith.constant 0 : i32
        %dma_start3A_99 = tpu.memref_slice %arg11[%add3A_97, %dma_start3A_98] : memref<8x24xi32, #tpu.memory_space<vmem>> -> memref<1x24xi32, #tpu.memory_space<vmem>>
        %dma_start3A_100 = tpu.memref_squeeze %dma_start3A_99 : memref<1x24xi32, #tpu.memory_space<vmem>> -> memref<24xi32, #tpu.memory_space<vmem>>
        %dma_start3A_101 = arith.constant 0 : i32
        %dma_start3A_102 = arith.constant 0 : i32
        %dma_start3A_103 = tpu.memref_slice %arg10[%dma_start3A_101, %dma_start3A_102] : memref<5056x128xf32, #tpu.memory_space<vmem_shared>> -> memref<5056x128xf32, #tpu.memory_space<vmem_shared>>
        tpu.enqueue_indirect_dma source(%dma_start3A_103 : memref<5056x128xf32, #tpu.memory_space<vmem_shared>>) target(%arg13 : memref<24x128xf32, #tpu.memory_space<vmem>>) offsets(%dma_start3A_100 : memref<24xi32, #tpu.memory_space<vmem>>) semaphore(%arg15 : memref<!tpu.dma_semaphore, #tpu.memory_space<semaphore_mem>>)
        "tpu.region"() ({
          %run_scoped3A_104 = tpu.sem_alloc : memref<!tpu.dma_semaphore, #tpu.memory_space<semaphore_mem>>
          %dma_start3A_105 = arith.constant 0 : i32
          %dma_start3A_106 = tpu.memref_slice %arg12[%add3A_89, %dma_start3A_105] : memref<8x24xi32, #tpu.memory_space<vmem>> -> memref<1x24xi32, #tpu.memory_space<vmem>>
          %dma_start3A_107 = tpu.memref_squeeze %dma_start3A_106 : memref<1x24xi32, #tpu.memory_space<vmem>> -> memref<24xi32, #tpu.memory_space<vmem>>
          %dma_start3A_108 = arith.constant 0 : i32
          %dma_start3A_109 = arith.constant 0 : i32
          %dma_start3A_110 = tpu.memref_slice %arg9[%dma_start3A_108, %dma_start3A_109] : memref<10112x128xf32, #tpu.memory_space<vmem_shared>> -> memref<10112x128xf32, #tpu.memory_space<vmem_shared>>
          tpu.enqueue_indirect_dma source(%arg14 : memref<24x128xf32, #tpu.memory_space<vmem>>) target(%dma_start3A_110 : memref<10112x128xf32, #tpu.memory_space<vmem_shared>>) offsets(%dma_start3A_107 : memref<24xi32, #tpu.memory_space<vmem>>) semaphore(%run_scoped3A_104 : memref<!tpu.dma_semaphore, #tpu.memory_space<semaphore_mem>>) {add = true}
          %dma_wait3A_111 = arith.constant 0 : i32
          %dma_wait3A_112 = tpu.memref_slice %arg12[%add3A_89, %dma_wait3A_111] : memref<8x24xi32, #tpu.memory_space<vmem>> -> memref<1x24xi32, #tpu.memory_space<vmem>>
          %dma_wait3A_113 = tpu.memref_squeeze %dma_wait3A_112 : memref<1x24xi32, #tpu.memory_space<vmem>> -> memref<24xi32, #tpu.memory_space<vmem>>
          %dma_wait3A_114 = arith.constant 0 : i32
          %dma_wait3A_115 = arith.constant 0 : i32
          %dma_wait3A_116 = tpu.memref_slice %arg9[%dma_wait3A_114, %dma_wait3A_115] : memref<10112x128xf32, #tpu.memory_space<vmem_shared>> -> memref<10112x128xf32, #tpu.memory_space<vmem_shared>>
          tpu.wait_indirect_dma semaphore(%run_scoped3A_104 : memref<!tpu.dma_semaphore, #tpu.memory_space<semaphore_mem>>) src(%arg14 : memref<24x128xf32, #tpu.memory_space<vmem>>) dst(%dma_wait3A_116 : memref<10112x128xf32, #tpu.memory_space<vmem_shared>>)
          tpu.yield
        }) : () -> ()
      }
      %scan3A_45 = arith.constant 3 : i32
      %dma_wait3A = arith.constant 6 : i32
      %dma_wait3A_46 = arith.constant 0 : i32
      %dma_wait3A_47 = tpu.memref_slice %arg11[%dma_wait3A, %dma_wait3A_46] : memref<8x24xi32, #tpu.memory_space<vmem>> -> memref<1x24xi32, #tpu.memory_space<vmem>>
      %dma_wait3A_48 = tpu.memref_squeeze %dma_wait3A_47 : memref<1x24xi32, #tpu.memory_space<vmem>> -> memref<24xi32, #tpu.memory_space<vmem>>
      %dma_wait3A_49 = arith.constant 0 : i32
      %dma_wait3A_50 = arith.constant 0 : i32
      %dma_wait3A_51 = tpu.memref_slice %arg10[%dma_wait3A_49, %dma_wait3A_50] : memref<5056x128xf32, #tpu.memory_space<vmem_shared>> -> memref<5056x128xf32, #tpu.memory_space<vmem_shared>>
      tpu.wait_indirect_dma semaphore(%arg15 : memref<!tpu.dma_semaphore, #tpu.memory_space<semaphore_mem>>) src(%dma_wait3A_51 : memref<5056x128xf32, #tpu.memory_space<vmem_shared>>) dst(%arg13 : memref<24x128xf32, #tpu.memory_space<vmem>>)
      %dma_start3A_52 = arith.constant 7 : i32
      %dma_start3A_53 = arith.constant 0 : i32
      %dma_start3A_54 = tpu.memref_slice %arg11[%dma_start3A_52, %dma_start3A_53] : memref<8x24xi32, #tpu.memory_space<vmem>> -> memref<1x24xi32, #tpu.memory_space<vmem>>
      %dma_start3A_55 = tpu.memref_squeeze %dma_start3A_54 : memref<1x24xi32, #tpu.memory_space<vmem>> -> memref<24xi32, #tpu.memory_space<vmem>>
      %dma_start3A_56 = arith.constant 0 : i32
      %dma_start3A_57 = arith.constant 0 : i32
      %dma_start3A_58 = tpu.memref_slice %arg10[%dma_start3A_56, %dma_start3A_57] : memref<5056x128xf32, #tpu.memory_space<vmem_shared>> -> memref<5056x128xf32, #tpu.memory_space<vmem_shared>>
      tpu.enqueue_indirect_dma source(%dma_start3A_58 : memref<5056x128xf32, #tpu.memory_space<vmem_shared>>) target(%arg14 : memref<24x128xf32, #tpu.memory_space<vmem>>) offsets(%dma_start3A_55 : memref<24xi32, #tpu.memory_space<vmem>>) semaphore(%arg16 : memref<!tpu.dma_semaphore, #tpu.memory_space<semaphore_mem>>)
      %run_scoped3A = arith.constant 6 : i32
      "tpu.region"() ({
        %run_scoped3A_67 = tpu.sem_alloc : memref<!tpu.dma_semaphore, #tpu.memory_space<semaphore_mem>>
        %dma_start3A_68 = arith.constant 0 : i32
        %dma_start3A_69 = tpu.memref_slice %arg12[%run_scoped3A, %dma_start3A_68] : memref<8x24xi32, #tpu.memory_space<vmem>> -> memref<1x24xi32, #tpu.memory_space<vmem>>
        %dma_start3A_70 = tpu.memref_squeeze %dma_start3A_69 : memref<1x24xi32, #tpu.memory_space<vmem>> -> memref<24xi32, #tpu.memory_space<vmem>>
        %dma_start3A_71 = arith.constant 0 : i32
        %dma_start3A_72 = arith.constant 0 : i32
        %dma_start3A_73 = tpu.memref_slice %arg9[%dma_start3A_71, %dma_start3A_72] : memref<10112x128xf32, #tpu.memory_space<vmem_shared>> -> memref<10112x128xf32, #tpu.memory_space<vmem_shared>>
        tpu.enqueue_indirect_dma source(%arg13 : memref<24x128xf32, #tpu.memory_space<vmem>>) target(%dma_start3A_73 : memref<10112x128xf32, #tpu.memory_space<vmem_shared>>) offsets(%dma_start3A_70 : memref<24xi32, #tpu.memory_space<vmem>>) semaphore(%run_scoped3A_67 : memref<!tpu.dma_semaphore, #tpu.memory_space<semaphore_mem>>) {add = true}
        %dma_wait3A_74 = arith.constant 0 : i32
        %dma_wait3A_75 = tpu.memref_slice %arg12[%run_scoped3A, %dma_wait3A_74] : memref<8x24xi32, #tpu.memory_space<vmem>> -> memref<1x24xi32, #tpu.memory_space<vmem>>
        %dma_wait3A_76 = tpu.memref_squeeze %dma_wait3A_75 : memref<1x24xi32, #tpu.memory_space<vmem>> -> memref<24xi32, #tpu.memory_space<vmem>>
        %dma_wait3A_77 = arith.constant 0 : i32
        %dma_wait3A_78 = arith.constant 0 : i32
        %dma_wait3A_79 = tpu.memref_slice %arg9[%dma_wait3A_77, %dma_wait3A_78] : memref<10112x128xf32, #tpu.memory_space<vmem_shared>> -> memref<10112x128xf32, #tpu.memory_space<vmem_shared>>
        tpu.wait_indirect_dma semaphore(%run_scoped3A_67 : memref<!tpu.dma_semaphore, #tpu.memory_space<semaphore_mem>>) src(%arg13 : memref<24x128xf32, #tpu.memory_space<vmem>>) dst(%dma_wait3A_79 : memref<10112x128xf32, #tpu.memory_space<vmem_shared>>)
        tpu.yield
      }) : () -> ()
      %dma_wait3A_59 = arith.constant 7 : i32
      %dma_wait3A_60 = arith.constant 0 : i32
      %dma_wait3A_61 = tpu.memref_slice %arg11[%dma_wait3A_59, %dma_wait3A_60] : memref<8x24xi32, #tpu.memory_space<vmem>> -> memref<1x24xi32, #tpu.memory_space<vmem>>
      %dma_wait3A_62 = tpu.memref_squeeze %dma_wait3A_61 : memref<1x24xi32, #tpu.memory_space<vmem>> -> memref<24xi32, #tpu.memory_space<vmem>>
      %dma_wait3A_63 = arith.constant 0 : i32
      %dma_wait3A_64 = arith.constant 0 : i32
      %dma_wait3A_65 = tpu.memref_slice %arg10[%dma_wait3A_63, %dma_wait3A_64] : memref<5056x128xf32, #tpu.memory_space<vmem_shared>> -> memref<5056x128xf32, #tpu.memory_space<vmem_shared>>
      tpu.wait_indirect_dma semaphore(%arg16 : memref<!tpu.dma_semaphore, #tpu.memory_space<semaphore_mem>>) src(%dma_wait3A_65 : memref<5056x128xf32, #tpu.memory_space<vmem_shared>>) dst(%arg14 : memref<24x128xf32, #tpu.memory_space<vmem>>)
      %run_scoped3A_66 = arith.constant 7 : i32
      "tpu.region"() ({
        %run_scoped3A_67 = tpu.sem_alloc : memref<!tpu.dma_semaphore, #tpu.memory_space<semaphore_mem>>
        %dma_start3A_68 = arith.constant 0 : i32
        %dma_start3A_69 = tpu.memref_slice %arg12[%run_scoped3A_66, %dma_start3A_68] : memref<8x24xi32, #tpu.memory_space<vmem>> -> memref<1x24xi32, #tpu.memory_space<vmem>>
        %dma_start3A_70 = tpu.memref_squeeze %dma_start3A_69 : memref<1x24xi32, #tpu.memory_space<vmem>> -> memref<24xi32, #tpu.memory_space<vmem>>
        %dma_start3A_71 = arith.constant 0 : i32
        %dma_start3A_72 = arith.constant 0 : i32
        %dma_start3A_73 = tpu.memref_slice %arg9[%dma_start3A_71, %dma_start3A_72] : memref<10112x128xf32, #tpu.memory_space<vmem_shared>> -> memref<10112x128xf32, #tpu.memory_space<vmem_shared>>
        tpu.enqueue_indirect_dma source(%arg14 : memref<24x128xf32, #tpu.memory_space<vmem>>) target(%dma_start3A_73 : memref<10112x128xf32, #tpu.memory_space<vmem_shared>>) offsets(%dma_start3A_70 : memref<24xi32, #tpu.memory_space<vmem>>) semaphore(%run_scoped3A_67 : memref<!tpu.dma_semaphore, #tpu.memory_space<semaphore_mem>>) {add = true}
        %dma_wait3A_74 = arith.constant 0 : i32
        %dma_wait3A_75 = tpu.memref_slice %arg12[%run_scoped3A_66, %dma_wait3A_74] : memref<8x24xi32, #tpu.memory_space<vmem>> -> memref<1x24xi32, #tpu.memory_space<vmem>>
        %dma_wait3A_76 = tpu.memref_squeeze %dma_wait3A_75 : memref<1x24xi32, #tpu.memory_space<vmem>> -> memref<24xi32, #tpu.memory_space<vmem>>
        %dma_wait3A_77 = arith.constant 0 : i32
        %dma_wait3A_78 = arith.constant 0 : i32
        %dma_wait3A_79 = tpu.memref_slice %arg9[%dma_wait3A_77, %dma_wait3A_78] : memref<10112x128xf32, #tpu.memory_space<vmem_shared>> -> memref<10112x128xf32, #tpu.memory_space<vmem_shared>>
        tpu.wait_indirect_dma semaphore(%run_scoped3A_67 : memref<!tpu.dma_semaphore, #tpu.memory_space<semaphore_mem>>) src(%arg14 : memref<24x128xf32, #tpu.memory_space<vmem>>) dst(%dma_wait3A_79 : memref<10112x128xf32, #tpu.memory_space<vmem_shared>>)
        tpu.yield
      }) : () -> ()
    }
    %scan3A_9 = arith.constant 53 : i32
    %barrier3A_10 = arith.constant 0 : index
    tpu.barrier barrier_id(%barrier3A_10)
    %lt3A_11 = arith.constant 8 : i32
    %lt3A_12 = arith.cmpi slt, %arg1, %lt3A_11 : i32
    %convert_element_type3A_13 = arith.extui %lt3A_12 : i1 to i32
    %cond3A_14 = arith.constant 0 : i32
    %cond3A_15 = arith.cmpi ne, %convert_element_type3A_13, %cond3A_14 : i32
    scf.if %cond3A_15 {
      %mul3A_28 = arith.constant 632 : i32
      %mul3A_29 = arith.muli %arg1, %mul3A_28 : i32
      %add3A_30 = arith.constant 5056 : i32
      %add3A_31 = arith.addi %add3A_30, %mul3A_29 : i32
      %mul3A_32 = arith.constant 632 : i32
      %mul3A_33 = arith.muli %arg1, %mul3A_32 : i32
      "tpu.region"() ({
        %run_scoped3A = tpu.sem_alloc : memref<!tpu.dma_semaphore, #tpu.memory_space<semaphore_mem>>
        %dma_start3A = arith.constant 0 : i32
        %dma_start3A_34 = tpu.memref_slice %arg10[%mul3A_33, %dma_start3A] : memref<5056x128xf32, #tpu.memory_space<vmem_shared>> -> memref<632x128xf32, #tpu.memory_space<vmem_shared>>
        %dma_start3A_35 = arith.constant 0 : i32
        %dma_start3A_36 = tpu.memref_slice %arg2[%add3A_31, %dma_start3A_35] : memref<10112x128xf32, #tpu.memory_space<hbm>> -> memref<632x128xf32, #tpu.memory_space<hbm>>
        tpu.enqueue_dma source(%dma_start3A_36 : memref<632x128xf32, #tpu.memory_space<hbm>>) target(%dma_start3A_34 : memref<632x128xf32, #tpu.memory_space<vmem_shared>>) target_semaphore(%run_scoped3A : memref<!tpu.dma_semaphore, #tpu.memory_space<semaphore_mem>>)
        %dma_wait3A = arith.constant 0 : i32
        %dma_wait3A_37 = tpu.memref_slice %arg10[%mul3A_33, %dma_wait3A] : memref<5056x128xf32, #tpu.memory_space<vmem_shared>> -> memref<632x128xf32, #tpu.memory_space<vmem_shared>>
        %dma_wait3A_38 = arith.constant 0 : i32
        %dma_wait3A_39 = tpu.memref_slice %arg2[%add3A_31, %dma_wait3A_38] : memref<10112x128xf32, #tpu.memory_space<hbm>> -> memref<632x128xf32, #tpu.memory_space<hbm>>
        tpu.wait_dma2 semaphore(%run_scoped3A : memref<!tpu.dma_semaphore, #tpu.memory_space<semaphore_mem>>) src(%dma_wait3A_39 : memref<632x128xf32, #tpu.memory_space<hbm>>) dst(%dma_wait3A_37 : memref<632x128xf32, #tpu.memory_space<vmem_shared>>)
        tpu.yield
      }) : () -> ()
    } else {
    }
    %barrier3A_16 = arith.constant 0 : index
    tpu.barrier barrier_id(%barrier3A_16)
    %scan3A_17 = arith.constant 0 : i32
    %scan3A_18 = arith.constant 0 : i32
    %scan3A_19 = arith.constant 53 : i32
    %scan3A_20 = arith.addi %scan3A_18, %scan3A_19 : i32
    %scan3A_21 = arith.constant 1 : i32
    scf.for %scan3A_28 = %scan3A_18 to %scan3A_20 step %scan3A_21  : i32 {
      %mul3A_29 = arith.constant 424 : i32
      %mul3A_30 = arith.muli %add3A, %mul3A_29 : i32
      %mul3A_31 = arith.constant 8 : i32
      %mul3A_32 = arith.muli %scan3A_28, %mul3A_31 : i32
      %add3A_33 = arith.addi %mul3A_30, %mul3A_32 : i32
      "tpu.region"() ({
        %run_scoped3A_67 = tpu.sem_alloc : memref<!tpu.dma_semaphore, #tpu.memory_space<semaphore_mem>>
        %dma_start3A_68 = arith.constant 0 : i32
        %dma_start3A_69 = tpu.memref_slice %arg5[%add3A_33, %dma_start3A_68] : memref<13568x24xi32, #tpu.memory_space<hbm>> -> memref<8x24xi32, #tpu.memory_space<hbm>>
        %dma_start3A_70 = arith.constant 0 : i32
        %dma_start3A_71 = tpu.memref_slice %arg5[%add3A_33, %dma_start3A_70] : memref<13568x24xi32, #tpu.memory_space<hbm>> -> memref<8x24xi32, #tpu.memory_space<hbm>>
        tpu.enqueue_dma source(%dma_start3A_71 : memref<8x24xi32, #tpu.memory_space<hbm>>) target(%arg11 : memref<8x24xi32, #tpu.memory_space<vmem>>) target_semaphore(%run_scoped3A_67 : memref<!tpu.dma_semaphore, #tpu.memory_space<semaphore_mem>>)
        %dma_wait3A_72 = arith.constant 0 : i32
        %dma_wait3A_73 = tpu.memref_slice %arg5[%add3A_33, %dma_wait3A_72] : memref<13568x24xi32, #tpu.memory_space<hbm>> -> memref<8x24xi32, #tpu.memory_space<hbm>>
        %dma_wait3A_74 = arith.constant 0 : i32
        %dma_wait3A_75 = tpu.memref_slice %arg5[%add3A_33, %dma_wait3A_74] : memref<13568x24xi32, #tpu.memory_space<hbm>> -> memref<8x24xi32, #tpu.memory_space<hbm>>
        tpu.wait_dma2 semaphore(%run_scoped3A_67 : memref<!tpu.dma_semaphore, #tpu.memory_space<semaphore_mem>>) src(%dma_wait3A_75 : memref<8x24xi32, #tpu.memory_space<hbm>>) dst(%arg11 : memref<8x24xi32, #tpu.memory_space<vmem>>)
        tpu.yield
      }) : () -> ()
      "tpu.region"() ({
        %run_scoped3A_67 = tpu.sem_alloc : memref<!tpu.dma_semaphore, #tpu.memory_space<semaphore_mem>>
        %dma_start3A_68 = arith.constant 0 : i32
        %dma_start3A_69 = tpu.memref_slice %arg6[%add3A_33, %dma_start3A_68] : memref<13568x24xi32, #tpu.memory_space<hbm>> -> memref<8x24xi32, #tpu.memory_space<hbm>>
        %dma_start3A_70 = arith.constant 0 : i32
        %dma_start3A_71 = tpu.memref_slice %arg6[%add3A_33, %dma_start3A_70] : memref<13568x24xi32, #tpu.memory_space<hbm>> -> memref<8x24xi32, #tpu.memory_space<hbm>>
        tpu.enqueue_dma source(%dma_start3A_71 : memref<8x24xi32, #tpu.memory_space<hbm>>) target(%arg12 : memref<8x24xi32, #tpu.memory_space<vmem>>) target_semaphore(%run_scoped3A_67 : memref<!tpu.dma_semaphore, #tpu.memory_space<semaphore_mem>>)
        %dma_wait3A_72 = arith.constant 0 : i32
        %dma_wait3A_73 = tpu.memref_slice %arg6[%add3A_33, %dma_wait3A_72] : memref<13568x24xi32, #tpu.memory_space<hbm>> -> memref<8x24xi32, #tpu.memory_space<hbm>>
        %dma_wait3A_74 = arith.constant 0 : i32
        %dma_wait3A_75 = tpu.memref_slice %arg6[%add3A_33, %dma_wait3A_74] : memref<13568x24xi32, #tpu.memory_space<hbm>> -> memref<8x24xi32, #tpu.memory_space<hbm>>
        tpu.wait_dma2 semaphore(%run_scoped3A_67 : memref<!tpu.dma_semaphore, #tpu.memory_space<semaphore_mem>>) src(%dma_wait3A_75 : memref<8x24xi32, #tpu.memory_space<hbm>>) dst(%arg12 : memref<8x24xi32, #tpu.memory_space<vmem>>)
        tpu.yield
      }) : () -> ()
      %dma_start3A = arith.constant 0 : i32
      %dma_start3A_34 = arith.constant 0 : i32
      %dma_start3A_35 = tpu.memref_slice %arg11[%dma_start3A, %dma_start3A_34] : memref<8x24xi32, #tpu.memory_space<vmem>> -> memref<1x24xi32, #tpu.memory_space<vmem>>
      %dma_start3A_36 = tpu.memref_squeeze %dma_start3A_35 : memref<1x24xi32, #tpu.memory_space<vmem>> -> memref<24xi32, #tpu.memory_space<vmem>>
      %dma_start3A_37 = arith.constant 0 : i32
      %dma_start3A_38 = arith.constant 0 : i32
      %dma_start3A_39 = tpu.memref_slice %arg10[%dma_start3A_37, %dma_start3A_38] : memref<5056x128xf32, #tpu.memory_space<vmem_shared>> -> memref<5056x128xf32, #tpu.memory_space<vmem_shared>>
      tpu.enqueue_indirect_dma source(%dma_start3A_39 : memref<5056x128xf32, #tpu.memory_space<vmem_shared>>) target(%arg13 : memref<24x128xf32, #tpu.memory_space<vmem>>) offsets(%dma_start3A_36 : memref<24xi32, #tpu.memory_space<vmem>>) semaphore(%arg15 : memref<!tpu.dma_semaphore, #tpu.memory_space<semaphore_mem>>)
      %scan3A_40 = arith.constant 0 : i32
      %scan3A_41 = arith.constant 0 : i32
      %scan3A_42 = arith.constant 3 : i32
      %scan3A_43 = arith.addi %scan3A_41, %scan3A_42 : i32
      %scan3A_44 = arith.constant 1 : i32
      scf.for %scan3A_67 = %scan3A_41 to %scan3A_43 step %scan3A_44  : i32 {
        %mul3A_68 = arith.constant 2 : i32
        %mul3A_69 = arith.muli %mul3A_68, %scan3A_67 : i32
        %add3A_70 = arith.constant 0 : i32
        %add3A_71 = arith.addi %mul3A_69, %add3A_70 : i32
        %dma_wait3A_72 = arith.constant 0 : i32
        %dma_wait3A_73 = tpu.memref_slice %arg11[%add3A_71, %dma_wait3A_72] : memref<8x24xi32, #tpu.memory_space<vmem>> -> memref<1x24xi32, #tpu.memory_space<vmem>>
        %dma_wait3A_74 = tpu.memref_squeeze %dma_wait3A_73 : memref<1x24xi32, #tpu.memory_space<vmem>> -> memref<24xi32, #tpu.memory_space<vmem>>
        %dma_wait3A_75 = arith.constant 0 : i32
        %dma_wait3A_76 = arith.constant 0 : i32
        %dma_wait3A_77 = tpu.memref_slice %arg10[%dma_wait3A_75, %dma_wait3A_76] : memref<5056x128xf32, #tpu.memory_space<vmem_shared>> -> memref<5056x128xf32, #tpu.memory_space<vmem_shared>>
        tpu.wait_indirect_dma semaphore(%arg15 : memref<!tpu.dma_semaphore, #tpu.memory_space<semaphore_mem>>) src(%dma_wait3A_77 : memref<5056x128xf32, #tpu.memory_space<vmem_shared>>) dst(%arg13 : memref<24x128xf32, #tpu.memory_space<vmem>>)
        %add3A_78 = arith.constant 1 : i32
        %add3A_79 = arith.addi %add3A_71, %add3A_78 : i32
        %dma_start3A_80 = arith.constant 0 : i32
        %dma_start3A_81 = tpu.memref_slice %arg11[%add3A_79, %dma_start3A_80] : memref<8x24xi32, #tpu.memory_space<vmem>> -> memref<1x24xi32, #tpu.memory_space<vmem>>
        %dma_start3A_82 = tpu.memref_squeeze %dma_start3A_81 : memref<1x24xi32, #tpu.memory_space<vmem>> -> memref<24xi32, #tpu.memory_space<vmem>>
        %dma_start3A_83 = arith.constant 0 : i32
        %dma_start3A_84 = arith.constant 0 : i32
        %dma_start3A_85 = tpu.memref_slice %arg10[%dma_start3A_83, %dma_start3A_84] : memref<5056x128xf32, #tpu.memory_space<vmem_shared>> -> memref<5056x128xf32, #tpu.memory_space<vmem_shared>>
        tpu.enqueue_indirect_dma source(%dma_start3A_85 : memref<5056x128xf32, #tpu.memory_space<vmem_shared>>) target(%arg14 : memref<24x128xf32, #tpu.memory_space<vmem>>) offsets(%dma_start3A_82 : memref<24xi32, #tpu.memory_space<vmem>>) semaphore(%arg16 : memref<!tpu.dma_semaphore, #tpu.memory_space<semaphore_mem>>)
        "tpu.region"() ({
          %run_scoped3A_104 = tpu.sem_alloc : memref<!tpu.dma_semaphore, #tpu.memory_space<semaphore_mem>>
          %dma_start3A_105 = arith.constant 0 : i32
          %dma_start3A_106 = tpu.memref_slice %arg12[%add3A_71, %dma_start3A_105] : memref<8x24xi32, #tpu.memory_space<vmem>> -> memref<1x24xi32, #tpu.memory_space<vmem>>
          %dma_start3A_107 = tpu.memref_squeeze %dma_start3A_106 : memref<1x24xi32, #tpu.memory_space<vmem>> -> memref<24xi32, #tpu.memory_space<vmem>>
          %dma_start3A_108 = arith.constant 0 : i32
          %dma_start3A_109 = arith.constant 0 : i32
          %dma_start3A_110 = tpu.memref_slice %arg9[%dma_start3A_108, %dma_start3A_109] : memref<10112x128xf32, #tpu.memory_space<vmem_shared>> -> memref<10112x128xf32, #tpu.memory_space<vmem_shared>>
          tpu.enqueue_indirect_dma source(%arg13 : memref<24x128xf32, #tpu.memory_space<vmem>>) target(%dma_start3A_110 : memref<10112x128xf32, #tpu.memory_space<vmem_shared>>) offsets(%dma_start3A_107 : memref<24xi32, #tpu.memory_space<vmem>>) semaphore(%run_scoped3A_104 : memref<!tpu.dma_semaphore, #tpu.memory_space<semaphore_mem>>) {add = true}
          %dma_wait3A_111 = arith.constant 0 : i32
          %dma_wait3A_112 = tpu.memref_slice %arg12[%add3A_71, %dma_wait3A_111] : memref<8x24xi32, #tpu.memory_space<vmem>> -> memref<1x24xi32, #tpu.memory_space<vmem>>
          %dma_wait3A_113 = tpu.memref_squeeze %dma_wait3A_112 : memref<1x24xi32, #tpu.memory_space<vmem>> -> memref<24xi32, #tpu.memory_space<vmem>>
          %dma_wait3A_114 = arith.constant 0 : i32
          %dma_wait3A_115 = arith.constant 0 : i32
          %dma_wait3A_116 = tpu.memref_slice %arg9[%dma_wait3A_114, %dma_wait3A_115] : memref<10112x128xf32, #tpu.memory_space<vmem_shared>> -> memref<10112x128xf32, #tpu.memory_space<vmem_shared>>
          tpu.wait_indirect_dma semaphore(%run_scoped3A_104 : memref<!tpu.dma_semaphore, #tpu.memory_space<semaphore_mem>>) src(%arg13 : memref<24x128xf32, #tpu.memory_space<vmem>>) dst(%dma_wait3A_116 : memref<10112x128xf32, #tpu.memory_space<vmem_shared>>)
          tpu.yield
        }) : () -> ()
        %mul3A_86 = arith.constant 2 : i32
        %mul3A_87 = arith.muli %mul3A_86, %scan3A_67 : i32
        %add3A_88 = arith.constant 1 : i32
        %add3A_89 = arith.addi %mul3A_87, %add3A_88 : i32
        %dma_wait3A_90 = arith.constant 0 : i32
        %dma_wait3A_91 = tpu.memref_slice %arg11[%add3A_89, %dma_wait3A_90] : memref<8x24xi32, #tpu.memory_space<vmem>> -> memref<1x24xi32, #tpu.memory_space<vmem>>
        %dma_wait3A_92 = tpu.memref_squeeze %dma_wait3A_91 : memref<1x24xi32, #tpu.memory_space<vmem>> -> memref<24xi32, #tpu.memory_space<vmem>>
        %dma_wait3A_93 = arith.constant 0 : i32
        %dma_wait3A_94 = arith.constant 0 : i32
        %dma_wait3A_95 = tpu.memref_slice %arg10[%dma_wait3A_93, %dma_wait3A_94] : memref<5056x128xf32, #tpu.memory_space<vmem_shared>> -> memref<5056x128xf32, #tpu.memory_space<vmem_shared>>
        tpu.wait_indirect_dma semaphore(%arg16 : memref<!tpu.dma_semaphore, #tpu.memory_space<semaphore_mem>>) src(%dma_wait3A_95 : memref<5056x128xf32, #tpu.memory_space<vmem_shared>>) dst(%arg14 : memref<24x128xf32, #tpu.memory_space<vmem>>)
        %add3A_96 = arith.constant 1 : i32
        %add3A_97 = arith.addi %add3A_89, %add3A_96 : i32
        %dma_start3A_98 = arith.constant 0 : i32
        %dma_start3A_99 = tpu.memref_slice %arg11[%add3A_97, %dma_start3A_98] : memref<8x24xi32, #tpu.memory_space<vmem>> -> memref<1x24xi32, #tpu.memory_space<vmem>>
        %dma_start3A_100 = tpu.memref_squeeze %dma_start3A_99 : memref<1x24xi32, #tpu.memory_space<vmem>> -> memref<24xi32, #tpu.memory_space<vmem>>
        %dma_start3A_101 = arith.constant 0 : i32
        %dma_start3A_102 = arith.constant 0 : i32
        %dma_start3A_103 = tpu.memref_slice %arg10[%dma_start3A_101, %dma_start3A_102] : memref<5056x128xf32, #tpu.memory_space<vmem_shared>> -> memref<5056x128xf32, #tpu.memory_space<vmem_shared>>
        tpu.enqueue_indirect_dma source(%dma_start3A_103 : memref<5056x128xf32, #tpu.memory_space<vmem_shared>>) target(%arg13 : memref<24x128xf32, #tpu.memory_space<vmem>>) offsets(%dma_start3A_100 : memref<24xi32, #tpu.memory_space<vmem>>) semaphore(%arg15 : memref<!tpu.dma_semaphore, #tpu.memory_space<semaphore_mem>>)
        "tpu.region"() ({
          %run_scoped3A_104 = tpu.sem_alloc : memref<!tpu.dma_semaphore, #tpu.memory_space<semaphore_mem>>
          %dma_start3A_105 = arith.constant 0 : i32
          %dma_start3A_106 = tpu.memref_slice %arg12[%add3A_89, %dma_start3A_105] : memref<8x24xi32, #tpu.memory_space<vmem>> -> memref<1x24xi32, #tpu.memory_space<vmem>>
          %dma_start3A_107 = tpu.memref_squeeze %dma_start3A_106 : memref<1x24xi32, #tpu.memory_space<vmem>> -> memref<24xi32, #tpu.memory_space<vmem>>
          %dma_start3A_108 = arith.constant 0 : i32
          %dma_start3A_109 = arith.constant 0 : i32
          %dma_start3A_110 = tpu.memref_slice %arg9[%dma_start3A_108, %dma_start3A_109] : memref<10112x128xf32, #tpu.memory_space<vmem_shared>> -> memref<10112x128xf32, #tpu.memory_space<vmem_shared>>
          tpu.enqueue_indirect_dma source(%arg14 : memref<24x128xf32, #tpu.memory_space<vmem>>) target(%dma_start3A_110 : memref<10112x128xf32, #tpu.memory_space<vmem_shared>>) offsets(%dma_start3A_107 : memref<24xi32, #tpu.memory_space<vmem>>) semaphore(%run_scoped3A_104 : memref<!tpu.dma_semaphore, #tpu.memory_space<semaphore_mem>>) {add = true}
          %dma_wait3A_111 = arith.constant 0 : i32
          %dma_wait3A_112 = tpu.memref_slice %arg12[%add3A_89, %dma_wait3A_111] : memref<8x24xi32, #tpu.memory_space<vmem>> -> memref<1x24xi32, #tpu.memory_space<vmem>>
          %dma_wait3A_113 = tpu.memref_squeeze %dma_wait3A_112 : memref<1x24xi32, #tpu.memory_space<vmem>> -> memref<24xi32, #tpu.memory_space<vmem>>
          %dma_wait3A_114 = arith.constant 0 : i32
          %dma_wait3A_115 = arith.constant 0 : i32
          %dma_wait3A_116 = tpu.memref_slice %arg9[%dma_wait3A_114, %dma_wait3A_115] : memref<10112x128xf32, #tpu.memory_space<vmem_shared>> -> memref<10112x128xf32, #tpu.memory_space<vmem_shared>>
          tpu.wait_indirect_dma semaphore(%run_scoped3A_104 : memref<!tpu.dma_semaphore, #tpu.memory_space<semaphore_mem>>) src(%arg14 : memref<24x128xf32, #tpu.memory_space<vmem>>) dst(%dma_wait3A_116 : memref<10112x128xf32, #tpu.memory_space<vmem_shared>>)
          tpu.yield
        }) : () -> ()
      }
      %scan3A_45 = arith.constant 3 : i32
      %dma_wait3A = arith.constant 6 : i32
      %dma_wait3A_46 = arith.constant 0 : i32
      %dma_wait3A_47 = tpu.memref_slice %arg11[%dma_wait3A, %dma_wait3A_46] : memref<8x24xi32, #tpu.memory_space<vmem>> -> memref<1x24xi32, #tpu.memory_space<vmem>>
      %dma_wait3A_48 = tpu.memref_squeeze %dma_wait3A_47 : memref<1x24xi32, #tpu.memory_space<vmem>> -> memref<24xi32, #tpu.memory_space<vmem>>
      %dma_wait3A_49 = arith.constant 0 : i32
      %dma_wait3A_50 = arith.constant 0 : i32
      %dma_wait3A_51 = tpu.memref_slice %arg10[%dma_wait3A_49, %dma_wait3A_50] : memref<5056x128xf32, #tpu.memory_space<vmem_shared>> -> memref<5056x128xf32, #tpu.memory_space<vmem_shared>>
      tpu.wait_indirect_dma semaphore(%arg15 : memref<!tpu.dma_semaphore, #tpu.memory_space<semaphore_mem>>) src(%dma_wait3A_51 : memref<5056x128xf32, #tpu.memory_space<vmem_shared>>) dst(%arg13 : memref<24x128xf32, #tpu.memory_space<vmem>>)
      %dma_start3A_52 = arith.constant 7 : i32
      %dma_start3A_53 = arith.constant 0 : i32
      %dma_start3A_54 = tpu.memref_slice %arg11[%dma_start3A_52, %dma_start3A_53] : memref<8x24xi32, #tpu.memory_space<vmem>> -> memref<1x24xi32, #tpu.memory_space<vmem>>
      %dma_start3A_55 = tpu.memref_squeeze %dma_start3A_54 : memref<1x24xi32, #tpu.memory_space<vmem>> -> memref<24xi32, #tpu.memory_space<vmem>>
      %dma_start3A_56 = arith.constant 0 : i32
      %dma_start3A_57 = arith.constant 0 : i32
      %dma_start3A_58 = tpu.memref_slice %arg10[%dma_start3A_56, %dma_start3A_57] : memref<5056x128xf32, #tpu.memory_space<vmem_shared>> -> memref<5056x128xf32, #tpu.memory_space<vmem_shared>>
      tpu.enqueue_indirect_dma source(%dma_start3A_58 : memref<5056x128xf32, #tpu.memory_space<vmem_shared>>) target(%arg14 : memref<24x128xf32, #tpu.memory_space<vmem>>) offsets(%dma_start3A_55 : memref<24xi32, #tpu.memory_space<vmem>>) semaphore(%arg16 : memref<!tpu.dma_semaphore, #tpu.memory_space<semaphore_mem>>)
      %run_scoped3A = arith.constant 6 : i32
      "tpu.region"() ({
        %run_scoped3A_67 = tpu.sem_alloc : memref<!tpu.dma_semaphore, #tpu.memory_space<semaphore_mem>>
        %dma_start3A_68 = arith.constant 0 : i32
        %dma_start3A_69 = tpu.memref_slice %arg12[%run_scoped3A, %dma_start3A_68] : memref<8x24xi32, #tpu.memory_space<vmem>> -> memref<1x24xi32, #tpu.memory_space<vmem>>
        %dma_start3A_70 = tpu.memref_squeeze %dma_start3A_69 : memref<1x24xi32, #tpu.memory_space<vmem>> -> memref<24xi32, #tpu.memory_space<vmem>>
        %dma_start3A_71 = arith.constant 0 : i32
        %dma_start3A_72 = arith.constant 0 : i32
        %dma_start3A_73 = tpu.memref_slice %arg9[%dma_start3A_71, %dma_start3A_72] : memref<10112x128xf32, #tpu.memory_space<vmem_shared>> -> memref<10112x128xf32, #tpu.memory_space<vmem_shared>>
        tpu.enqueue_indirect_dma source(%arg13 : memref<24x128xf32, #tpu.memory_space<vmem>>) target(%dma_start3A_73 : memref<10112x128xf32, #tpu.memory_space<vmem_shared>>) offsets(%dma_start3A_70 : memref<24xi32, #tpu.memory_space<vmem>>) semaphore(%run_scoped3A_67 : memref<!tpu.dma_semaphore, #tpu.memory_space<semaphore_mem>>) {add = true}
        %dma_wait3A_74 = arith.constant 0 : i32
        %dma_wait3A_75 = tpu.memref_slice %arg12[%run_scoped3A, %dma_wait3A_74] : memref<8x24xi32, #tpu.memory_space<vmem>> -> memref<1x24xi32, #tpu.memory_space<vmem>>
        %dma_wait3A_76 = tpu.memref_squeeze %dma_wait3A_75 : memref<1x24xi32, #tpu.memory_space<vmem>> -> memref<24xi32, #tpu.memory_space<vmem>>
        %dma_wait3A_77 = arith.constant 0 : i32
        %dma_wait3A_78 = arith.constant 0 : i32
        %dma_wait3A_79 = tpu.memref_slice %arg9[%dma_wait3A_77, %dma_wait3A_78] : memref<10112x128xf32, #tpu.memory_space<vmem_shared>> -> memref<10112x128xf32, #tpu.memory_space<vmem_shared>>
        tpu.wait_indirect_dma semaphore(%run_scoped3A_67 : memref<!tpu.dma_semaphore, #tpu.memory_space<semaphore_mem>>) src(%arg13 : memref<24x128xf32, #tpu.memory_space<vmem>>) dst(%dma_wait3A_79 : memref<10112x128xf32, #tpu.memory_space<vmem_shared>>)
        tpu.yield
      }) : () -> ()
      %dma_wait3A_59 = arith.constant 7 : i32
      %dma_wait3A_60 = arith.constant 0 : i32
      %dma_wait3A_61 = tpu.memref_slice %arg11[%dma_wait3A_59, %dma_wait3A_60] : memref<8x24xi32, #tpu.memory_space<vmem>> -> memref<1x24xi32, #tpu.memory_space<vmem>>
      %dma_wait3A_62 = tpu.memref_squeeze %dma_wait3A_61 : memref<1x24xi32, #tpu.memory_space<vmem>> -> memref<24xi32, #tpu.memory_space<vmem>>
      %dma_wait3A_63 = arith.constant 0 : i32
      %dma_wait3A_64 = arith.constant 0 : i32
      %dma_wait3A_65 = tpu.memref_slice %arg10[%dma_wait3A_63, %dma_wait3A_64] : memref<5056x128xf32, #tpu.memory_space<vmem_shared>> -> memref<5056x128xf32, #tpu.memory_space<vmem_shared>>
      tpu.wait_indirect_dma semaphore(%arg16 : memref<!tpu.dma_semaphore, #tpu.memory_space<semaphore_mem>>) src(%dma_wait3A_65 : memref<5056x128xf32, #tpu.memory_space<vmem_shared>>) dst(%arg14 : memref<24x128xf32, #tpu.memory_space<vmem>>)
      %run_scoped3A_66 = arith.constant 7 : i32
      "tpu.region"() ({
        %run_scoped3A_67 = tpu.sem_alloc : memref<!tpu.dma_semaphore, #tpu.memory_space<semaphore_mem>>
        %dma_start3A_68 = arith.constant 0 : i32
        %dma_start3A_69 = tpu.memref_slice %arg12[%run_scoped3A_66, %dma_start3A_68] : memref<8x24xi32, #tpu.memory_space<vmem>> -> memref<1x24xi32, #tpu.memory_space<vmem>>
        %dma_start3A_70 = tpu.memref_squeeze %dma_start3A_69 : memref<1x24xi32, #tpu.memory_space<vmem>> -> memref<24xi32, #tpu.memory_space<vmem>>
        %dma_start3A_71 = arith.constant 0 : i32
        %dma_start3A_72 = arith.constant 0 : i32
        %dma_start3A_73 = tpu.memref_slice %arg9[%dma_start3A_71, %dma_start3A_72] : memref<10112x128xf32, #tpu.memory_space<vmem_shared>> -> memref<10112x128xf32, #tpu.memory_space<vmem_shared>>
        tpu.enqueue_indirect_dma source(%arg14 : memref<24x128xf32, #tpu.memory_space<vmem>>) target(%dma_start3A_73 : memref<10112x128xf32, #tpu.memory_space<vmem_shared>>) offsets(%dma_start3A_70 : memref<24xi32, #tpu.memory_space<vmem>>) semaphore(%run_scoped3A_67 : memref<!tpu.dma_semaphore, #tpu.memory_space<semaphore_mem>>) {add = true}
        %dma_wait3A_74 = arith.constant 0 : i32
        %dma_wait3A_75 = tpu.memref_slice %arg12[%run_scoped3A_66, %dma_wait3A_74] : memref<8x24xi32, #tpu.memory_space<vmem>> -> memref<1x24xi32, #tpu.memory_space<vmem>>
        %dma_wait3A_76 = tpu.memref_squeeze %dma_wait3A_75 : memref<1x24xi32, #tpu.memory_space<vmem>> -> memref<24xi32, #tpu.memory_space<vmem>>
        %dma_wait3A_77 = arith.constant 0 : i32
        %dma_wait3A_78 = arith.constant 0 : i32
        %dma_wait3A_79 = tpu.memref_slice %arg9[%dma_wait3A_77, %dma_wait3A_78] : memref<10112x128xf32, #tpu.memory_space<vmem_shared>> -> memref<10112x128xf32, #tpu.memory_space<vmem_shared>>
        tpu.wait_indirect_dma semaphore(%run_scoped3A_67 : memref<!tpu.dma_semaphore, #tpu.memory_space<semaphore_mem>>) src(%arg14 : memref<24x128xf32, #tpu.memory_space<vmem>>) dst(%dma_wait3A_79 : memref<10112x128xf32, #tpu.memory_space<vmem_shared>>)
        tpu.yield
      }) : () -> ()
    }
    %scan3A_22 = arith.constant 53 : i32
    %barrier3A_23 = arith.constant 0 : index
    tpu.barrier barrier_id(%barrier3A_23)
    %mul3A_24 = arith.constant 632 : i32
    %mul3A_25 = arith.muli %arg1, %mul3A_24 : i32
    %mul3A_26 = arith.constant 632 : i32
    %mul3A_27 = arith.muli %arg1, %mul3A_26 : i32
    "tpu.region"() ({
      %run_scoped3A = tpu.sem_alloc : memref<!tpu.dma_semaphore, #tpu.memory_space<semaphore_mem>>
      %dma_start3A = arith.constant 0 : i32
      %dma_start3A_28 = tpu.memref_slice %arg8[%arg0, %mul3A_27, %dma_start3A] : memref<2x10112x128xf32, #tpu.memory_space<hbm>> -> memref<1x632x128xf32, #tpu.memory_space<hbm>>
      %dma_start3A_29 = tpu.memref_squeeze %dma_start3A_28 : memref<1x632x128xf32, #tpu.memory_space<hbm>> -> memref<632x128xf32, #tpu.memory_space<hbm>>
      %dma_start3A_30 = arith.constant 0 : i32
      %dma_start3A_31 = tpu.memref_slice %arg9[%mul3A_25, %dma_start3A_30] : memref<10112x128xf32, #tpu.memory_space<vmem_shared>> -> memref<632x128xf32, #tpu.memory_space<vmem_shared>>
      tpu.enqueue_dma source(%dma_start3A_31 : memref<632x128xf32, #tpu.memory_space<vmem_shared>>) target(%dma_start3A_29 : memref<632x128xf32, #tpu.memory_space<hbm>>) target_semaphore(%run_scoped3A : memref<!tpu.dma_semaphore, #tpu.memory_space<semaphore_mem>>)
      %dma_wait3A = arith.constant 0 : i32
      %dma_wait3A_32 = tpu.memref_slice %arg8[%arg0, %mul3A_27, %dma_wait3A] : memref<2x10112x128xf32, #tpu.memory_space<hbm>> -> memref<1x632x128xf32, #tpu.memory_space<hbm>>
      %dma_wait3A_33 = tpu.memref_squeeze %dma_wait3A_32 : memref<1x632x128xf32, #tpu.memory_space<hbm>> -> memref<632x128xf32, #tpu.memory_space<hbm>>
      %dma_wait3A_34 = arith.constant 0 : i32
      %dma_wait3A_35 = tpu.memref_slice %arg9[%mul3A_25, %dma_wait3A_34] : memref<10112x128xf32, #tpu.memory_space<vmem_shared>> -> memref<632x128xf32, #tpu.memory_space<vmem_shared>>
      tpu.wait_dma2 semaphore(%run_scoped3A : memref<!tpu.dma_semaphore, #tpu.memory_space<semaphore_mem>>) src(%dma_wait3A_35 : memref<632x128xf32, #tpu.memory_space<vmem_shared>>) dst(%dma_wait3A_33 : memref<632x128xf32, #tpu.memory_space<hbm>>)
      tpu.yield
    }) : () -> ()
    return
  }
}

module attributes {stable_mosaic.version = 14 : i64} {
  func.func @body(%arg0: i32, %arg1: memref<2x1000x1xf32, #tpu.memory_space<vmem>>, %arg2: memref<1000x128xf32, #tpu.memory_space<vmem>>, %arg3: memref<128x128xf32, #tpu.memory_space<vmem>>, %arg4: memref<1000x128xf32, #tpu.memory_space<vmem>>, %arg5: memref<1000x1xf32, #tpu.memory_space<vmem>>) attributes {dimension_semantics = [#tpu.dimension_semantics<arbitrary>], iteration_bounds = array<i64: 10>, scalar_prefetch = 0 : i64, scratch_operands = 0 : i64, tpu.core_type = #tpu.core_type<tc>, window_params = [{transform_indices = @transform_0, window_bounds = array<i64: 2, 1000, 1>}, {transform_indices = @transform_1, window_bounds = array<i64: 1000, 128>}, {pipeline_mode = #tpu.pipeline_mode<synchronous>, transform_indices = @transform_2, window_bounds = array<i64: 128, 128>}, {transform_indices = @transform_3, window_bounds = array<i64: 1000, 128>}, {transform_indices = @transform_4, window_bounds = array<i64: 1000, 1>}]} {
    %get3A = arith.constant 0 : index
    %get3A_0 = arith.constant 0 : index
    %get3A_1 = arith.constant 0 : index
    %get3A_2 = vector.load %arg1[%get3A, %get3A_0, %get3A_1] : memref<2x1000x1xf32, #tpu.memory_space<vmem>>, vector<1x1000x1xf32>
    %get3A_3 = vector.shape_cast %get3A_2 : vector<1x1000x1xf32> to vector<1000x1xf32>
    %get3A_4 = arith.constant 1 : index
    %get3A_5 = arith.constant 0 : index
    %get3A_6 = arith.constant 0 : index
    %get3A_7 = vector.load %arg1[%get3A_4, %get3A_5, %get3A_6] : memref<2x1000x1xf32, #tpu.memory_space<vmem>>, vector<1x1000x1xf32>
    %get3A_8 = vector.shape_cast %get3A_7 : vector<1x1000x1xf32> to vector<1000x1xf32>
    %add3A = arith.addf %get3A_3, %get3A_8 : vector<1000x1xf32>
    %add3A_9 = arith.constant 1.000000e+00 : f32
    %add3A_10 = vector.broadcast %add3A_9 : f32 to vector<1000x1xf32>
    %add3A_11 = arith.addf %add3A, %add3A_10 : vector<1000x1xf32>
    %rsqrt3A = math.rsqrt %add3A_11 : vector<1000x1xf32>
    %get3A_12 = arith.constant 0 : index
    %get3A_13 = arith.constant 0 : index
    %get3A_14 = vector.load %arg2[%get3A_12, %get3A_13] : memref<1000x128xf32, #tpu.memory_space<vmem>>, vector<1000x128xf32>
    %get3A_15 = arith.constant 0 : index
    %get3A_16 = arith.constant 0 : index
    %get3A_17 = vector.load %arg3[%get3A_15, %get3A_16] : memref<128x128xf32, #tpu.memory_space<vmem>>, vector<128x128xf32>
    %dot_general3A = arith.constant dense<0.000000e+00> : vector<1000x128xf32>
    %dot_general3A_18 = tpu.matmul %get3A_14, %get3A_17, %dot_general3A {dimension_numbers = #tpu.dot_dimension_numbers<[1], [0], [0], [1], [0, 0, 1, 1], [], []>, transpose_lhs_hint = false} : vector<1000x128xf32>, vector<128x128xf32>, vector<1000x128xf32> -> vector<1000x128xf32>
    %mul3A = vector.broadcast %rsqrt3A : vector<1000x1xf32> to vector<1000x128xf32>
    %mul3A_19 = arith.mulf %dot_general3A_18, %mul3A : vector<1000x128xf32>
    %swap3A = arith.constant 0 : index
    %swap3A_20 = arith.constant 0 : index
    %swap3A_21 = vector.load %arg4[%swap3A, %swap3A_20] : memref<1000x128xf32, #tpu.memory_space<vmem>>, vector<1000x128xf32>
    tpu.vector_store %arg4[%swap3A, %swap3A_20], %mul3A_19 {strides = array<i32>} : memref<1000x128xf32, #tpu.memory_space<vmem>>, vector<1000x128xf32>,
    %swap3A_22 = arith.constant 0 : index
    %swap3A_23 = arith.constant 0 : index
    %swap3A_24 = vector.load %arg5[%swap3A_22, %swap3A_23] : memref<1000x1xf32, #tpu.memory_space<vmem>>, vector<1000x1xf32>
    tpu.vector_store %arg5[%swap3A_22, %swap3A_23], %rsqrt3A {strides = array<i32>} : memref<1000x1xf32, #tpu.memory_space<vmem>>, vector<1000x1xf32>,
    return
  }
  func.func @transform_0(%arg0: i32) -> (i32, i32, i32) {
    %c0_i32 = arith.constant 0 : i32
    %c0_i32_0 = arith.constant 0 : i32
    %c0_i32_1 = arith.constant 0 : i32
    return %c0_i32, %arg0, %c0_i32_0 : i32, i32, i32
  }
  func.func @transform_1(%arg0: i32) -> (i32, i32) {
    %c0_i32 = arith.constant 0 : i32
    %c0_i32_0 = arith.constant 0 : i32
    return %arg0, %c0_i32 : i32, i32
  }
  func.func @transform_2(%arg0: i32) -> (i32, i32) {
    %c0_i32 = arith.constant 0 : i32
    %c0_i32_0 = arith.constant 0 : i32
    %c0_i32_1 = arith.constant 0 : i32
    return %c0_i32, %c0_i32_0 : i32, i32
  }
  func.func @transform_3(%arg0: i32) -> (i32, i32) {
    %c0_i32 = arith.constant 0 : i32
    %c0_i32_0 = arith.constant 0 : i32
    return %arg0, %c0_i32 : i32, i32
  }
  func.func @transform_4(%arg0: i32) -> (i32, i32) {
    %c0_i32 = arith.constant 0 : i32
    %c0_i32_0 = arith.constant 0 : i32
    return %arg0, %c0_i32 : i32, i32
  }
}

module attributes {stable_mosaic.version = 14 : i64} {
  func.func @body(%arg0: i32, %arg1: memref<2x1000x128xf32, #tpu.memory_space<vmem>>, %arg2: memref<1000x128xf32, #tpu.memory_space<vmem>>, %arg3: memref<1000x1xf32, #tpu.memory_space<vmem>>, %arg4: memref<1x128xf32, #tpu.memory_space<vmem>>, %arg5: memref<128x128xf32, #tpu.memory_space<vmem>>, %arg6: memref<1000x128xf32, #tpu.memory_space<vmem>>) attributes {dimension_semantics = [#tpu.dimension_semantics<arbitrary>], iteration_bounds = array<i64: 10>, scalar_prefetch = 0 : i64, scratch_operands = 0 : i64, tpu.core_type = #tpu.core_type<tc>, window_params = [{transform_indices = @transform_0, window_bounds = array<i64: 2, 1000, 128>}, {transform_indices = @transform_1, window_bounds = array<i64: 1000, 128>}, {transform_indices = @transform_2, window_bounds = array<i64: 1000, 1>}, {pipeline_mode = #tpu.pipeline_mode<synchronous>, transform_indices = @transform_3, window_bounds = array<i64: 1, 128>}, {pipeline_mode = #tpu.pipeline_mode<synchronous>, transform_indices = @transform_4, window_bounds = array<i64: 128, 128>}, {transform_indices = @transform_5, window_bounds = array<i64: 1000, 128>}]} {
    %get3A = arith.constant 0 : index
    %get3A_0 = arith.constant 0 : index
    %get3A_1 = arith.constant 0 : index
    %get3A_2 = vector.load %arg1[%get3A, %get3A_0, %get3A_1] : memref<2x1000x128xf32, #tpu.memory_space<vmem>>, vector<1x1000x128xf32>
    %get3A_3 = vector.shape_cast %get3A_2 : vector<1x1000x128xf32> to vector<1000x128xf32>
    %get3A_4 = arith.constant 1 : index
    %get3A_5 = arith.constant 0 : index
    %get3A_6 = arith.constant 0 : index
    %get3A_7 = vector.load %arg1[%get3A_4, %get3A_5, %get3A_6] : memref<2x1000x128xf32, #tpu.memory_space<vmem>>, vector<1x1000x128xf32>
    %get3A_8 = vector.shape_cast %get3A_7 : vector<1x1000x128xf32> to vector<1000x128xf32>
    %add3A = arith.addf %get3A_3, %get3A_8 : vector<1000x128xf32>
    %get3A_9 = arith.constant 0 : index
    %get3A_10 = arith.constant 0 : index
    %get3A_11 = vector.load %arg2[%get3A_9, %get3A_10] : memref<1000x128xf32, #tpu.memory_space<vmem>>, vector<1000x128xf32>
    %add3A_12 = arith.addf %add3A, %get3A_11 : vector<1000x128xf32>
    %get3A_13 = arith.constant 0 : index
    %get3A_14 = arith.constant 0 : index
    %get3A_15 = vector.load %arg3[%get3A_13, %get3A_14] : memref<1000x1xf32, #tpu.memory_space<vmem>>, vector<1000x1xf32>
    %mul3A = vector.broadcast %get3A_15 : vector<1000x1xf32> to vector<1000x128xf32>
    %mul3A_16 = arith.mulf %add3A_12, %mul3A : vector<1000x128xf32>
    %get3A_17 = arith.constant 0 : index
    %get3A_18 = arith.constant 0 : index
    %get3A_19 = vector.load %arg4[%get3A_17, %get3A_18] : memref<1x128xf32, #tpu.memory_space<vmem>>, vector<1x128xf32>
    %add3A_20 = vector.broadcast %get3A_19 : vector<1x128xf32> to vector<1000x128xf32>
    %add3A_21 = arith.addf %mul3A_16, %add3A_20 : vector<1000x128xf32>
    %max3A = arith.constant 0.000000e+00 : f32
    %max3A_22 = vector.broadcast %max3A : f32 to vector<1000x128xf32>
    %max3A_23 = arith.maximumf %add3A_21, %max3A_22 : vector<1000x128xf32>
    %get3A_24 = arith.constant 0 : index
    %get3A_25 = arith.constant 0 : index
    %get3A_26 = vector.load %arg5[%get3A_24, %get3A_25] : memref<128x128xf32, #tpu.memory_space<vmem>>, vector<128x128xf32>
    %dot_general3A = arith.constant dense<0.000000e+00> : vector<1000x128xf32>
    %dot_general3A_27 = tpu.matmul %max3A_23, %get3A_26, %dot_general3A {dimension_numbers = #tpu.dot_dimension_numbers<[1], [0], [0], [1], [0, 0, 1, 1], [], []>, transpose_lhs_hint = false} : vector<1000x128xf32>, vector<128x128xf32>, vector<1000x128xf32> -> vector<1000x128xf32>
    %get3A_28 = arith.constant 0 : index
    %get3A_29 = arith.constant 0 : index
    %get3A_30 = vector.load %arg3[%get3A_28, %get3A_29] : memref<1000x1xf32, #tpu.memory_space<vmem>>, vector<1000x1xf32>
    %mul3A_31 = vector.broadcast %get3A_30 : vector<1000x1xf32> to vector<1000x128xf32>
    %mul3A_32 = arith.mulf %dot_general3A_27, %mul3A_31 : vector<1000x128xf32>
    %swap3A = arith.constant 0 : index
    %swap3A_33 = arith.constant 0 : index
    %swap3A_34 = vector.load %arg6[%swap3A, %swap3A_33] : memref<1000x128xf32, #tpu.memory_space<vmem>>, vector<1000x128xf32>
    tpu.vector_store %arg6[%swap3A, %swap3A_33], %mul3A_32 {strides = array<i32>} : memref<1000x128xf32, #tpu.memory_space<vmem>>, vector<1000x128xf32>,
    return
  }
  func.func @transform_0(%arg0: i32) -> (i32, i32, i32) {
    %c0_i32 = arith.constant 0 : i32
    %c0_i32_0 = arith.constant 0 : i32
    %c0_i32_1 = arith.constant 0 : i32
    return %c0_i32, %arg0, %c0_i32_0 : i32, i32, i32
  }
  func.func @transform_1(%arg0: i32) -> (i32, i32) {
    %c0_i32 = arith.constant 0 : i32
    %c0_i32_0 = arith.constant 0 : i32
    return %arg0, %c0_i32 : i32, i32
  }
  func.func @transform_2(%arg0: i32) -> (i32, i32) {
    %c0_i32 = arith.constant 0 : i32
    %c0_i32_0 = arith.constant 0 : i32
    return %arg0, %c0_i32 : i32, i32
  }
  func.func @transform_3(%arg0: i32) -> (i32, i32) {
    %c0_i32 = arith.constant 0 : i32
    %c0_i32_0 = arith.constant 0 : i32
    %c0_i32_1 = arith.constant 0 : i32
    return %c0_i32, %c0_i32_0 : i32, i32
  }
  func.func @transform_4(%arg0: i32) -> (i32, i32) {
    %c0_i32 = arith.constant 0 : i32
    %c0_i32_0 = arith.constant 0 : i32
    %c0_i32_1 = arith.constant 0 : i32
    return %c0_i32, %c0_i32_0 : i32, i32
  }
  func.func @transform_5(%arg0: i32) -> (i32, i32) {
    %c0_i32 = arith.constant 0 : i32
    %c0_i32_0 = arith.constant 0 : i32
    return %arg0, %c0_i32 : i32, i32
  }
}

module attributes {stable_mosaic.version = 14 : i64} {
  func.func @body(%arg0: i32, %arg1: memref<2x1000x128xf32, #tpu.memory_space<vmem>>, %arg2: memref<1000x128xf32, #tpu.memory_space<vmem>>, %arg3: memref<1000x1xf32, #tpu.memory_space<vmem>>, %arg4: memref<1x128xf32, #tpu.memory_space<vmem>>, %arg5: memref<1000x128xf32, #tpu.memory_space<vmem>>) attributes {dimension_semantics = [#tpu.dimension_semantics<arbitrary>], iteration_bounds = array<i64: 10>, scalar_prefetch = 0 : i64, scratch_operands = 0 : i64, tpu.core_type = #tpu.core_type<tc>, window_params = [{transform_indices = @transform_0, window_bounds = array<i64: 2, 1000, 128>}, {transform_indices = @transform_1, window_bounds = array<i64: 1000, 128>}, {transform_indices = @transform_2, window_bounds = array<i64: 1000, 1>}, {pipeline_mode = #tpu.pipeline_mode<synchronous>, transform_indices = @transform_3, window_bounds = array<i64: 1, 128>}, {transform_indices = @transform_4, window_bounds = array<i64: 1000, 128>}]} {
    %get3A = arith.constant 0 : index
    %get3A_0 = arith.constant 0 : index
    %get3A_1 = arith.constant 0 : index
    %get3A_2 = vector.load %arg1[%get3A, %get3A_0, %get3A_1] : memref<2x1000x128xf32, #tpu.memory_space<vmem>>, vector<1x1000x128xf32>
    %get3A_3 = vector.shape_cast %get3A_2 : vector<1x1000x128xf32> to vector<1000x128xf32>
    %get3A_4 = arith.constant 1 : index
    %get3A_5 = arith.constant 0 : index
    %get3A_6 = arith.constant 0 : index
    %get3A_7 = vector.load %arg1[%get3A_4, %get3A_5, %get3A_6] : memref<2x1000x128xf32, #tpu.memory_space<vmem>>, vector<1x1000x128xf32>
    %get3A_8 = vector.shape_cast %get3A_7 : vector<1x1000x128xf32> to vector<1000x128xf32>
    %add3A = arith.addf %get3A_3, %get3A_8 : vector<1000x128xf32>
    %get3A_9 = arith.constant 0 : index
    %get3A_10 = arith.constant 0 : index
    %get3A_11 = vector.load %arg2[%get3A_9, %get3A_10] : memref<1000x128xf32, #tpu.memory_space<vmem>>, vector<1000x128xf32>
    %add3A_12 = arith.addf %add3A, %get3A_11 : vector<1000x128xf32>
    %get3A_13 = arith.constant 0 : index
    %get3A_14 = arith.constant 0 : index
    %get3A_15 = vector.load %arg3[%get3A_13, %get3A_14] : memref<1000x1xf32, #tpu.memory_space<vmem>>, vector<1000x1xf32>
    %mul3A = vector.broadcast %get3A_15 : vector<1000x1xf32> to vector<1000x128xf32>
    %mul3A_16 = arith.mulf %add3A_12, %mul3A : vector<1000x128xf32>
    %get3A_17 = arith.constant 0 : index
    %get3A_18 = arith.constant 0 : index
    %get3A_19 = vector.load %arg4[%get3A_17, %get3A_18] : memref<1x128xf32, #tpu.memory_space<vmem>>, vector<1x128xf32>
    %add3A_20 = vector.broadcast %get3A_19 : vector<1x128xf32> to vector<1000x128xf32>
    %add3A_21 = arith.addf %mul3A_16, %add3A_20 : vector<1000x128xf32>
    %max3A = arith.constant 0.000000e+00 : f32
    %max3A_22 = vector.broadcast %max3A : f32 to vector<1000x128xf32>
    %max3A_23 = arith.maximumf %add3A_21, %max3A_22 : vector<1000x128xf32>
    %swap3A = arith.constant 0 : index
    %swap3A_24 = arith.constant 0 : index
    %swap3A_25 = vector.load %arg5[%swap3A, %swap3A_24] : memref<1000x128xf32, #tpu.memory_space<vmem>>, vector<1000x128xf32>
    tpu.vector_store %arg5[%swap3A, %swap3A_24], %max3A_23 {strides = array<i32>} : memref<1000x128xf32, #tpu.memory_space<vmem>>, vector<1000x128xf32>,
    return
  }
  func.func @transform_0(%arg0: i32) -> (i32, i32, i32) {
    %c0_i32 = arith.constant 0 : i32
    %c0_i32_0 = arith.constant 0 : i32
    %c0_i32_1 = arith.constant 0 : i32
    return %c0_i32, %arg0, %c0_i32_0 : i32, i32, i32
  }
  func.func @transform_1(%arg0: i32) -> (i32, i32) {
    %c0_i32 = arith.constant 0 : i32
    %c0_i32_0 = arith.constant 0 : i32
    return %arg0, %c0_i32 : i32, i32
  }
  func.func @transform_2(%arg0: i32) -> (i32, i32) {
    %c0_i32 = arith.constant 0 : i32
    %c0_i32_0 = arith.constant 0 : i32
    return %arg0, %c0_i32 : i32, i32
  }
  func.func @transform_3(%arg0: i32) -> (i32, i32) {
    %c0_i32 = arith.constant 0 : i32
    %c0_i32_0 = arith.constant 0 : i32
    %c0_i32_1 = arith.constant 0 : i32
    return %c0_i32, %c0_i32_0 : i32, i32
  }
  func.func @transform_4(%arg0: i32) -> (i32, i32) {
    %c0_i32 = arith.constant 0 : i32
    %c0_i32_0 = arith.constant 0 : i32
    return %arg0, %c0_i32 : i32, i32
  }
}

</mosaic_0001>

<sc_bundles>
// kernel: kernel.11.cloned.1.call-start
scs
__scs_entry_jumppad:
0x0: {  	(pc) =	sbr.rel $0x88, $3  }
0x1: {  	(tag) =	ssettag $0x0;
	lr =	simm.s32 $0x1  }
0x2: {  	[smem:$0x3F9B] =	sst lr;
	_ =	strace $0xD0000000  }
0x3: {  	_ = 	snop  }
0x4: {  	_ = 	snop  }
0x5: {  	_ = 	snop  }
0x6: {  	_ = 	snop  }
0x7: {  	_ = 	snop  }
__scs_overlays_trampoline_lowered:
0x8: {  	[smem:$0x3FAA] =	sst s0  }
0x9: {  	[smem:$0x3FAB] =	sst s1  }
0xa: {  	[smem:$0x3FAC] =	sst s2  }
0xb: {  	[smem:$0x3FAD] =	sst s3  }
0xc: {  	[smem:$0x3FAE] =	sst s4  }
0xd: {  	[smem:$0x3FAF] =	sst s5  }
0xe: {  	[smem:$0x3FB0] =	sst s6  }
0xf: {  	[smem:$0x3FB1] =	sst s7  }
0x10: {  	[smem:$0x3FB2] =	sst s8  }
0x11: {  	[smem:$0x3FB3] =	sst s9;
	s0 =	simm.s32 @!p0 $0x0  }
0x12: {  	s1 =	sld [smem:$0x3F99];
	s0 =	simm.s32 @p0 $0x1  }
0x13: {  	[smem:$0x3FB4] =	sst s0;
	s0 =	simm.s32 @!p1 $0x0  }
0x14: {  	s2 =	sld [smem:$0x3F98];
	s0 =	simm.s32 @p1 $0x1  }
0x15: {  	[smem:$0x3FB5] =	sst s0;
	s0 =	simm.s32 @!p2 $0x0  }
0x16: {  	s3 =	sld [smem:$0x3FDB];
	s0 =	simm.s32 @p2 $0x1  }
0x17: {  	s4 =	simm.s32 $0x1BF5;
	[smem:$0x3FB7] =	sst s0  }
0x18: {  	s0 =	sld [smem:$0x3F9A];
	_ =	swait.ge [sflag:s4], $0x0  }
0x19: {  	s7 =	sld [smem:$0x3F9B]  }
0x1a: {  	s8 =	sadd.s32 $0xFFFFE003, lr  }
0x1b: {  	s9 =	sadd.s32 $0xFFFFFEF7, lr;
	s5 =	simm.s32 $0xFFFFFFFF;
	p2 =	slt.u32 s8, $0xFFFFF086  }
0x1c: {  	p1 =	slt.u32 s9, $0xF7A;
	s5 =	simm.s32 @!p2 $0x0  }
0x1d: {  	s5 =	simm.s32 @p1 $0x1;
	p0 =	seq.s32 s7, s2  }
0x1e: {  	s7 =	smul.u32 @!p0 $0xF7A, s2;
	p2 =	seq.s32 @!p0 s5, $0x0  }
0x1f: {  	s9 =	smul.u32 $0xF7A, s1;
	s8 =	simm.s32 @!p0 $0x1BF5;
	p2 =	por !p2, p0  }
0x20: {  	[sflag:s8] =	ssyncset.s32 @!p0 $0xFFFFF086;
	s6 =	sadd.s32 @!p0 s3, s7;
	s7 =	simm.s32 @!p0 $0x108  }
0x21: {  	s3 =	sadd.s32 s3, s9;
	s6 =	sadd.s32 @!p0 $0x88, s6;
	s7 =	simm.s32 @p2 $0x1082  }
0x22: {  	[simem:s7], [sflag:s8] =	dma.local @!p0 [hbm:s6], $0xF7A  }
0x23: {  	s9 =	sor.u32 $0xD0000000, s2;
	s6 =	simm.s32 $0x108;
	_ =	swait.ge @!p0 [sflag:s8], $0x0  }
0x24: {  	s3 =	sadd.s32 $0x88, s3;
	s6 =	simm.s32 @!p1 $0x1082;
	[sflag:s4] =	ssyncset.s32 $0xFFFFF086  }
0x25: {  	[simem:s6], [sflag:s4] =	dma.local [hbm:s3], $0xF7A  }
0x26: {  	[smem:$0x3F9B] =	sst s1;
	(tag) =	ssettag s2;
	_ =	strace s9  }
0x27: {  	s1 =	sld [smem:$0x3FAB]  }
0x28: {  	s2 =	sld [smem:$0x3FAC]  }
0x29: {  	s4 =	sld [smem:$0x3FAE]  }
0x2a: {  	p0 =	seq.s32 s5, $0x0;
	s5 =	sld [smem:$0x3FAF]  }
0x2b: {  	s6 =	sld [smem:$0x3FB0]  }
0x2c: {  	s7 =	sld [smem:$0x3FB1]  }
0x2d: {  	s3 =	simm.s32 $0x108;
	s8 =	sld [smem:$0x3FB2]  }
0x2e: {  	s3 =	simm.s32 @!p0 $0x1082;
	s9 =	sld [smem:$0x3FB3]  }
0x2f: {  	lr =	sadd.s32 s0, s3;
	s0 =	sld [smem:$0x3FAA]  }
0x30: {  	s3 =	sld [smem:$0x3FAD]  }
0x31: {  	[smem:$0x3FB6] =	sst s10  }
0x32: {  	s10 =	sld [smem:$0x3FB4];
	_ =	sdelay $0x3  }
0x33: {  	p0 =	seq.s32 s10, $0x1;
	s10 =	sld [smem:$0x3FB6];
	_ =	sdelay $0x3  }
0x34: {  	[smem:$0x3FB6] =	sst s10  }
0x35: {  	s10 =	sld [smem:$0x3FB5];
	_ =	sdelay $0x3  }
0x36: {  	p1 =	seq.s32 s10, $0x1;
	s10 =	sld [smem:$0x3FB6];
	_ =	sdelay $0x3  }
0x37: {  	[smem:$0x3FB6] =	sst s10  }
0x38: {  	s10 =	sld [smem:$0x3FB7]  }
0x39: {  	_ = 	snop;
	(pc) =	sbr.ind lr, $3  }
0x3a: {  	_ = 	snop  }
0x3b: {  	_ = 	snop  }
0x3c: {  	p2 =	seq.s32 s10, $0x1;
	s10 =	sld [smem:$0x3FB6]  }
0x3d: {  	_ =	shalt  }
0x3e: {  	_ =	shalt  }
0x3f: {  	_ =	shalt  }
0x40: {  	_ =	shalt  }
0x41: {  	_ =	shalt  }
0x42: {  	_ =	shalt  }
0x43: {  	_ =	shalt  }
0x44: {  	_ =	shalt  }
0x45: {  	_ =	shalt  }
0x46: {  	_ =	shalt  }
0x47: {  	_ =	shalt  }
0x48: {  	_ =	shalt  }
0x49: {  	_ =	shalt  }
0x4a: {  	_ =	shalt  }
0x4b: {  	_ =	shalt  }
0x4c: {  	_ =	shalt  }
0x4d: {  	_ =	shalt  }
0x4e: {  	_ =	shalt  }
0x4f: {  	_ =	shalt  }
0x50: {  	_ =	shalt  }
0x51: {  	_ =	shalt  }
0x52: {  	_ =	shalt  }
0x53: {  	_ =	shalt  }
0x54: {  	_ =	shalt  }
0x55: {  	_ =	shalt  }
0x56: {  	_ =	shalt  }
0x57: {  	_ =	shalt  }
0x58: {  	_ =	shalt  }
0x59: {  	_ =	shalt  }
0x5a: {  	_ =	shalt  }
0x5b: {  	_ =	shalt  }
0x5c: {  	_ =	shalt  }
0x5d: {  	_ =	shalt  }
0x5e: {  	_ =	shalt  }
0x5f: {  	_ =	shalt  }
0x60: {  	_ =	shalt  }
0x61: {  	_ =	shalt  }
0x62: {  	_ =	shalt  }
0x63: {  	_ =	shalt  }
0x64: {  	_ =	shalt  }
0x65: {  	_ =	shalt  }
0x66: {  	_ =	shalt  }
0x67: {  	_ =	shalt  }
0x68: {  	_ =	shalt  }
0x69: {  	_ =	shalt  }
0x6a: {  	_ =	shalt  }
0x6b: {  	_ =	shalt  }
0x6c: {  	_ =	shalt  }
0x6d: {  	_ =	shalt  }
0x6e: {  	_ =	shalt  }
0x6f: {  	_ =	shalt  }
0x70: {  	_ =	shalt  }
0x71: {  	_ =	shalt  }
0x72: {  	_ =	shalt  }
0x73: {  	_ =	shalt  }
0x74: {  	_ =	shalt  }
0x75: {  	_ =	shalt  }
0x76: {  	_ =	shalt  }
0x77: {  	_ =	shalt  }
0x78: {  	_ =	shalt  }
0x79: {  	_ =	shalt  }
0x7a: {  	_ =	shalt  }
0x7b: {  	_ =	shalt  }
0x7c: {  	_ =	shalt  }
0x7d: {  	_ =	shalt  }
0x7e: {  	_ =	shalt  }
0x7f: {  	_ =	shalt  }
0x80: {  	_ =	shalt  }
0x81: {  	_ =	shalt  }
0x82: {  	_ =	shalt  }
0x83: {  	_ =	shalt  }
0x84: {  	_ =	shalt  }
0x85: {  	_ =	shalt  }
0x86: {  	_ =	shalt  }
0x87: {  	_ =	shalt  }
.Lfunc_end0:
.L_simem_size_0:
called_computation.1_lowered:
.L_overlay_start_0:
0x88: {  	s2 =	sld [smem:$0x3FD9]  }
0x89: {  	s3 =	sld [smem:$0x3FFE];
	_ =	sdelay $0x1  }
0x8a: {  	s1 =	srdreg.scid  }
0x8b: {  	s0 =	sand.u32 $0x1, s1  }
0x8c: {  	s17 =	sshll.u32 s0, $0xA;
	s2 =	sadd.s32 s3, s2  }
0x8d: {  	s2 =	sadd.s32 s2, s17  }
0x8e: {  	[smem:$0x3FC2] =	sst s2  }
0x8f: {  	_ = 	snop  }
0x90: {  	s2 =	sld [smem:$0x3FD0];
	(tm) =	ssettm $0x1  }
0x91: {  	s18 =	sld [smem:$0x3FFB];
	_ =	sdelay $0x3  }
0x92: {  	_ =	strace s18  }
0x93: {  	s3 =	sld [smem:$0x3FFC];
	_ =	sdelay $0x3  }
0x94: {  	_ =	strace s3  }
0x95: {  	s3 =	sld [smem:$0x3FFD];
	_ =	sdelay $0x3  }
0x96: {  	_ =	strace s3  }
0x97: {  	_ =	strace $0x8FFFFFFF  }
0x98: {  	s19 =	sld [smem:$0x3FDB];
	_ =	sdelay $0x1  }
0x99: {  	s4 =	simm.s32 $_scs_section_size  }
0x9a: {  	s5 =	simm.s32 $_size__tile_overlayer_lowered;
	s6 =	simm.s32 $_tile_overlayer_lowered  }
0x9b: {  	s22 =	simm.s32 $0x1BFF;
	s21 =	sshll.u32 s6, $0x1;
	s3 =	sadd.s32 s4, s19  }
0x9c: {  	s7 =	simm.s32 $0x0;
	s20 =	sshll.u32 s5, $0x1;
	s5 =	sadd.s32 s21, s3  }
0x9d: {  	[timem:s7], [sflag:s22] =	dma.local [hbm:s5], s20  }
0x9e: {  	_ =	swait.ge [sflag:s22], s20  }
0x9f: {  	s4 =	ssub.s32 $0x0, s20;
	[sflag:s22] =	ssyncset.done $0x0  }
0xa0: {  	[sflag:s22] =	ssyncadd.s32 s4;
	_ =	sdelay $0x1  }
0xa1: {  	s23 =	simm.s32 $0x1B8B  }
0xa2: {  	_ =	swait.ge [sflag:s23], $0x1  }
0xa3: {  	[sflag:s23] =	ssyncset.done $0x0  }
0xa4: {  	s25 =	simm.s32 $0x1B8E;
	s24 =	sld [smem:$0x3FFE];
	[sflag:s23] =	ssyncadd.s32 $0xFFFFFFFF  }
0xa5: {  	s26 =	simm.s32 $execute0_lowered;
	[smem:$0x3FD2] =	sst s25  }
0xa6: {  	s5 =	sshll.u32 s26, $0x1;
	_ =	strace $0x80000049;
	[dreg:$0x1] =	wrdreg $0xFFFFFFFF  }
0xa7: {  	s28 =	simm.s32 $_size_execute0_lowered;
	s3 =	sadd.s32 s3, s5;
	[dreg:$0x0] =	wrdreg $0x0  }
0xa8: {  	s5 =	sshll.u32 s28, $0x1;
	[dreg:$0x2] =	wrdreg s3  }
0xa9: {  	[dreg:$0x3] =	wrdreg s5  }
0xaa: {  	[dreg:$0x4] =	wrdreg $0xC0  }
0xab: {  	_ =	task [dreg:s7], $0x5FFFF  }
0xac: {  	[dreg:$0x1] =	wrdreg $0xFFFFFFFF  }
0xad: {  	[dreg:$0x0] =	wrdreg $0x60  }
0xae: {  	[dreg:$0x2] =	wrdreg s24  }
0xaf: {  	[dreg:$0x3] =	wrdreg s2  }
0xb0: {  	[dreg:$0x4] =	wrdreg $0x0  }
0xb1: {  	[dreg:$0x5] =	wrdreg $0x13C000  }
0xb2: {  	[dreg:$0x6] =	wrdreg $0x9  }
0xb3: {  	_ =	task.clear_ibuf [dreg:s7], $0x7FFFF;
	_ =	strace $0x90000049  }
0xb4: {  	s29 =	simm.s32 $0x9;
	_ =	strace $0x8000004B  }
0xb5: {  	_ =	swait.ge [sflag:s29], $0x1  }
0xb6: {  	[sflag:s29] =	ssyncadd.s32 $0xFFFFFFFF  }
0xb7: {  	_ =	strace $0x9000004B  }
0xb8: {  	_ =	sfence  }
0xb9: {  	s30 =	sld [smem:$0x0];
	_ =	sdelay $0x2  }
0xba: {  	s31 =	sshll.u32 s1, $0xD;
	s1 =	sshrl.u32 s1, $0x2  }
0xbb: {  	s3 =	sand.u32 $0x4000, s31;
	s1 =	sadd.s32 s1, s30  }
0xbc: {  	s0 =	sor.u32 s3, s0;
	s1 =	sshll.u32 s1, $0x11  }
0xbd: {  	s0 =	sor.u32 s1, s0  }
0xbe: {  	s0 =	sadd.s32 $0x8F2B, s0  }
0xbf: {  	[sflag:s0] =	ssyncadd.remote.s32 $0x1  }
0xc0: {  	_ =	sfence.sel $0xFFFF  }
0xc1: {  	[dreg:$0x0] =	wrdreg $0xFFFFFFFF;
	(pc) =	sbr.abs _section_cstart, $3  }
0xc2: {  	[dreg:$0x1] =	wrdreg $0xFFFFFFFF  }
0xc3: {  	_ =	task.clear_ibuf [dreg:s7], $0x2FFFF;
	_ =	strace $0x9FFFFFFF  }
0xc4: {  	(tm) =	ssettm $0x7FFFFFFF  }
0xc5: {  	_ =	shalt  }
tec
execute0_lowered:
.L_overlay_start_1:
0x0: {  	(tag) =	ssettag $0x1  }
0x1: {  	s0 =	rddreg [dreg:$0x0]  }
0x2: {  	s3 =	rddreg [dreg:$0x2]  }
0x3: {  	s4 =	rddreg [dreg:$0x3]  }
0x4: {  	s1 =	srdreg.scid;
	s13 =	stileid.u32  }
0x5: {  	s5 =	simm.s32 $0x0;
	s14 =	simm.s32 $0x3;
	s16 =	simm.s32 $0x1DA00  }
0x6: {  	s17 =	simm.s32 $0x1DE00;
	s18 =	simm.s32 $0x18;
	s19 =	simm.s32 $0x1E200  }
0x7: {  	s20 =	simm.s32 $0x1;
	s22 =	simm.s32 $0x1EE00;
	s23 =	simm.s32 $0x2  }
0x8: {  	s28 =	simm.s32 $0x1DB80;
	s29 =	simm.s32 $0x1DF00;
	s30 =	simm.s32 $0x1DC00  }
0x9: {  	s31 =	simm.s32 $0x1DF80;
	s21 =	simm.s32 $0x1E180;
	s2 =	smul.u32 $0x13C00, s13  }
0xa: {  	s12 =	simm.s32 $0x0;
	s1 =	sand.u32 $0x1, s1;
	s10 =	smul.u32 $0x1A80, s13  }
0xb: {  	[smem:$0x7FF] =	sst s5;
	s8 =	sadd.s32 $0xD6800, s0;
	s26 =	smul.u32 $0x2780, s13  }
0xc: {  	s25 =	sshll.u32 s13, $0x6;
	p0 =	sgt.u32 s13, $0x7;
	s6 =	smul.u32 $0x13C000, s1  }
0xd: {  	_ =	strace $0x8000004A;
	s7 =	smul.u32 $0x1A800, s1;
	s1 =	ssub.s32 $0x2, s1  }
0xe: {  	s15 =	sor.u32 $0x1C03, s25;
	s25 =	simm.s32 $0x1DB00;
	[dreg:$0xf] =	wrdreg s12  }
0xf: {  	s9 =	sshrl.u32 s1, $0x1;
	s24 =	sadd.s32 s2, s3;
	s11 =	sshrl.u32 s2, $0x3  }
0x10: {  	[dreg:$0x8] =	wrdreg s15;
	s6 =	sadd.s32 s2, s6;
	s7 =	sadd.s32 s7, s0  }
0x11: {  	s1 =	ssub.s32 s1, s9;
	s2 =	sadd.s32 s2, s4;
	s11 =	sadd.s32 s8, s11  }
0x12: {  	s8 =	sadd.s32 s8, s26;
	s13 =	sshrl.u32 s24, $0x3;
	s24 =	simm.s32 $0x1DA80  }
0x13: {  	s26 =	simm.s32 $0x1DE80;
	s6 =	sshrl.u32 s6, $0x3;
	[dreg:$0x9] =	wrdreg s8  }
0x14: {  	s7 =	sadd.s32 s10, s7;
	s9 =	sadd.s32 $0x13C00, s11;
	[dreg:$0xd] =	wrdreg s13  }
0x15: {  	s1 =	smax.u32 s1, $0x1;
	s8 =	simm.s32 $0x1DD80;
	[dreg:$0xa] =	wrdreg s9  }
0x16: {  	s0 =	sadd.s32 s6, s0;
	s10 =	sadd.s32 $0x37800, s7;
	[dreg:$0xc] =	wrdreg s1  }
0x17: {  	s11 =	sadd.s32 $0x2800, s7;
	s1 =	simm.s32 $0x1DD00;
	[dreg:$0x5] =	wrdreg s10  }
0x18: {  	s9 =	simm.s32 $0x1E100;
	s0 =	sadd.s32 $0xFE000, s0;
	[dreg:$0x6] =	wrdreg s11  }
0x19: {  	s10 =	sadd.s32 $0x6C800, s7;
	s11 =	sadd.s32 $0xA1800, s7;
	[dreg:$0xb] =	wrdreg s0  }
0x1a: {  	s7 =	simm.s32 $0x1E080;
	s0 =	sshrl.u32 @!p0 s2, $0x3;
	[dreg:$0x7] =	wrdreg s11  }
0x1b: {  	s2 =	simm.s32 $0x1E000;
	[dreg:$0xe] =	wrdreg s0;
	s0 =	simm.s32 $0x1DC80  }
.LBB2_1:
0x1c: {  	s6 =	rddreg [dreg:$0x1]  }
0x1d: {  	[spmem:s13], [sflag:s15] =	dma.local [hbm:s6], $0x2780  }
0x1e: {  	_ =	swait.ge [sflag:s14], $0x2780  }
0x1f: {  	[sflag:s14] =	ssyncset.done $0x0;
	s6 =	rddreg [dreg:$0x9]  }
0x20: {  	s11 =	rddreg [dreg:$0xe];
	[sflag:s14] =	ssyncadd.s32 $0xFFFFD880  }
0x21: {  	[spmem:s11], [sflag:s15] =	dma.local @!p0 [hbm:s6], $0x2780  }
0x22: {  	s6 =	simm.s32 @!p0 $0x3  }
0x23: {  	_ =	swait.ge @!p0 [sflag:s6], $0x2780  }
0x24: {  	[sflag:s6] =	ssyncset.done @!p0 $0x0  }
0x25: {  	[sflag:s6] =	ssyncadd.s32 @!p0 $0xFFFFD880  }
0x26: {  	s13 =	sadd.s32 $0x0, s10;
	[bflag:$0x0] =	sbarrier.arrive $0xFFFF  }
0x27: {  	[tilespmem:s16], [sflag:$0x3] =	stream.linear.gather [hbm4b:s13+s5], $0x400, $0x38;
	[tilespmem:$0x1FA00] =	vst v63  }
0x28: {  	_ =	swait.ge [sflag:s14], $0x400  }
0x29: {  	s15 =	rddreg [dreg:$0x5];
	[sflag:s14] =	ssyncset.done $0x0  }
0x2a: {  	[sflag:s14] =	ssyncadd.s32 $0xFFFFFC00;
	s6 =	sadd.s32 $0x0, s15  }
0x2b: {  	[tilespmem:s17], [sflag:$0x3] =	stream.linear.gather [hbm4b:s6+s5], $0x400, $0x38;
	[tilespmem:$0x1FA00] =	vst v63  }
0x2c: {  	_ =	swait.ge [sflag:s14], $0x400  }
0x2d: {  	[sflag:s14] =	ssyncset.done $0x0  }
0x2e: {  	[sflag:s14] =	ssyncadd.s32 $0xFFFFFC00  }
0x2f: {  	[tilespmem:s19], [sflag:$0x1] =	stream.indirect.gather [spmem:s4], $0x80, s16, s18, $0xb8;
	[tilespmem:$0x1FA00] =	vst v63  }
0x30: {  	_ =	swait.ge [sflag:s20], $0xC00  }
0x31: {  	[sflag:s20] =	ssyncset.done $0x0  }
0x32: {  	[sflag:s20] =	ssyncadd.s32 $0xFFFFF400  }
0x33: {  	[tilespmem:s22], [sflag:$0x2] =	stream.indirect.gather [spmem:s4], $0x80, s24, s18, $0xb8;
	[tilespmem:$0x1FA00] =	vst v63  }
0x34: {  	_ = 	snop  }
0x35: {  	[spmem:s3] =	stream.indirect.scatter.add.f32 [tilespmem:s19], [sflag:$0x3], $0x80, s17, s18, $0xb8;
	[tilespmem:$0x1FA00] =	vst v63  }
0x36: {  	_ =	swait.ge [sflag:s14], $0xC00  }
0x37: {  	[sflag:s14] =	ssyncset.done $0x0  }
0x38: {  	[sflag:s14] =	ssyncadd.s32 $0xFFFFF400  }
0x39: {  	_ =	swait.ge [sflag:s23], $0xC00  }
0x3a: {  	[sflag:s23] =	ssyncset.done $0x0  }
0x3b: {  	[sflag:s23] =	ssyncadd.s32 $0xFFFFF400  }
0x3c: {  	[tilespmem:s19], [sflag:$0x1] =	stream.indirect.gather [spmem:s4], $0x80, s25, s18, $0xb8;
	[tilespmem:$0x1FA00] =	vst v63  }
0x3d: {  	_ = 	snop  }
0x3e: {  	[spmem:s3] =	stream.indirect.scatter.add.f32 [tilespmem:s22], [sflag:$0x3], $0x80, s26, s18, $0xb8;
	[tilespmem:$0x1FA00] =	vst v63  }
0x3f: {  	_ =	swait.ge [sflag:s14], $0xC00  }
0x40: {  	[sflag:s14] =	ssyncset.done $0x0  }
0x41: {  	[sflag:s14] =	ssyncadd.s32 $0xFFFFF400  }
0x42: {  	_ =	swait.ge [sflag:s20], $0xC00  }
0x43: {  	[sflag:s20] =	ssyncset.done $0x0  }
0x44: {  	[sflag:s20] =	ssyncadd.s32 $0xFFFFF400  }
0x45: {  	[tilespmem:s22], [sflag:$0x2] =	stream.indirect.gather [spmem:s4], $0x80, s28, s18, $0xb8;
	[tilespmem:$0x1FA00] =	vst v63  }
0x46: {  	_ = 	snop  }
0x47: {  	[spmem:s3] =	stream.indirect.scatter.add.f32 [tilespmem:s19], [sflag:$0x3], $0x80, s29, s18, $0xb8;
	[tilespmem:$0x1FA00] =	vst v63  }
0x48: {  	_ =	swait.ge [sflag:s14], $0xC00  }
0x49: {  	[sflag:s14] =	ssyncset.done $0x0  }
0x4a: {  	[sflag:s14] =	ssyncadd.s32 $0xFFFFF400  }
0x4b: {  	_ =	swait.ge [sflag:s23], $0xC00  }
0x4c: {  	[sflag:s23] =	ssyncset.done $0x0  }
0x4d: {  	[sflag:s23] =	ssyncadd.s32 $0xFFFFF400  }
0x4e: {  	[tilespmem:s19], [sflag:$0x1] =	stream.indirect.gather [spmem:s4], $0x80, s30, s18, $0xb8;
	[tilespmem:$0x1FA00] =	vst v63  }
0x4f: {  	_ = 	snop  }
0x50: {  	[spmem:s3] =	stream.indirect.scatter.add.f32 [tilespmem:s22], [sflag:$0x3], $0x80, s31, s18, $0xb8;
	[tilespmem:$0x1FA00] =	vst v63  }
0x51: {  	_ =	swait.ge [sflag:s14], $0xC00  }
0x52: {  	[sflag:s14] =	ssyncset.done $0x0  }
0x53: {  	[sflag:s14] =	ssyncadd.s32 $0xFFFFF400  }
0x54: {  	_ =	swait.ge [sflag:s20], $0xC00  }
0x55: {  	[sflag:s20] =	ssyncset.done $0x0  }
0x56: {  	[sflag:s20] =	ssyncadd.s32 $0xFFFFF400  }
0x57: {  	[tilespmem:s22], [sflag:$0x2] =	stream.indirect.gather [spmem:s4], $0x80, s0, s18, $0xb8;
	[tilespmem:$0x1FA00] =	vst v63  }
0x58: {  	_ = 	snop  }
0x59: {  	[spmem:s3] =	stream.indirect.scatter.add.f32 [tilespmem:s19], [sflag:$0x3], $0x80, s2, s18, $0xb8;
	[tilespmem:$0x1FA00] =	vst v63  }
0x5a: {  	_ =	swait.ge [sflag:s14], $0xC00  }
0x5b: {  	[sflag:s14] =	ssyncset.done $0x0  }
0x5c: {  	[sflag:s14] =	ssyncadd.s32 $0xFFFFF400  }
0x5d: {  	_ =	swait.ge [sflag:s23], $0xC00  }
0x5e: {  	[sflag:s23] =	ssyncset.done $0x0  }
0x5f: {  	[sflag:s23] =	ssyncadd.s32 $0xFFFFF400  }
0x60: {  	[tilespmem:s19], [sflag:$0x1] =	stream.indirect.gather [spmem:s4], $0x80, s1, s18, $0xb8;
	[tilespmem:$0x1FA00] =	vst v63  }
0x61: {  	_ = 	snop  }
0x62: {  	[spmem:s3] =	stream.indirect.scatter.add.f32 [tilespmem:s22], [sflag:$0x3], $0x80, s7, s18, $0xb8;
	[tilespmem:$0x1FA00] =	vst v63  }
0x63: {  	_ =	swait.ge [sflag:s14], $0xC00  }
0x64: {  	[sflag:s14] =	ssyncset.done $0x0  }
0x65: {  	[sflag:s14] =	ssyncadd.s32 $0xFFFFF400  }
0x66: {  	_ =	swait.ge [sflag:s20], $0xC00  }
0x67: {  	[sflag:s20] =	ssyncset.done $0x0  }
0x68: {  	[sflag:s20] =	ssyncadd.s32 $0xFFFFF400  }
0x69: {  	[tilespmem:s22], [sflag:$0x2] =	stream.indirect.gather [spmem:s4], $0x80, s8, s18, $0xb8;
	[tilespmem:$0x1FA00] =	vst v63  }
0x6a: {  	_ = 	snop  }
0x6b: {  	[spmem:s3] =	stream.indirect.scatter.add.f32 [tilespmem:s19], [sflag:$0x3], $0x80, s9, s18, $0xb8;
	[tilespmem:$0x1FA00] =	vst v63  }
0x6c: {  	_ =	swait.ge [sflag:s14], $0xC00  }
0x6d: {  	[sflag:s14] =	ssyncset.done $0x0  }
0x6e: {  	[sflag:s14] =	ssyncadd.s32 $0xFFFFF400  }
0x6f: {  	_ =	swait.ge [sflag:s23], $0xC00  }
0x70: {  	[sflag:s23] =	ssyncset.done $0x0  }
0x71: {  	[sflag:s23] =	ssyncadd.s32 $0xFFFFF400  }
0x72: {  	[spmem:s3] =	stream.indirect.scatter.add.f32 [tilespmem:s22], [sflag:$0x3], $0x80, s21, s18, $0xb8;
	[tilespmem:$0x1FA00] =	vst v63  }
0x73: {  	_ =	swait.ge [sflag:s14], $0xC00  }
0x74: {  	s13 =	simm.s32 $0x80;
	s15 =	simm.s32 $0x100;
	[sflag:s14] =	ssyncset.done $0x0  }
.LBB2_2:
0x75: {  	s12 =	smov.u32 s10;
	s10 =	sadd.s32 s13, s10;
	[sflag:s14] =	ssyncadd.s32 $0xFFFFF400  }
0x76: {  	[tilespmem:s16], [sflag:$0x3] =	stream.linear.gather [hbm4b:s10+s5], $0x400, $0x38;
	[tilespmem:$0x1FA00] =	vst v63  }
0x77: {  	s11 =	smov.u32 s15;
	s6 =	sadd.s32 $0x80, s15;
	_ =	swait.ge [sflag:s14], $0x400  }
0x78: {  	p1 =	sne.s32 s15, $0x1A00;
	s15 =	rddreg [dreg:$0x5];
	[sflag:s14] =	ssyncset.done $0x0  }
0x79: {  	[sflag:s14] =	ssyncadd.s32 $0xFFFFFC00;
	s10 =	sadd.s32 s13, s15  }
0x7a: {  	[tilespmem:s17], [sflag:$0x3] =	stream.linear.gather [hbm4b:s10+s5], $0x400, $0x38;
	[tilespmem:$0x1FA00] =	vst v63  }
0x7b: {  	_ =	swait.ge [sflag:s14], $0x400  }
0x7c: {  	[sflag:s14] =	ssyncset.done $0x0  }
0x7d: {  	[sflag:s14] =	ssyncadd.s32 $0xFFFFFC00  }
0x7e: {  	[tilespmem:s19], [sflag:$0x1] =	stream.indirect.gather [spmem:s4], $0x80, s16, s18, $0xb8;
	[tilespmem:$0x1FA00] =	vst v63  }
0x7f: {  	_ =	swait.ge [sflag:s20], $0xC00  }
0x80: {  	[sflag:s20] =	ssyncset.done $0x0  }
0x81: {  	[sflag:s20] =	ssyncadd.s32 $0xFFFFF400  }
0x82: {  	[tilespmem:s22], [sflag:$0x2] =	stream.indirect.gather [spmem:s4], $0x80, s24, s18, $0xb8;
	[tilespmem:$0x1FA00] =	vst v63  }
0x83: {  	_ = 	snop  }
0x84: {  	[spmem:s3] =	stream.indirect.scatter.add.f32 [tilespmem:s19], [sflag:$0x3], $0x80, s17, s18, $0xb8;
	[tilespmem:$0x1FA00] =	vst v63  }
0x85: {  	_ =	swait.ge [sflag:s14], $0xC00  }
0x86: {  	[sflag:s14] =	ssyncset.done $0x0  }
0x87: {  	[sflag:s14] =	ssyncadd.s32 $0xFFFFF400  }
0x88: {  	_ =	swait.ge [sflag:s23], $0xC00  }
0x89: {  	[sflag:s23] =	ssyncset.done $0x0  }
0x8a: {  	[sflag:s23] =	ssyncadd.s32 $0xFFFFF400  }
0x8b: {  	[tilespmem:s19], [sflag:$0x1] =	stream.indirect.gather [spmem:s4], $0x80, s25, s18, $0xb8;
	[tilespmem:$0x1FA00] =	vst v63  }
0x8c: {  	_ = 	snop  }
0x8d: {  	[spmem:s3] =	stream.indirect.scatter.add.f32 [tilespmem:s22], [sflag:$0x3], $0x80, s26, s18, $0xb8;
	[tilespmem:$0x1FA00] =	vst v63  }
0x8e: {  	_ =	swait.ge [sflag:s14], $0xC00  }
0x8f: {  	[sflag:s14] =	ssyncset.done $0x0  }
0x90: {  	[sflag:s14] =	ssyncadd.s32 $0xFFFFF400  }
0x91: {  	_ =	swait.ge [sflag:s20], $0xC00  }
0x92: {  	[sflag:s20] =	ssyncset.done $0x0  }
0x93: {  	[sflag:s20] =	ssyncadd.s32 $0xFFFFF400  }
0x94: {  	[tilespmem:s22], [sflag:$0x2] =	stream.indirect.gather [spmem:s4], $0x80, s28, s18, $0xb8;
	[tilespmem:$0x1FA00] =	vst v63  }
0x95: {  	_ = 	snop  }
0x96: {  	[spmem:s3] =	stream.indirect.scatter.add.f32 [tilespmem:s19], [sflag:$0x3], $0x80, s29, s18, $0xb8;
	[tilespmem:$0x1FA00] =	vst v63  }
0x97: {  	_ =	swait.ge [sflag:s14], $0xC00  }
0x98: {  	[sflag:s14] =	ssyncset.done $0x0  }
0x99: {  	[sflag:s14] =	ssyncadd.s32 $0xFFFFF400  }
0x9a: {  	_ =	swait.ge [sflag:s23], $0xC00  }
0x9b: {  	[sflag:s23] =	ssyncset.done $0x0  }
0x9c: {  	[sflag:s23] =	ssyncadd.s32 $0xFFFFF400  }
0x9d: {  	[tilespmem:s19], [sflag:$0x1] =	stream.indirect.gather [spmem:s4], $0x80, s30, s18, $0xb8;
	[tilespmem:$0x1FA00] =	vst v63  }
0x9e: {  	_ = 	snop  }
0x9f: {  	[spmem:s3] =	stream.indirect.scatter.add.f32 [tilespmem:s22], [sflag:$0x3], $0x80, s31, s18, $0xb8;
	[tilespmem:$0x1FA00] =	vst v63  }
0xa0: {  	_ =	swait.ge [sflag:s14], $0xC00  }
0xa1: {  	[sflag:s14] =	ssyncset.done $0x0  }
0xa2: {  	[sflag:s14] =	ssyncadd.s32 $0xFFFFF400  }
0xa3: {  	_ =	swait.ge [sflag:s20], $0xC00  }
0xa4: {  	[sflag:s20] =	ssyncset.done $0x0  }
0xa5: {  	[sflag:s20] =	ssyncadd.s32 $0xFFFFF400  }
0xa6: {  	[tilespmem:s22], [sflag:$0x2] =	stream.indirect.gather [spmem:s4], $0x80, s0, s18, $0xb8;
	[tilespmem:$0x1FA00] =	vst v63  }
0xa7: {  	_ = 	snop  }
0xa8: {  	[spmem:s3] =	stream.indirect.scatter.add.f32 [tilespmem:s19], [sflag:$0x3], $0x80, s2, s18, $0xb8;
	[tilespmem:$0x1FA00] =	vst v63  }
0xa9: {  	_ =	swait.ge [sflag:s14], $0xC00  }
0xaa: {  	[sflag:s14] =	ssyncset.done $0x0  }
0xab: {  	[sflag:s14] =	ssyncadd.s32 $0xFFFFF400  }
0xac: {  	_ =	swait.ge [sflag:s23], $0xC00  }
0xad: {  	[sflag:s23] =	ssyncset.done $0x0  }
0xae: {  	[sflag:s23] =	ssyncadd.s32 $0xFFFFF400  }
0xaf: {  	[tilespmem:s19], [sflag:$0x1] =	stream.indirect.gather [spmem:s4], $0x80, s1, s18, $0xb8;
	[tilespmem:$0x1FA00] =	vst v63  }
0xb0: {  	_ = 	snop  }
0xb1: {  	[spmem:s3] =	stream.indirect.scatter.add.f32 [tilespmem:s22], [sflag:$0x3], $0x80, s7, s18, $0xb8;
	[tilespmem:$0x1FA00] =	vst v63  }
0xb2: {  	_ =	swait.ge [sflag:s14], $0xC00  }
0xb3: {  	[sflag:s14] =	ssyncset.done $0x0  }
0xb4: {  	[sflag:s14] =	ssyncadd.s32 $0xFFFFF400  }
0xb5: {  	_ =	swait.ge [sflag:s20], $0xC00  }
0xb6: {  	[sflag:s20] =	ssyncset.done $0x0  }
0xb7: {  	[sflag:s20] =	ssyncadd.s32 $0xFFFFF400  }
0xb8: {  	[tilespmem:s22], [sflag:$0x2] =	stream.indirect.gather [spmem:s4], $0x80, s8, s18, $0xb8;
	[tilespmem:$0x1FA00] =	vst v63  }
0xb9: {  	_ = 	snop  }
0xba: {  	[spmem:s3] =	stream.indirect.scatter.add.f32 [tilespmem:s19], [sflag:$0x3], $0x80, s9, s18, $0xb8;
	[tilespmem:$0x1FA00] =	vst v63  }
0xbb: {  	_ =	swait.ge [sflag:s14], $0xC00  }
0xbc: {  	[sflag:s14] =	ssyncset.done $0x0  }
0xbd: {  	[sflag:s14] =	ssyncadd.s32 $0xFFFFF400  }
0xbe: {  	_ =	swait.ge [sflag:s23], $0xC00  }
.Ltmp0:
0xbf: {  	[sflag:s23] =	ssyncset.done $0x0;
	(pc) =	sbr.rel @p1 .LBB2_2-.Ltmp0, $4  }
0xc0: {  	[sflag:s23] =	ssyncadd.s32 $0xFFFFF400  }
0xc1: {  	[spmem:s3] =	stream.indirect.scatter.add.f32 [tilespmem:s22], [sflag:$0x3], $0x80, s21, s18, $0xb8;
	[tilespmem:$0x1FA00] =	vst v63  }
0xc2: {  	s13 =	smov.u32 s11;
	_ =	swait.ge [sflag:s14], $0xC00  }
0xc3: {  	s15 =	smov.u32 s6;
	s10 =	smov.u32 s12;
	[sflag:s14] =	ssyncset.done $0x0  }
0xc4: {  	s6 =	sadd.s32 s13, s10;
	[sflag:s14] =	ssyncadd.s32 $0xFFFFF400  }
0xc5: {  	[tilespmem:s16], [sflag:$0x3] =	stream.linear.gather [hbm4b:s6+s5], $0x400, $0x38;
	[tilespmem:$0x1FA00] =	vst v63  }
0xc6: {  	_ =	swait.ge [sflag:s14], $0x400  }
0xc7: {  	s24 =	rddreg [dreg:$0x5];
	[sflag:s14] =	ssyncset.done $0x0  }
0xc8: {  	[sflag:s14] =	ssyncadd.s32 $0xFFFFFC00;
	s6 =	sadd.s32 s13, s24  }
0xc9: {  	[tilespmem:s17], [sflag:$0x3] =	stream.linear.gather [hbm4b:s6+s5], $0x400, $0x38;
	[tilespmem:$0x1FA00] =	vst v63  }
0xca: {  	_ =	swait.ge [sflag:s14], $0x400  }
0xcb: {  	[sflag:s14] =	ssyncset.done $0x0  }
0xcc: {  	[sflag:s14] =	ssyncadd.s32 $0xFFFFFC00  }
0xcd: {  	[tilespmem:s19], [sflag:$0x1] =	stream.indirect.gather [spmem:s4], $0x80, s16, s18, $0xb8;
	[tilespmem:$0x1FA00] =	vst v63  }
0xce: {  	_ =	swait.ge [sflag:s20], $0xC00  }
0xcf: {  	[sflag:s20] =	ssyncset.done $0x0  }
0xd0: {  	s13 =	simm.s32 $0x1DA80;
	[sflag:s20] =	ssyncadd.s32 $0xFFFFF400  }
0xd1: {  	[tilespmem:s22], [sflag:$0x2] =	stream.indirect.gather [spmem:s4], $0x80, s13, s18, $0xb8;
	[tilespmem:$0x1FA00] =	vst v63  }
0xd2: {  	_ = 	snop  }
0xd3: {  	[spmem:s3] =	stream.indirect.scatter.add.f32 [tilespmem:s19], [sflag:$0x3], $0x80, s17, s18, $0xb8;
	[tilespmem:$0x1FA00] =	vst v63  }
0xd4: {  	_ =	swait.ge [sflag:s14], $0xC00  }
0xd5: {  	[sflag:s14] =	ssyncset.done $0x0  }
0xd6: {  	[sflag:s14] =	ssyncadd.s32 $0xFFFFF400  }
0xd7: {  	_ =	swait.ge [sflag:s23], $0xC00  }
0xd8: {  	[sflag:s23] =	ssyncset.done $0x0  }
0xd9: {  	s15 =	simm.s32 $0x1DB00;
	[sflag:s23] =	ssyncadd.s32 $0xFFFFF400  }
0xda: {  	[tilespmem:s19], [sflag:$0x1] =	stream.indirect.gather [spmem:s4], $0x80, s15, s18, $0xb8;
	[tilespmem:$0x1FA00] =	vst v63  }
0xdb: {  	s0 =	simm.s32 $0x1DE80  }
0xdc: {  	[spmem:s3] =	stream.indirect.scatter.add.f32 [tilespmem:s22], [sflag:$0x3], $0x80, s0, s18, $0xb8;
	[tilespmem:$0x1FA00] =	vst v63  }
0xdd: {  	_ =	swait.ge [sflag:s14], $0xC00  }
0xde: {  	[sflag:s14] =	ssyncset.done $0x0  }
0xdf: {  	[sflag:s14] =	ssyncadd.s32 $0xFFFFF400  }
0xe0: {  	_ =	swait.ge [sflag:s20], $0xC00  }
0xe1: {  	[sflag:s20] =	ssyncset.done $0x0  }
0xe2: {  	s1 =	simm.s32 $0x1DB80;
	[sflag:s20] =	ssyncadd.s32 $0xFFFFF400  }
0xe3: {  	[tilespmem:s22], [sflag:$0x2] =	stream.indirect.gather [spmem:s4], $0x80, s1, s18, $0xb8;
	[tilespmem:$0x1FA00] =	vst v63  }
0xe4: {  	s2 =	simm.s32 $0x1DF00  }
0xe5: {  	[spmem:s3] =	stream.indirect.scatter.add.f32 [tilespmem:s19], [sflag:$0x3], $0x80, s2, s18, $0xb8;
	[tilespmem:$0x1FA00] =	vst v63  }
0xe6: {  	_ =	swait.ge [sflag:s14], $0xC00  }
0xe7: {  	[sflag:s14] =	ssyncset.done $0x0  }
0xe8: {  	[sflag:s14] =	ssyncadd.s32 $0xFFFFF400  }
0xe9: {  	_ =	swait.ge [sflag:s23], $0xC00  }
0xea: {  	[sflag:s23] =	ssyncset.done $0x0  }
0xeb: {  	s7 =	simm.s32 $0x1DC00;
	[sflag:s23] =	ssyncadd.s32 $0xFFFFF400  }
0xec: {  	[tilespmem:s19], [sflag:$0x1] =	stream.indirect.gather [spmem:s4], $0x80, s7, s18, $0xb8;
	[tilespmem:$0x1FA00] =	vst v63  }
0xed: {  	s8 =	simm.s32 $0x1DF80  }
0xee: {  	[spmem:s3] =	stream.indirect.scatter.add.f32 [tilespmem:s22], [sflag:$0x3], $0x80, s8, s18, $0xb8;
	[tilespmem:$0x1FA00] =	vst v63  }
0xef: {  	_ =	swait.ge [sflag:s14], $0xC00  }
0xf0: {  	[sflag:s14] =	ssyncset.done $0x0  }
0xf1: {  	[sflag:s14] =	ssyncadd.s32 $0xFFFFF400  }
0xf2: {  	_ =	swait.ge [sflag:s20], $0xC00  }
0xf3: {  	[sflag:s20] =	ssyncset.done $0x0  }
0xf4: {  	s9 =	simm.s32 $0x1DC80;
	[sflag:s20] =	ssyncadd.s32 $0xFFFFF400  }
0xf5: {  	[tilespmem:s22], [sflag:$0x2] =	stream.indirect.gather [spmem:s4], $0x80, s9, s18, $0xb8;
	[tilespmem:$0x1FA00] =	vst v63  }
0xf6: {  	s21 =	simm.s32 $0x1E000  }
0xf7: {  	[spmem:s3] =	stream.indirect.scatter.add.f32 [tilespmem:s19], [sflag:$0x3], $0x80, s21, s18, $0xb8;
	[tilespmem:$0x1FA00] =	vst v63  }
0xf8: {  	_ =	swait.ge [sflag:s14], $0xC00  }
0xf9: {  	[sflag:s14] =	ssyncset.done $0x0  }
0xfa: {  	[sflag:s14] =	ssyncadd.s32 $0xFFFFF400  }
0xfb: {  	_ =	swait.ge [sflag:s23], $0xC00  }
0xfc: {  	[sflag:s23] =	ssyncset.done $0x0  }
0xfd: {  	s25 =	simm.s32 $0x1DD00;
	[sflag:s23] =	ssyncadd.s32 $0xFFFFF400  }
0xfe: {  	[tilespmem:s19], [sflag:$0x1] =	stream.indirect.gather [spmem:s4], $0x80, s25, s18, $0xb8;
	[tilespmem:$0x1FA00] =	vst v63  }
0xff: {  	s26 =	simm.s32 $0x1E080  }
0x100: {  	[spmem:s3] =	stream.indirect.scatter.add.f32 [tilespmem:s22], [sflag:$0x3], $0x80, s26, s18, $0xb8;
	[tilespmem:$0x1FA00] =	vst v63  }
0x101: {  	_ =	swait.ge [sflag:s14], $0xC00  }
0x102: {  	[sflag:s14] =	ssyncset.done $0x0  }
0x103: {  	[sflag:s14] =	ssyncadd.s32 $0xFFFFF400  }
0x104: {  	_ =	swait.ge [sflag:s20], $0xC00  }
0x105: {  	[sflag:s20] =	ssyncset.done $0x0  }
0x106: {  	s10 =	simm.s32 $0x1DD80;
	[sflag:s20] =	ssyncadd.s32 $0xFFFFF400  }
0x107: {  	[tilespmem:s22], [sflag:$0x2] =	stream.indirect.gather [spmem:s4], $0x80, s10, s18, $0xb8;
	[tilespmem:$0x1FA00] =	vst v63  }
0x108: {  	s11 =	simm.s32 $0x1E100  }
0x109: {  	[spmem:s3] =	stream.indirect.scatter.add.f32 [tilespmem:s19], [sflag:$0x3], $0x80, s11, s18, $0xb8;
	[tilespmem:$0x1FA00] =	vst v63  }
0x10a: {  	_ =	swait.ge [sflag:s14], $0xC00  }
0x10b: {  	[sflag:s14] =	ssyncset.done $0x0  }
0x10c: {  	[sflag:s14] =	ssyncadd.s32 $0xFFFFF400  }
0x10d: {  	_ =	swait.ge [sflag:s23], $0xC00  }
0x10e: {  	[sflag:s23] =	ssyncset.done $0x0  }
0x10f: {  	s24 =	simm.s32 $0x1E180;
	[sflag:s23] =	ssyncadd.s32 $0xFFFFF400  }
0x110: {  	[spmem:s3] =	stream.indirect.scatter.add.f32 [tilespmem:s22], [sflag:$0x3], $0x80, s24, s18, $0xb8;
	[tilespmem:$0x1FA00] =	vst v63  }
0x111: {  	_ =	swait.ge [sflag:s14], $0xC00  }
0x112: {  	[sflag:s14] =	ssyncset.done $0x0  }
0x113: {  	[sflag:s14] =	ssyncadd.s32 $0xFFFFF400  }
0x114: {  	[bflag:$0x0] =	sbarrier.arrive $0xFFFF  }
0x115: {  	s6 =	rddreg [dreg:$0x8]  }
0x116: {  	s10 =	rddreg [dreg:$0xa]  }
0x117: {  	s11 =	rddreg [dreg:$0xe]  }
0x118: {  	[spmem:s11], [sflag:s6] =	dma.local @!p0 [hbm:s10], $0x2780  }
0x119: {  	s6 =	simm.s32 @!p0 $0x3  }
0x11a: {  	_ =	swait.ge @!p0 [sflag:s6], $0x2780  }
0x11b: {  	[sflag:s6] =	ssyncset.done @!p0 $0x0  }
0x11c: {  	[sflag:s6] =	ssyncadd.s32 @!p0 $0xFFFFD880  }
0x11d: {  	[bflag:$0x0] =	sbarrier.arrive $0xFFFF  }
0x11e: {  	s11 =	rddreg [dreg:$0x7]  }
0x11f: {  	s25 =	sadd.s32 $0x0, s11  }
0x120: {  	[tilespmem:s16], [sflag:$0x3] =	stream.linear.gather [hbm4b:s25+s5], $0x400, $0x38;
	[tilespmem:$0x1FA00] =	vst v63  }
0x121: {  	_ =	swait.ge [sflag:s14], $0x400  }
0x122: {  	s26 =	rddreg [dreg:$0x6];
	[sflag:s14] =	ssyncset.done $0x0  }
0x123: {  	[sflag:s14] =	ssyncadd.s32 $0xFFFFFC00;
	s6 =	sadd.s32 $0x0, s26  }
0x124: {  	[tilespmem:s17], [sflag:$0x3] =	stream.linear.gather [hbm4b:s6+s5], $0x400, $0x38;
	[tilespmem:$0x1FA00] =	vst v63  }
0x125: {  	_ =	swait.ge [sflag:s14], $0x400  }
0x126: {  	[sflag:s14] =	ssyncset.done $0x0  }
0x127: {  	[sflag:s14] =	ssyncadd.s32 $0xFFFFFC00  }
0x128: {  	[tilespmem:s19], [sflag:$0x1] =	stream.indirect.gather [spmem:s4], $0x80, s16, s18, $0xb8;
	[tilespmem:$0x1FA00] =	vst v63  }
0x129: {  	_ =	swait.ge [sflag:s20], $0xC00  }
0x12a: {  	[sflag:s20] =	ssyncset.done $0x0  }
0x12b: {  	[sflag:s20] =	ssyncadd.s32 $0xFFFFF400  }
0x12c: {  	[tilespmem:s22], [sflag:$0x2] =	stream.indirect.gather [spmem:s4], $0x80, s13, s18, $0xb8;
	[tilespmem:$0x1FA00] =	vst v63  }
0x12d: {  	_ = 	snop  }
0x12e: {  	[spmem:s3] =	stream.indirect.scatter.add.f32 [tilespmem:s19], [sflag:$0x3], $0x80, s17, s18, $0xb8;
	[tilespmem:$0x1FA00] =	vst v63  }
0x12f: {  	_ =	swait.ge [sflag:s14], $0xC00  }
0x130: {  	[sflag:s14] =	ssyncset.done $0x0  }
0x131: {  	[sflag:s14] =	ssyncadd.s32 $0xFFFFF400  }
0x132: {  	_ =	swait.ge [sflag:s23], $0xC00  }
0x133: {  	[sflag:s23] =	ssyncset.done $0x0  }
0x134: {  	[sflag:s23] =	ssyncadd.s32 $0xFFFFF400  }
0x135: {  	[tilespmem:s19], [sflag:$0x1] =	stream.indirect.gather [spmem:s4], $0x80, s15, s18, $0xb8;
	[tilespmem:$0x1FA00] =	vst v63  }
0x136: {  	_ = 	snop  }
0x137: {  	[spmem:s3] =	stream.indirect.scatter.add.f32 [tilespmem:s22], [sflag:$0x3], $0x80, s0, s18, $0xb8;
	[tilespmem:$0x1FA00] =	vst v63  }
0x138: {  	_ =	swait.ge [sflag:s14], $0xC00  }
0x139: {  	[sflag:s14] =	ssyncset.done $0x0  }
0x13a: {  	[sflag:s14] =	ssyncadd.s32 $0xFFFFF400  }
0x13b: {  	_ =	swait.ge [sflag:s20], $0xC00  }
0x13c: {  	[sflag:s20] =	ssyncset.done $0x0  }
0x13d: {  	[sflag:s20] =	ssyncadd.s32 $0xFFFFF400  }
0x13e: {  	[tilespmem:s22], [sflag:$0x2] =	stream.indirect.gather [spmem:s4], $0x80, s1, s18, $0xb8;
	[tilespmem:$0x1FA00] =	vst v63  }
0x13f: {  	_ = 	snop  }
0x140: {  	[spmem:s3] =	stream.indirect.scatter.add.f32 [tilespmem:s19], [sflag:$0x3], $0x80, s2, s18, $0xb8;
	[tilespmem:$0x1FA00] =	vst v63  }
0x141: {  	_ =	swait.ge [sflag:s14], $0xC00  }
0x142: {  	[sflag:s14] =	ssyncset.done $0x0  }
0x143: {  	[sflag:s14] =	ssyncadd.s32 $0xFFFFF400  }
0x144: {  	_ =	swait.ge [sflag:s23], $0xC00  }
0x145: {  	[sflag:s23] =	ssyncset.done $0x0  }
0x146: {  	[sflag:s23] =	ssyncadd.s32 $0xFFFFF400  }
0x147: {  	[tilespmem:s19], [sflag:$0x1] =	stream.indirect.gather [spmem:s4], $0x80, s7, s18, $0xb8;
	[tilespmem:$0x1FA00] =	vst v63  }
0x148: {  	_ = 	snop  }
0x149: {  	[spmem:s3] =	stream.indirect.scatter.add.f32 [tilespmem:s22], [sflag:$0x3], $0x80, s8, s18, $0xb8;
	[tilespmem:$0x1FA00] =	vst v63  }
0x14a: {  	_ =	swait.ge [sflag:s14], $0xC00  }
0x14b: {  	[sflag:s14] =	ssyncset.done $0x0  }
0x14c: {  	[sflag:s14] =	ssyncadd.s32 $0xFFFFF400  }
0x14d: {  	_ =	swait.ge [sflag:s20], $0xC00  }
0x14e: {  	[sflag:s20] =	ssyncset.done $0x0  }
0x14f: {  	[sflag:s20] =	ssyncadd.s32 $0xFFFFF400  }
0x150: {  	[tilespmem:s22], [sflag:$0x2] =	stream.indirect.gather [spmem:s4], $0x80, s9, s18, $0xb8;
	[tilespmem:$0x1FA00] =	vst v63  }
0x151: {  	_ = 	snop  }
0x152: {  	[spmem:s3] =	stream.indirect.scatter.add.f32 [tilespmem:s19], [sflag:$0x3], $0x80, s21, s18, $0xb8;
	[tilespmem:$0x1FA00] =	vst v63  }
0x153: {  	_ =	swait.ge [sflag:s14], $0xC00  }
0x154: {  	[sflag:s14] =	ssyncset.done $0x0  }
0x155: {  	[sflag:s14] =	ssyncadd.s32 $0xFFFFF400  }
0x156: {  	_ =	swait.ge [sflag:s23], $0xC00  }
0x157: {  	[sflag:s23] =	ssyncset.done $0x0  }
0x158: {  	s8 =	simm.s32 $0x1DD00;
	[sflag:s23] =	ssyncadd.s32 $0xFFFFF400  }
0x159: {  	[tilespmem:s19], [sflag:$0x1] =	stream.indirect.gather [spmem:s4], $0x80, s8, s18, $0xb8;
	[tilespmem:$0x1FA00] =	vst v63  }
0x15a: {  	s9 =	simm.s32 $0x1E080  }
0x15b: {  	[spmem:s3] =	stream.indirect.scatter.add.f32 [tilespmem:s22], [sflag:$0x3], $0x80, s9, s18, $0xb8;
	[tilespmem:$0x1FA00] =	vst v63  }
0x15c: {  	_ =	swait.ge [sflag:s14], $0xC00  }
0x15d: {  	[sflag:s14] =	ssyncset.done $0x0  }
0x15e: {  	[sflag:s14] =	ssyncadd.s32 $0xFFFFF400  }
0x15f: {  	_ =	swait.ge [sflag:s20], $0xC00  }
0x160: {  	[sflag:s20] =	ssyncset.done $0x0  }
0x161: {  	s10 =	simm.s32 $0x1DD80;
	[sflag:s20] =	ssyncadd.s32 $0xFFFFF400  }
0x162: {  	[tilespmem:s22], [sflag:$0x2] =	stream.indirect.gather [spmem:s4], $0x80, s10, s18, $0xb8;
	[tilespmem:$0x1FA00] =	vst v63  }
0x163: {  	s28 =	simm.s32 $0x1DB80;
	s13 =	simm.s32 $0x1E100  }
0x164: {  	[spmem:s3] =	stream.indirect.scatter.add.f32 [tilespmem:s19], [sflag:$0x3], $0x80, s13, s18, $0xb8;
	[tilespmem:$0x1FA00] =	vst v63  }
0x165: {  	s29 =	simm.s32 $0x1DF00;
	s30 =	simm.s32 $0x1DC00;
	_ =	swait.ge [sflag:s14], $0xC00  }
0x166: {  	s31 =	simm.s32 $0x1DF80;
	s24 =	simm.s32 $0x1DA80;
	[sflag:s14] =	ssyncset.done $0x0  }
0x167: {  	s25 =	simm.s32 $0x1DB00;
	s26 =	simm.s32 $0x1DE80;
	[sflag:s14] =	ssyncadd.s32 $0xFFFFF400  }
0x168: {  	s6 =	simm.s32 $0x100;
	s15 =	simm.s32 $0x1E180;
	_ =	swait.ge [sflag:s23], $0xC00  }
0x169: {  	s0 =	simm.s32 $0x1DC80;
	s1 =	simm.s32 $0x1DD00;
	[sflag:s23] =	ssyncset.done $0x0  }
0x16a: {  	s2 =	simm.s32 $0x1E000;
	s7 =	simm.s32 $0x1E080;
	[sflag:s23] =	ssyncadd.s32 $0xFFFFF400  }
0x16b: {  	[spmem:s3] =	stream.indirect.scatter.add.f32 [tilespmem:s22], [sflag:$0x3], $0x80, s15, s18, $0xb8;
	[tilespmem:$0x1FA00] =	vst v63  }
0x16c: {  	s21 =	simm.s32 $0x1E180;
	s8 =	simm.s32 $0x1DD80;
	_ =	swait.ge [sflag:s14], $0xC00  }
0x16d: {  	s9 =	simm.s32 $0x1E100;
	s13 =	simm.s32 $0x80;
	[sflag:s14] =	ssyncset.done $0x0  }
.LBB2_4:
0x16e: {  	s10 =	sadd.s32 s13, s11;
	[sflag:s14] =	ssyncadd.s32 $0xFFFFF400  }
0x16f: {  	[tilespmem:s16], [sflag:$0x3] =	stream.linear.gather [hbm4b:s10+s5], $0x400, $0x38;
	[tilespmem:$0x1FA00] =	vst v63  }
0x170: {  	s11 =	smov.u32 s6;
	_ =	swait.ge [sflag:s14], $0x400  }
0x171: {  	s15 =	sadd.s32 $0x80, s6;
	s10 =	rddreg [dreg:$0x6];
	[sflag:s14] =	ssyncset.done $0x0  }
0x172: {  	p1 =	sne.s32 s6, $0x1A00;
	[sflag:s14] =	ssyncadd.s32 $0xFFFFFC00;
	s6 =	sadd.s32 s13, s10  }
0x173: {  	[tilespmem:s17], [sflag:$0x3] =	stream.linear.gather [hbm4b:s6+s5], $0x400, $0x38;
	[tilespmem:$0x1FA00] =	vst v63  }
0x174: {  	s13 =	smov.u32 s11;
	s11 =	rddreg [dreg:$0x7];
	_ =	swait.ge [sflag:s14], $0x400  }
0x175: {  	[sflag:s14] =	ssyncset.done $0x0  }
0x176: {  	[sflag:s14] =	ssyncadd.s32 $0xFFFFFC00  }
0x177: {  	[tilespmem:s19], [sflag:$0x1] =	stream.indirect.gather [spmem:s4], $0x80, s16, s18, $0xb8;
	[tilespmem:$0x1FA00] =	vst v63  }
0x178: {  	_ =	swait.ge [sflag:s20], $0xC00  }
0x179: {  	[sflag:s20] =	ssyncset.done $0x0  }
0x17a: {  	[sflag:s20] =	ssyncadd.s32 $0xFFFFF400  }
0x17b: {  	[tilespmem:s22], [sflag:$0x2] =	stream.indirect.gather [spmem:s4], $0x80, s24, s18, $0xb8;
	[tilespmem:$0x1FA00] =	vst v63  }
0x17c: {  	_ = 	snop  }
0x17d: {  	[spmem:s3] =	stream.indirect.scatter.add.f32 [tilespmem:s19], [sflag:$0x3], $0x80, s17, s18, $0xb8;
	[tilespmem:$0x1FA00] =	vst v63  }
0x17e: {  	_ =	swait.ge [sflag:s14], $0xC00  }
0x17f: {  	[sflag:s14] =	ssyncset.done $0x0  }
0x180: {  	[sflag:s14] =	ssyncadd.s32 $0xFFFFF400  }
0x181: {  	_ =	swait.ge [sflag:s23], $0xC00  }
0x182: {  	[sflag:s23] =	ssyncset.done $0x0  }
0x183: {  	[sflag:s23] =	ssyncadd.s32 $0xFFFFF400  }
0x184: {  	[tilespmem:s19], [sflag:$0x1] =	stream.indirect.gather [spmem:s4], $0x80, s25, s18, $0xb8;
	[tilespmem:$0x1FA00] =	vst v63  }
0x185: {  	_ = 	snop  }
0x186: {  	[spmem:s3] =	stream.indirect.scatter.add.f32 [tilespmem:s22], [sflag:$0x3], $0x80, s26, s18, $0xb8;
	[tilespmem:$0x1FA00] =	vst v63  }
0x187: {  	_ =	swait.ge [sflag:s14], $0xC00  }
0x188: {  	[sflag:s14] =	ssyncset.done $0x0  }
0x189: {  	[sflag:s14] =	ssyncadd.s32 $0xFFFFF400  }
0x18a: {  	_ =	swait.ge [sflag:s20], $0xC00  }
0x18b: {  	[sflag:s20] =	ssyncset.done $0x0  }
0x18c: {  	[sflag:s20] =	ssyncadd.s32 $0xFFFFF400  }
0x18d: {  	[tilespmem:s22], [sflag:$0x2] =	stream.indirect.gather [spmem:s4], $0x80, s28, s18, $0xb8;
	[tilespmem:$0x1FA00] =	vst v63  }
0x18e: {  	_ = 	snop  }
0x18f: {  	[spmem:s3] =	stream.indirect.scatter.add.f32 [tilespmem:s19], [sflag:$0x3], $0x80, s29, s18, $0xb8;
	[tilespmem:$0x1FA00] =	vst v63  }
0x190: {  	_ =	swait.ge [sflag:s14], $0xC00  }
0x191: {  	[sflag:s14] =	ssyncset.done $0x0  }
0x192: {  	[sflag:s14] =	ssyncadd.s32 $0xFFFFF400  }
0x193: {  	_ =	swait.ge [sflag:s23], $0xC00  }
0x194: {  	[sflag:s23] =	ssyncset.done $0x0  }
0x195: {  	[sflag:s23] =	ssyncadd.s32 $0xFFFFF400  }
0x196: {  	[tilespmem:s19], [sflag:$0x1] =	stream.indirect.gather [spmem:s4], $0x80, s30, s18, $0xb8;
	[tilespmem:$0x1FA00] =	vst v63  }
0x197: {  	_ = 	snop  }
0x198: {  	[spmem:s3] =	stream.indirect.scatter.add.f32 [tilespmem:s22], [sflag:$0x3], $0x80, s31, s18, $0xb8;
	[tilespmem:$0x1FA00] =	vst v63  }
0x199: {  	_ =	swait.ge [sflag:s14], $0xC00  }
0x19a: {  	[sflag:s14] =	ssyncset.done $0x0  }
0x19b: {  	[sflag:s14] =	ssyncadd.s32 $0xFFFFF400  }
0x19c: {  	_ =	swait.ge [sflag:s20], $0xC00  }
0x19d: {  	[sflag:s20] =	ssyncset.done $0x0  }
0x19e: {  	[sflag:s20] =	ssyncadd.s32 $0xFFFFF400  }
0x19f: {  	[tilespmem:s22], [sflag:$0x2] =	stream.indirect.gather [spmem:s4], $0x80, s0, s18, $0xb8;
	[tilespmem:$0x1FA00] =	vst v63  }
0x1a0: {  	_ = 	snop  }
0x1a1: {  	[spmem:s3] =	stream.indirect.scatter.add.f32 [tilespmem:s19], [sflag:$0x3], $0x80, s2, s18, $0xb8;
	[tilespmem:$0x1FA00] =	vst v63  }
0x1a2: {  	_ =	swait.ge [sflag:s14], $0xC00  }
0x1a3: {  	[sflag:s14] =	ssyncset.done $0x0  }
0x1a4: {  	[sflag:s14] =	ssyncadd.s32 $0xFFFFF400  }
0x1a5: {  	_ =	swait.ge [sflag:s23], $0xC00  }
0x1a6: {  	[sflag:s23] =	ssyncset.done $0x0  }
0x1a7: {  	[sflag:s23] =	ssyncadd.s32 $0xFFFFF400  }
0x1a8: {  	[tilespmem:s19], [sflag:$0x1] =	stream.indirect.gather [spmem:s4], $0x80, s1, s18, $0xb8;
	[tilespmem:$0x1FA00] =	vst v63  }
0x1a9: {  	_ = 	snop  }
0x1aa: {  	[spmem:s3] =	stream.indirect.scatter.add.f32 [tilespmem:s22], [sflag:$0x3], $0x80, s7, s18, $0xb8;
	[tilespmem:$0x1FA00] =	vst v63  }
0x1ab: {  	_ =	swait.ge [sflag:s14], $0xC00  }
0x1ac: {  	[sflag:s14] =	ssyncset.done $0x0  }
0x1ad: {  	[sflag:s14] =	ssyncadd.s32 $0xFFFFF400  }
0x1ae: {  	_ =	swait.ge [sflag:s20], $0xC00  }
0x1af: {  	[sflag:s20] =	ssyncset.done $0x0  }
0x1b0: {  	[sflag:s20] =	ssyncadd.s32 $0xFFFFF400  }
0x1b1: {  	[tilespmem:s22], [sflag:$0x2] =	stream.indirect.gather [spmem:s4], $0x80, s8, s18, $0xb8;
	[tilespmem:$0x1FA00] =	vst v63  }
0x1b2: {  	_ = 	snop  }
0x1b3: {  	[spmem:s3] =	stream.indirect.scatter.add.f32 [tilespmem:s19], [sflag:$0x3], $0x80, s9, s18, $0xb8;
	[tilespmem:$0x1FA00] =	vst v63  }
0x1b4: {  	_ =	swait.ge [sflag:s14], $0xC00  }
0x1b5: {  	[sflag:s14] =	ssyncset.done $0x0  }
0x1b6: {  	[sflag:s14] =	ssyncadd.s32 $0xFFFFF400  }
0x1b7: {  	_ =	swait.ge [sflag:s23], $0xC00  }
.Ltmp1:
0x1b8: {  	[sflag:s23] =	ssyncset.done $0x0;
	(pc) =	sbr.rel @p1 .LBB2_4-.Ltmp1, $4  }
0x1b9: {  	[sflag:s23] =	ssyncadd.s32 $0xFFFFF400  }
0x1ba: {  	[spmem:s3] =	stream.indirect.scatter.add.f32 [tilespmem:s22], [sflag:$0x3], $0x80, s21, s18, $0xb8;
	[tilespmem:$0x1FA00] =	vst v63  }
0x1bb: {  	_ =	swait.ge [sflag:s14], $0xC00  }
0x1bc: {  	s6 =	smov.u32 s15;
	[sflag:s14] =	ssyncset.done $0x0  }
0x1bd: {  	s6 =	sadd.s32 s13, s11;
	[sflag:s14] =	ssyncadd.s32 $0xFFFFF400  }
0x1be: {  	[tilespmem:s16], [sflag:$0x3] =	stream.linear.gather [hbm4b:s6+s5], $0x400, $0x38;
	[tilespmem:$0x1FA00] =	vst v63  }
0x1bf: {  	_ =	swait.ge [sflag:s14], $0x400  }
0x1c0: {  	s15 =	rddreg [dreg:$0x6];
	[sflag:s14] =	ssyncset.done $0x0  }
0x1c1: {  	s6 =	sadd.s32 s13, s15;
	[sflag:s14] =	ssyncadd.s32 $0xFFFFFC00  }
0x1c2: {  	[tilespmem:s17], [sflag:$0x3] =	stream.linear.gather [hbm4b:s6+s5], $0x400, $0x38;
	[tilespmem:$0x1FA00] =	vst v63  }
0x1c3: {  	_ =	swait.ge [sflag:s14], $0x400  }
0x1c4: {  	[sflag:s14] =	ssyncset.done $0x0  }
0x1c5: {  	[sflag:s14] =	ssyncadd.s32 $0xFFFFFC00  }
0x1c6: {  	[tilespmem:s19], [sflag:$0x1] =	stream.indirect.gather [spmem:s4], $0x80, s16, s18, $0xb8;
	[tilespmem:$0x1FA00] =	vst v63  }
0x1c7: {  	_ =	swait.ge [sflag:s20], $0xC00  }
0x1c8: {  	[sflag:s20] =	ssyncset.done $0x0  }
0x1c9: {  	[sflag:s20] =	ssyncadd.s32 $0xFFFFF400  }
0x1ca: {  	[tilespmem:s22], [sflag:$0x2] =	stream.indirect.gather [spmem:s4], $0x80, s24, s18, $0xb8;
	[tilespmem:$0x1FA00] =	vst v63  }
0x1cb: {  	_ = 	snop  }
0x1cc: {  	[spmem:s3] =	stream.indirect.scatter.add.f32 [tilespmem:s19], [sflag:$0x3], $0x80, s17, s18, $0xb8;
	[tilespmem:$0x1FA00] =	vst v63  }
0x1cd: {  	_ =	swait.ge [sflag:s14], $0xC00  }
0x1ce: {  	[sflag:s14] =	ssyncset.done $0x0  }
0x1cf: {  	[sflag:s14] =	ssyncadd.s32 $0xFFFFF400  }
0x1d0: {  	_ =	swait.ge [sflag:s23], $0xC00  }
0x1d1: {  	[sflag:s23] =	ssyncset.done $0x0  }
0x1d2: {  	[sflag:s23] =	ssyncadd.s32 $0xFFFFF400  }
0x1d3: {  	[tilespmem:s19], [sflag:$0x1] =	stream.indirect.gather [spmem:s4], $0x80, s25, s18, $0xb8;
	[tilespmem:$0x1FA00] =	vst v63  }
0x1d4: {  	_ = 	snop  }
0x1d5: {  	[spmem:s3] =	stream.indirect.scatter.add.f32 [tilespmem:s22], [sflag:$0x3], $0x80, s26, s18, $0xb8;
	[tilespmem:$0x1FA00] =	vst v63  }
0x1d6: {  	_ =	swait.ge [sflag:s14], $0xC00  }
0x1d7: {  	[sflag:s14] =	ssyncset.done $0x0  }
0x1d8: {  	[sflag:s14] =	ssyncadd.s32 $0xFFFFF400  }
0x1d9: {  	_ =	swait.ge [sflag:s20], $0xC00  }
0x1da: {  	[sflag:s20] =	ssyncset.done $0x0  }
0x1db: {  	[sflag:s20] =	ssyncadd.s32 $0xFFFFF400  }
0x1dc: {  	[tilespmem:s22], [sflag:$0x2] =	stream.indirect.gather [spmem:s4], $0x80, s28, s18, $0xb8;
	[tilespmem:$0x1FA00] =	vst v63  }
0x1dd: {  	_ = 	snop  }
0x1de: {  	[spmem:s3] =	stream.indirect.scatter.add.f32 [tilespmem:s19], [sflag:$0x3], $0x80, s29, s18, $0xb8;
	[tilespmem:$0x1FA00] =	vst v63  }
0x1df: {  	_ =	swait.ge [sflag:s14], $0xC00  }
0x1e0: {  	[sflag:s14] =	ssyncset.done $0x0  }
0x1e1: {  	[sflag:s14] =	ssyncadd.s32 $0xFFFFF400  }
0x1e2: {  	_ =	swait.ge [sflag:s23], $0xC00  }
0x1e3: {  	[sflag:s23] =	ssyncset.done $0x0  }
0x1e4: {  	[sflag:s23] =	ssyncadd.s32 $0xFFFFF400  }
0x1e5: {  	[tilespmem:s19], [sflag:$0x1] =	stream.indirect.gather [spmem:s4], $0x80, s30, s18, $0xb8;
	[tilespmem:$0x1FA00] =	vst v63  }
0x1e6: {  	_ = 	snop  }
0x1e7: {  	[spmem:s3] =	stream.indirect.scatter.add.f32 [tilespmem:s22], [sflag:$0x3], $0x80, s31, s18, $0xb8;
	[tilespmem:$0x1FA00] =	vst v63  }
0x1e8: {  	_ =	swait.ge [sflag:s14], $0xC00  }
0x1e9: {  	[sflag:s14] =	ssyncset.done $0x0  }
0x1ea: {  	[sflag:s14] =	ssyncadd.s32 $0xFFFFF400  }
0x1eb: {  	_ =	swait.ge [sflag:s20], $0xC00  }
0x1ec: {  	[sflag:s20] =	ssyncset.done $0x0  }
0x1ed: {  	[sflag:s20] =	ssyncadd.s32 $0xFFFFF400  }
0x1ee: {  	[tilespmem:s22], [sflag:$0x2] =	stream.indirect.gather [spmem:s4], $0x80, s0, s18, $0xb8;
	[tilespmem:$0x1FA00] =	vst v63  }
0x1ef: {  	_ = 	snop  }
0x1f0: {  	[spmem:s3] =	stream.indirect.scatter.add.f32 [tilespmem:s19], [sflag:$0x3], $0x80, s2, s18, $0xb8;
	[tilespmem:$0x1FA00] =	vst v63  }
0x1f1: {  	_ =	swait.ge [sflag:s14], $0xC00  }
0x1f2: {  	[sflag:s14] =	ssyncset.done $0x0  }
0x1f3: {  	[sflag:s14] =	ssyncadd.s32 $0xFFFFF400  }
0x1f4: {  	_ =	swait.ge [sflag:s23], $0xC00  }
0x1f5: {  	[sflag:s23] =	ssyncset.done $0x0  }
0x1f6: {  	[sflag:s23] =	ssyncadd.s32 $0xFFFFF400  }
0x1f7: {  	[tilespmem:s19], [sflag:$0x1] =	stream.indirect.gather [spmem:s4], $0x80, s1, s18, $0xb8;
	[tilespmem:$0x1FA00] =	vst v63  }
0x1f8: {  	_ = 	snop  }
0x1f9: {  	[spmem:s3] =	stream.indirect.scatter.add.f32 [tilespmem:s22], [sflag:$0x3], $0x80, s7, s18, $0xb8;
	[tilespmem:$0x1FA00] =	vst v63  }
0x1fa: {  	_ =	swait.ge [sflag:s14], $0xC00  }
0x1fb: {  	[sflag:s14] =	ssyncset.done $0x0  }
0x1fc: {  	[sflag:s14] =	ssyncadd.s32 $0xFFFFF400  }
0x1fd: {  	_ =	swait.ge [sflag:s20], $0xC00  }
0x1fe: {  	[sflag:s20] =	ssyncset.done $0x0  }
0x1ff: {  	[sflag:s20] =	ssyncadd.s32 $0xFFFFF400  }
0x200: {  	[tilespmem:s22], [sflag:$0x2] =	stream.indirect.gather [spmem:s4], $0x80, s8, s18, $0xb8;
	[tilespmem:$0x1FA00] =	vst v63  }
0x201: {  	_ = 	snop  }
0x202: {  	[spmem:s3] =	stream.indirect.scatter.add.f32 [tilespmem:s19], [sflag:$0x3], $0x80, s9, s18, $0xb8;
	[tilespmem:$0x1FA00] =	vst v63  }
0x203: {  	_ =	swait.ge [sflag:s14], $0xC00  }
0x204: {  	[sflag:s14] =	ssyncset.done $0x0  }
0x205: {  	[sflag:s14] =	ssyncadd.s32 $0xFFFFF400  }
0x206: {  	_ =	swait.ge [sflag:s23], $0xC00  }
0x207: {  	[sflag:s23] =	ssyncset.done $0x0  }
0x208: {  	[sflag:s23] =	ssyncadd.s32 $0xFFFFF400  }
0x209: {  	[spmem:s3] =	stream.indirect.scatter.add.f32 [tilespmem:s22], [sflag:$0x3], $0x80, s21, s18, $0xb8;
	[tilespmem:$0x1FA00] =	vst v63  }
0x20a: {  	_ =	swait.ge [sflag:s14], $0xC00  }
0x20b: {  	[sflag:s14] =	ssyncset.done $0x0  }
0x20c: {  	[sflag:s14] =	ssyncadd.s32 $0xFFFFF400  }
0x20d: {  	[bflag:$0x0] =	sbarrier.arrive $0xFFFF  }
0x20e: {  	s15 =	rddreg [dreg:$0x8]  }
0x20f: {  	s10 =	rddreg [dreg:$0xb]  }
0x210: {  	s13 =	rddreg [dreg:$0xd]  }
0x211: {  	[hbm:s10], [sflag:s15] =	dma.local [spmem:s13], $0x2780  }
0x212: {  	_ =	swait.ge [sflag:s14], $0x2780  }
0x213: {  	s10 =	rddreg [dreg:$0xf]  }
0x214: {  	s11 =	rddreg [dreg:$0xc];
	s10 =	sadd.s32 $0x1, s10  }
0x215: {  	p1 =	sne.s32 s10, s11  }
.Ltmp2:
0x216: {  	_ = 	snop;
	(pc) =	sbr.rel @p1 .LBB2_1-.Ltmp2, $3  }
0x217: {  	_ =	sdelay $0x1  }
0x218: {  	[sflag:s14] =	ssyncset.done $0x0  }
0x219: {  	[sflag:s14] =	ssyncadd.s32 $0xFFFFD880;
	[dreg:$0xf] =	wrdreg s10;
	s10 =	smov.u32 s12  }
0x21a: {  	_ =	sfence.sel $0x180000  }
0x21b: {  	[bflag:$0x0] =	sbarrier.arrive $0xFFFF  }
0x21c: {  	_ =	strace $0x9000004A  }
0x21d: {  	s0 =	stileid.u32;
	[bflag:$0x2] =	sbarrier.arrive $0xFFFF  }
0x21e: {  	p0 =	sne.s32 s0, $0x0;
	s0 =	rddreg [dreg:$0x4]  }
0x21f: {  	s0 =	sadd.s32 @!p0 $0x100000, s0  }
0x220: {  	[sflag:s0] =	ssyncadd.tile.s32 @!p0 $0x1;
	_ =	shalt  }
.Lfunc_end2:
_tile_overlayer_lowered:
.L_overlay_start_2:
0x221: {  	(tag) =	ssettag $0x2  }
0x222: {  	s0 =	rddreg [dreg:$0x0];
	s2 =	stileid.u32  }
0x223: {  	s1 =	rddreg [dreg:$0x1];
	p0 =	sne.s32 s2, $0x0  }
0x224: {  	s3 =	rddreg [dreg:$0x2];
	[bflag:$0x3] =	sbarrier.arrive $0xFFFF;
	s2 =	simm.s32 @!p0 $0x1C03  }
0x225: {  	[timem:s3], [sflag:s2] =	dma.local @!p0 [hbm:s0], s1  }
0x226: {  	s0 =	simm.s32 @!p0 $0x3  }
0x227: {  	_ =	swait.ge @!p0 [sflag:s0], s1  }
0x228: {  	s1 =	ssub.s32 @!p0 $0x0, s1;
	[sflag:s0] =	ssyncset.done @!p0 $0x0  }
0x229: {  	[sflag:s0] =	ssyncadd.s32 @!p0 s1  }
0x22a: {  	[bflag:$0x3] =	sbarrier.arrive $0xFFFF  }
0x22b: {  	_ =	shalt  }

// kernel: kernel.14.cloned.1.call-start
scs
__scs_entry_jumppad:
0x0: {  	(pc) =	sbr.rel $0x88, $3  }
0x1: {  	(tag) =	ssettag $0x0;
	lr =	simm.s32 $0x1  }
0x2: {  	[smem:$0x3F9B] =	sst lr;
	_ =	strace $0xD0000000  }
0x3: {  	_ = 	snop  }
0x4: {  	_ = 	snop  }
0x5: {  	_ = 	snop  }
0x6: {  	_ = 	snop  }
0x7: {  	_ = 	snop  }
__scs_overlays_trampoline_lowered:
0x8: {  	[smem:$0x3FAA] =	sst s0  }
0x9: {  	[smem:$0x3FAB] =	sst s1  }
0xa: {  	[smem:$0x3FAC] =	sst s2  }
0xb: {  	[smem:$0x3FAD] =	sst s3  }
0xc: {  	[smem:$0x3FAE] =	sst s4  }
0xd: {  	[smem:$0x3FAF] =	sst s5  }
0xe: {  	[smem:$0x3FB0] =	sst s6  }
0xf: {  	[smem:$0x3FB1] =	sst s7  }
0x10: {  	[smem:$0x3FB2] =	sst s8  }
0x11: {  	[smem:$0x3FB3] =	sst s9;
	s0 =	simm.s32 @!p0 $0x0  }
0x12: {  	s1 =	sld [smem:$0x3F99];
	s0 =	simm.s32 @p0 $0x1  }
0x13: {  	[smem:$0x3FB4] =	sst s0;
	s0 =	simm.s32 @!p1 $0x0  }
0x14: {  	s2 =	sld [smem:$0x3F98];
	s0 =	simm.s32 @p1 $0x1  }
0x15: {  	[smem:$0x3FB5] =	sst s0;
	s0 =	simm.s32 @!p2 $0x0  }
0x16: {  	s3 =	sld [smem:$0x3FDB];
	s0 =	simm.s32 @p2 $0x1  }
0x17: {  	s4 =	simm.s32 $0x1BF5;
	[smem:$0x3FB7] =	sst s0  }
0x18: {  	s0 =	sld [smem:$0x3F9A];
	_ =	swait.ge [sflag:s4], $0x0  }
0x19: {  	s7 =	sld [smem:$0x3F9B]  }
0x1a: {  	s8 =	sadd.s32 $0xFFFFE003, lr  }
0x1b: {  	s9 =	sadd.s32 $0xFFFFFEF7, lr;
	s5 =	simm.s32 $0xFFFFFFFF;
	p2 =	slt.u32 s8, $0xFFFFF086  }
0x1c: {  	p1 =	slt.u32 s9, $0xF7A;
	s5 =	simm.s32 @!p2 $0x0  }
0x1d: {  	s5 =	simm.s32 @p1 $0x1;
	p0 =	seq.s32 s7, s2  }
0x1e: {  	s7 =	smul.u32 @!p0 $0xF7A, s2;
	p2 =	seq.s32 @!p0 s5, $0x0  }
0x1f: {  	s9 =	smul.u32 $0xF7A, s1;
	s8 =	simm.s32 @!p0 $0x1BF5;
	p2 =	por !p2, p0  }
0x20: {  	[sflag:s8] =	ssyncset.s32 @!p0 $0xFFFFF086;
	s6 =	sadd.s32 @!p0 s3, s7;
	s7 =	simm.s32 @!p0 $0x108  }
0x21: {  	s3 =	sadd.s32 s3, s9;
	s6 =	sadd.s32 @!p0 $0x88, s6;
	s7 =	simm.s32 @p2 $0x1082  }
0x22: {  	[simem:s7], [sflag:s8] =	dma.local @!p0 [hbm:s6], $0xF7A  }
0x23: {  	s9 =	sor.u32 $0xD0000000, s2;
	s6 =	simm.s32 $0x108;
	_ =	swait.ge @!p0 [sflag:s8], $0x0  }
0x24: {  	s3 =	sadd.s32 $0x88, s3;
	s6 =	simm.s32 @!p1 $0x1082;
	[sflag:s4] =	ssyncset.s32 $0xFFFFF086  }
0x25: {  	[simem:s6], [sflag:s4] =	dma.local [hbm:s3], $0xF7A  }
0x26: {  	[smem:$0x3F9B] =	sst s1;
	(tag) =	ssettag s2;
	_ =	strace s9  }
0x27: {  	s1 =	sld [smem:$0x3FAB]  }
0x28: {  	s2 =	sld [smem:$0x3FAC]  }
0x29: {  	s4 =	sld [smem:$0x3FAE]  }
0x2a: {  	p0 =	seq.s32 s5, $0x0;
	s5 =	sld [smem:$0x3FAF]  }
0x2b: {  	s6 =	sld [smem:$0x3FB0]  }
0x2c: {  	s7 =	sld [smem:$0x3FB1]  }
0x2d: {  	s3 =	simm.s32 $0x108;
	s8 =	sld [smem:$0x3FB2]  }
0x2e: {  	s3 =	simm.s32 @!p0 $0x1082;
	s9 =	sld [smem:$0x3FB3]  }
0x2f: {  	lr =	sadd.s32 s0, s3;
	s0 =	sld [smem:$0x3FAA]  }
0x30: {  	s3 =	sld [smem:$0x3FAD]  }
0x31: {  	[smem:$0x3FB6] =	sst s10  }
0x32: {  	s10 =	sld [smem:$0x3FB4];
	_ =	sdelay $0x3  }
0x33: {  	p0 =	seq.s32 s10, $0x1;
	s10 =	sld [smem:$0x3FB6];
	_ =	sdelay $0x3  }
0x34: {  	[smem:$0x3FB6] =	sst s10  }
0x35: {  	s10 =	sld [smem:$0x3FB5];
	_ =	sdelay $0x3  }
0x36: {  	p1 =	seq.s32 s10, $0x1;
	s10 =	sld [smem:$0x3FB6];
	_ =	sdelay $0x3  }
0x37: {  	[smem:$0x3FB6] =	sst s10  }
0x38: {  	s10 =	sld [smem:$0x3FB7]  }
0x39: {  	_ = 	snop;
	(pc) =	sbr.ind lr, $3  }
0x3a: {  	_ = 	snop  }
0x3b: {  	_ = 	snop  }
0x3c: {  	p2 =	seq.s32 s10, $0x1;
	s10 =	sld [smem:$0x3FB6]  }
0x3d: {  	_ =	shalt  }
0x3e: {  	_ =	shalt  }
0x3f: {  	_ =	shalt  }
0x40: {  	_ =	shalt  }
0x41: {  	_ =	shalt  }
0x42: {  	_ =	shalt  }
0x43: {  	_ =	shalt  }
0x44: {  	_ =	shalt  }
0x45: {  	_ =	shalt  }
0x46: {  	_ =	shalt  }
0x47: {  	_ =	shalt  }
0x48: {  	_ =	shalt  }
0x49: {  	_ =	shalt  }
0x4a: {  	_ =	shalt  }
0x4b: {  	_ =	shalt  }
0x4c: {  	_ =	shalt  }
0x4d: {  	_ =	shalt  }
0x4e: {  	_ =	shalt  }
0x4f: {  	_ =	shalt  }
0x50: {  	_ =	shalt  }
0x51: {  	_ =	shalt  }
0x52: {  	_ =	shalt  }
0x53: {  	_ =	shalt  }
0x54: {  	_ =	shalt  }
0x55: {  	_ =	shalt  }
0x56: {  	_ =	shalt  }
0x57: {  	_ =	shalt  }
0x58: {  	_ =	shalt  }
0x59: {  	_ =	shalt  }
0x5a: {  	_ =	shalt  }
0x5b: {  	_ =	shalt  }
0x5c: {  	_ =	shalt  }
0x5d: {  	_ =	shalt  }
0x5e: {  	_ =	shalt  }
0x5f: {  	_ =	shalt  }
0x60: {  	_ =	shalt  }
0x61: {  	_ =	shalt  }
0x62: {  	_ =	shalt  }
0x63: {  	_ =	shalt  }
0x64: {  	_ =	shalt  }
0x65: {  	_ =	shalt  }
0x66: {  	_ =	shalt  }
0x67: {  	_ =	shalt  }
0x68: {  	_ =	shalt  }
0x69: {  	_ =	shalt  }
0x6a: {  	_ =	shalt  }
0x6b: {  	_ =	shalt  }
0x6c: {  	_ =	shalt  }
0x6d: {  	_ =	shalt  }
0x6e: {  	_ =	shalt  }
0x6f: {  	_ =	shalt  }
0x70: {  	_ =	shalt  }
0x71: {  	_ =	shalt  }
0x72: {  	_ =	shalt  }
0x73: {  	_ =	shalt  }
0x74: {  	_ =	shalt  }
0x75: {  	_ =	shalt  }
0x76: {  	_ =	shalt  }
0x77: {  	_ =	shalt  }
0x78: {  	_ =	shalt  }
0x79: {  	_ =	shalt  }
0x7a: {  	_ =	shalt  }
0x7b: {  	_ =	shalt  }
0x7c: {  	_ =	shalt  }
0x7d: {  	_ =	shalt  }
0x7e: {  	_ =	shalt  }
0x7f: {  	_ =	shalt  }
0x80: {  	_ =	shalt  }
0x81: {  	_ =	shalt  }
0x82: {  	_ =	shalt  }
0x83: {  	_ =	shalt  }
0x84: {  	_ =	shalt  }
0x85: {  	_ =	shalt  }
0x86: {  	_ =	shalt  }
0x87: {  	_ =	shalt  }
.Lfunc_end0:
.L_simem_size_0:
called_computation.2_lowered:
.L_overlay_start_0:
0x88: {  	s2 =	sld [smem:$0x3FD9]  }
0x89: {  	s3 =	sld [smem:$0x3FFE];
	_ =	sdelay $0x1  }
0x8a: {  	s1 =	srdreg.scid  }
0x8b: {  	s0 =	sand.u32 $0x1, s1  }
0x8c: {  	s17 =	sshll.u32 s0, $0xA;
	s2 =	sadd.s32 s3, s2  }
0x8d: {  	s2 =	sadd.s32 s2, s17  }
0x8e: {  	[smem:$0x3FC2] =	sst s2  }
0x8f: {  	_ = 	snop  }
0x90: {  	s2 =	sld [smem:$0x3FD0];
	(tm) =	ssettm $0x1  }
0x91: {  	s18 =	sld [smem:$0x3FFB];
	_ =	sdelay $0x3  }
0x92: {  	_ =	strace s18  }
0x93: {  	s3 =	sld [smem:$0x3FFC];
	_ =	sdelay $0x3  }
0x94: {  	_ =	strace s3  }
0x95: {  	s3 =	sld [smem:$0x3FFD];
	_ =	sdelay $0x3  }
0x96: {  	_ =	strace s3  }
0x97: {  	_ =	strace $0x8FFFFFFF  }
0x98: {  	s19 =	sld [smem:$0x3FDB];
	_ =	sdelay $0x1  }
0x99: {  	s4 =	simm.s32 $_scs_section_size  }
0x9a: {  	s5 =	simm.s32 $_size__tile_overlayer_lowered;
	s6 =	simm.s32 $_tile_overlayer_lowered  }
0x9b: {  	s22 =	simm.s32 $0x1BFF;
	s21 =	sshll.u32 s6, $0x1;
	s3 =	sadd.s32 s4, s19  }
0x9c: {  	s7 =	simm.s32 $0x0;
	s20 =	sshll.u32 s5, $0x1;
	s5 =	sadd.s32 s21, s3  }
0x9d: {  	[timem:s7], [sflag:s22] =	dma.local [hbm:s5], s20  }
0x9e: {  	_ =	swait.ge [sflag:s22], s20  }
0x9f: {  	s4 =	ssub.s32 $0x0, s20;
	[sflag:s22] =	ssyncset.done $0x0  }
0xa0: {  	[sflag:s22] =	ssyncadd.s32 s4;
	_ =	sdelay $0x1  }
0xa1: {  	s23 =	simm.s32 $0x1B8B  }
0xa2: {  	_ =	swait.ge [sflag:s23], $0x1  }
0xa3: {  	[sflag:s23] =	ssyncset.done $0x0  }
0xa4: {  	s25 =	simm.s32 $0x1B8E;
	s24 =	sld [smem:$0x3FFE];
	[sflag:s23] =	ssyncadd.s32 $0xFFFFFFFF  }
0xa5: {  	s26 =	simm.s32 $execute0_lowered;
	[smem:$0x3FD2] =	sst s25  }
0xa6: {  	s5 =	sshll.u32 s26, $0x1;
	_ =	strace $0x8000004C;
	[dreg:$0x1] =	wrdreg $0xFFFFFFFF  }
0xa7: {  	s28 =	simm.s32 $_size_execute0_lowered;
	s3 =	sadd.s32 s3, s5;
	[dreg:$0x0] =	wrdreg $0x0  }
0xa8: {  	s5 =	sshll.u32 s28, $0x1;
	[dreg:$0x2] =	wrdreg s3  }
0xa9: {  	[dreg:$0x3] =	wrdreg s5  }
0xaa: {  	[dreg:$0x4] =	wrdreg $0xC0  }
0xab: {  	_ =	task [dreg:s7], $0x5FFFF  }
0xac: {  	[dreg:$0x1] =	wrdreg $0xFFFFFFFF  }
0xad: {  	[dreg:$0x0] =	wrdreg $0x60  }
0xae: {  	[dreg:$0x2] =	wrdreg s24  }
0xaf: {  	[dreg:$0x3] =	wrdreg s2  }
0xb0: {  	[dreg:$0x4] =	wrdreg $0x0  }
0xb1: {  	[dreg:$0x5] =	wrdreg $0x13C000  }
0xb2: {  	[dreg:$0x6] =	wrdreg $0x9  }
0xb3: {  	_ =	task.clear_ibuf [dreg:s7], $0x7FFFF;
	_ =	strace $0x9000004C  }
0xb4: {  	s29 =	simm.s32 $0x9;
	_ =	strace $0x8000004E  }
0xb5: {  	_ =	swait.ge [sflag:s29], $0x1  }
0xb6: {  	[sflag:s29] =	ssyncadd.s32 $0xFFFFFFFF  }
0xb7: {  	_ =	strace $0x9000004E  }
0xb8: {  	_ =	sfence  }
0xb9: {  	s30 =	sld [smem:$0x0];
	_ =	sdelay $0x2  }
0xba: {  	s31 =	sshll.u32 s1, $0xD;
	s1 =	sshrl.u32 s1, $0x2  }
0xbb: {  	s3 =	sand.u32 $0x4000, s31;
	s1 =	sadd.s32 s1, s30  }
0xbc: {  	s0 =	sor.u32 s3, s0;
	s1 =	sshll.u32 s1, $0x11  }
0xbd: {  	s0 =	sor.u32 s1, s0  }
0xbe: {  	s0 =	sadd.s32 $0x8F2B, s0  }
0xbf: {  	[sflag:s0] =	ssyncadd.remote.s32 $0x1  }
0xc0: {  	_ =	sfence.sel $0xFFFF  }
0xc1: {  	[dreg:$0x0] =	wrdreg $0xFFFFFFFF;
	(pc) =	sbr.abs _section_cstart, $3  }
0xc2: {  	[dreg:$0x1] =	wrdreg $0xFFFFFFFF  }
0xc3: {  	_ =	task.clear_ibuf [dreg:s7], $0x2FFFF;
	_ =	strace $0x9FFFFFFF  }
0xc4: {  	(tm) =	ssettm $0x7FFFFFFF  }
0xc5: {  	_ =	shalt  }
tec
execute0_lowered:
.L_overlay_start_1:
0x0: {  	(tag) =	ssettag $0x1  }
0x1: {  	s0 =	rddreg [dreg:$0x0]  }
0x2: {  	s3 =	rddreg [dreg:$0x2]  }
0x3: {  	s4 =	rddreg [dreg:$0x3]  }
0x4: {  	s1 =	srdreg.scid;
	s13 =	stileid.u32  }
0x5: {  	s5 =	simm.s32 $0x0;
	s14 =	simm.s32 $0x3;
	s16 =	simm.s32 $0x1DA00  }
0x6: {  	s17 =	simm.s32 $0x1DE00;
	s18 =	simm.s32 $0x18;
	s19 =	simm.s32 $0x1E200  }
0x7: {  	s20 =	simm.s32 $0x1;
	s22 =	simm.s32 $0x1EE00;
	s23 =	simm.s32 $0x2  }
0x8: {  	s28 =	simm.s32 $0x1DB80;
	s29 =	simm.s32 $0x1DF00;
	s30 =	simm.s32 $0x1DC00  }
0x9: {  	s31 =	simm.s32 $0x1DF80;
	s21 =	simm.s32 $0x1E180;
	s2 =	smul.u32 $0x13C00, s13  }
0xa: {  	s12 =	simm.s32 $0x0;
	s1 =	sand.u32 $0x1, s1;
	s10 =	smul.u32 $0x1A80, s13  }
0xb: {  	[smem:$0x7FF] =	sst s5;
	s8 =	sadd.s32 $0xD6800, s0;
	s26 =	smul.u32 $0x2780, s13  }
0xc: {  	s25 =	sshll.u32 s13, $0x6;
	p0 =	sgt.u32 s13, $0x7;
	s6 =	smul.u32 $0x13C000, s1  }
0xd: {  	_ =	strace $0x8000004D;
	s7 =	smul.u32 $0x1A800, s1;
	s1 =	ssub.s32 $0x2, s1  }
0xe: {  	s15 =	sor.u32 $0x1C03, s25;
	s25 =	simm.s32 $0x1DB00;
	[dreg:$0xf] =	wrdreg s12  }
0xf: {  	s9 =	sshrl.u32 s1, $0x1;
	s24 =	sadd.s32 s2, s3;
	s11 =	sshrl.u32 s2, $0x3  }
0x10: {  	[dreg:$0x8] =	wrdreg s15;
	s6 =	sadd.s32 s2, s6;
	s7 =	sadd.s32 s7, s0  }
0x11: {  	s1 =	ssub.s32 s1, s9;
	s2 =	sadd.s32 s2, s4;
	s11 =	sadd.s32 s8, s11  }
0x12: {  	s8 =	sadd.s32 s8, s26;
	s13 =	sshrl.u32 s24, $0x3;
	s24 =	simm.s32 $0x1DA80  }
0x13: {  	s26 =	simm.s32 $0x1DE80;
	s6 =	sshrl.u32 s6, $0x3;
	[dreg:$0x9] =	wrdreg s8  }
0x14: {  	s7 =	sadd.s32 s10, s7;
	s9 =	sadd.s32 $0x13C00, s11;
	[dreg:$0xd] =	wrdreg s13  }
0x15: {  	s1 =	smax.u32 s1, $0x1;
	s8 =	simm.s32 $0x1DD80;
	[dreg:$0xa] =	wrdreg s9  }
0x16: {  	s0 =	sadd.s32 s6, s0;
	s10 =	sadd.s32 $0x37800, s7;
	[dreg:$0xc] =	wrdreg s1  }
0x17: {  	s11 =	sadd.s32 $0x2800, s7;
	s1 =	simm.s32 $0x1DD00;
	[dreg:$0x5] =	wrdreg s10  }
0x18: {  	s9 =	simm.s32 $0x1E100;
	s0 =	sadd.s32 $0xFE000, s0;
	[dreg:$0x6] =	wrdreg s11  }
0x19: {  	s10 =	sadd.s32 $0x6C800, s7;
	s11 =	sadd.s32 $0xA1800, s7;
	[dreg:$0xb] =	wrdreg s0  }
0x1a: {  	s7 =	simm.s32 $0x1E080;
	s0 =	sshrl.u32 @!p0 s2, $0x3;
	[dreg:$0x7] =	wrdreg s11  }
0x1b: {  	s2 =	simm.s32 $0x1E000;
	[dreg:$0xe] =	wrdreg s0;
	s0 =	simm.s32 $0x1DC80  }
.LBB2_1:
0x1c: {  	s6 =	rddreg [dreg:$0x1]  }
0x1d: {  	[spmem:s13], [sflag:s15] =	dma.local [hbm:s6], $0x2780  }
0x1e: {  	_ =	swait.ge [sflag:s14], $0x2780  }
0x1f: {  	[sflag:s14] =	ssyncset.done $0x0;
	s6 =	rddreg [dreg:$0x9]  }
0x20: {  	s11 =	rddreg [dreg:$0xe];
	[sflag:s14] =	ssyncadd.s32 $0xFFFFD880  }
0x21: {  	[spmem:s11], [sflag:s15] =	dma.local @!p0 [hbm:s6], $0x2780  }
0x22: {  	s6 =	simm.s32 @!p0 $0x3  }
0x23: {  	_ =	swait.ge @!p0 [sflag:s6], $0x2780  }
0x24: {  	[sflag:s6] =	ssyncset.done @!p0 $0x0  }
0x25: {  	[sflag:s6] =	ssyncadd.s32 @!p0 $0xFFFFD880  }
0x26: {  	s13 =	sadd.s32 $0x0, s10;
	[bflag:$0x0] =	sbarrier.arrive $0xFFFF  }
0x27: {  	[tilespmem:s16], [sflag:$0x3] =	stream.linear.gather [hbm4b:s13+s5], $0x400, $0x38;
	[tilespmem:$0x1FA00] =	vst v63  }
0x28: {  	_ =	swait.ge [sflag:s14], $0x400  }
0x29: {  	s15 =	rddreg [dreg:$0x5];
	[sflag:s14] =	ssyncset.done $0x0  }
0x2a: {  	[sflag:s14] =	ssyncadd.s32 $0xFFFFFC00;
	s6 =	sadd.s32 $0x0, s15  }
0x2b: {  	[tilespmem:s17], [sflag:$0x3] =	stream.linear.gather [hbm4b:s6+s5], $0x400, $0x38;
	[tilespmem:$0x1FA00] =	vst v63  }
0x2c: {  	_ =	swait.ge [sflag:s14], $0x400  }
0x2d: {  	[sflag:s14] =	ssyncset.done $0x0  }
0x2e: {  	[sflag:s14] =	ssyncadd.s32 $0xFFFFFC00  }
0x2f: {  	[tilespmem:s19], [sflag:$0x1] =	stream.indirect.gather [spmem:s4], $0x80, s16, s18, $0xb8;
	[tilespmem:$0x1FA00] =	vst v63  }
0x30: {  	_ =	swait.ge [sflag:s20], $0xC00  }
0x31: {  	[sflag:s20] =	ssyncset.done $0x0  }
0x32: {  	[sflag:s20] =	ssyncadd.s32 $0xFFFFF400  }
0x33: {  	[tilespmem:s22], [sflag:$0x2] =	stream.indirect.gather [spmem:s4], $0x80, s24, s18, $0xb8;
	[tilespmem:$0x1FA00] =	vst v63  }
0x34: {  	_ = 	snop  }
0x35: {  	[spmem:s3] =	stream.indirect.scatter.add.f32 [tilespmem:s19], [sflag:$0x3], $0x80, s17, s18, $0xb8;
	[tilespmem:$0x1FA00] =	vst v63  }
0x36: {  	_ =	swait.ge [sflag:s14], $0xC00  }
0x37: {  	[sflag:s14] =	ssyncset.done $0x0  }
0x38: {  	[sflag:s14] =	ssyncadd.s32 $0xFFFFF400  }
0x39: {  	_ =	swait.ge [sflag:s23], $0xC00  }
0x3a: {  	[sflag:s23] =	ssyncset.done $0x0  }
0x3b: {  	[sflag:s23] =	ssyncadd.s32 $0xFFFFF400  }
0x3c: {  	[tilespmem:s19], [sflag:$0x1] =	stream.indirect.gather [spmem:s4], $0x80, s25, s18, $0xb8;
	[tilespmem:$0x1FA00] =	vst v63  }
0x3d: {  	_ = 	snop  }
0x3e: {  	[spmem:s3] =	stream.indirect.scatter.add.f32 [tilespmem:s22], [sflag:$0x3], $0x80, s26, s18, $0xb8;
	[tilespmem:$0x1FA00] =	vst v63  }
0x3f: {  	_ =	swait.ge [sflag:s14], $0xC00  }
0x40: {  	[sflag:s14] =	ssyncset.done $0x0  }
0x41: {  	[sflag:s14] =	ssyncadd.s32 $0xFFFFF400  }
0x42: {  	_ =	swait.ge [sflag:s20], $0xC00  }
0x43: {  	[sflag:s20] =	ssyncset.done $0x0  }
0x44: {  	[sflag:s20] =	ssyncadd.s32 $0xFFFFF400  }
0x45: {  	[tilespmem:s22], [sflag:$0x2] =	stream.indirect.gather [spmem:s4], $0x80, s28, s18, $0xb8;
	[tilespmem:$0x1FA00] =	vst v63  }
0x46: {  	_ = 	snop  }
0x47: {  	[spmem:s3] =	stream.indirect.scatter.add.f32 [tilespmem:s19], [sflag:$0x3], $0x80, s29, s18, $0xb8;
	[tilespmem:$0x1FA00] =	vst v63  }
0x48: {  	_ =	swait.ge [sflag:s14], $0xC00  }
0x49: {  	[sflag:s14] =	ssyncset.done $0x0  }
0x4a: {  	[sflag:s14] =	ssyncadd.s32 $0xFFFFF400  }
0x4b: {  	_ =	swait.ge [sflag:s23], $0xC00  }
0x4c: {  	[sflag:s23] =	ssyncset.done $0x0  }
0x4d: {  	[sflag:s23] =	ssyncadd.s32 $0xFFFFF400  }
0x4e: {  	[tilespmem:s19], [sflag:$0x1] =	stream.indirect.gather [spmem:s4], $0x80, s30, s18, $0xb8;
	[tilespmem:$0x1FA00] =	vst v63  }
0x4f: {  	_ = 	snop  }
0x50: {  	[spmem:s3] =	stream.indirect.scatter.add.f32 [tilespmem:s22], [sflag:$0x3], $0x80, s31, s18, $0xb8;
	[tilespmem:$0x1FA00] =	vst v63  }
0x51: {  	_ =	swait.ge [sflag:s14], $0xC00  }
0x52: {  	[sflag:s14] =	ssyncset.done $0x0  }
0x53: {  	[sflag:s14] =	ssyncadd.s32 $0xFFFFF400  }
0x54: {  	_ =	swait.ge [sflag:s20], $0xC00  }
0x55: {  	[sflag:s20] =	ssyncset.done $0x0  }
0x56: {  	[sflag:s20] =	ssyncadd.s32 $0xFFFFF400  }
0x57: {  	[tilespmem:s22], [sflag:$0x2] =	stream.indirect.gather [spmem:s4], $0x80, s0, s18, $0xb8;
	[tilespmem:$0x1FA00] =	vst v63  }
0x58: {  	_ = 	snop  }
0x59: {  	[spmem:s3] =	stream.indirect.scatter.add.f32 [tilespmem:s19], [sflag:$0x3], $0x80, s2, s18, $0xb8;
	[tilespmem:$0x1FA00] =	vst v63  }
0x5a: {  	_ =	swait.ge [sflag:s14], $0xC00  }
0x5b: {  	[sflag:s14] =	ssyncset.done $0x0  }
0x5c: {  	[sflag:s14] =	ssyncadd.s32 $0xFFFFF400  }
0x5d: {  	_ =	swait.ge [sflag:s23], $0xC00  }
0x5e: {  	[sflag:s23] =	ssyncset.done $0x0  }
0x5f: {  	[sflag:s23] =	ssyncadd.s32 $0xFFFFF400  }
0x60: {  	[tilespmem:s19], [sflag:$0x1] =	stream.indirect.gather [spmem:s4], $0x80, s1, s18, $0xb8;
	[tilespmem:$0x1FA00] =	vst v63  }
0x61: {  	_ = 	snop  }
0x62: {  	[spmem:s3] =	stream.indirect.scatter.add.f32 [tilespmem:s22], [sflag:$0x3], $0x80, s7, s18, $0xb8;
	[tilespmem:$0x1FA00] =	vst v63  }
0x63: {  	_ =	swait.ge [sflag:s14], $0xC00  }
0x64: {  	[sflag:s14] =	ssyncset.done $0x0  }
0x65: {  	[sflag:s14] =	ssyncadd.s32 $0xFFFFF400  }
0x66: {  	_ =	swait.ge [sflag:s20], $0xC00  }
0x67: {  	[sflag:s20] =	ssyncset.done $0x0  }
0x68: {  	[sflag:s20] =	ssyncadd.s32 $0xFFFFF400  }
0x69: {  	[tilespmem:s22], [sflag:$0x2] =	stream.indirect.gather [spmem:s4], $0x80, s8, s18, $0xb8;
	[tilespmem:$0x1FA00] =	vst v63  }
0x6a: {  	_ = 	snop  }
0x6b: {  	[spmem:s3] =	stream.indirect.scatter.add.f32 [tilespmem:s19], [sflag:$0x3], $0x80, s9, s18, $0xb8;
	[tilespmem:$0x1FA00] =	vst v63  }
0x6c: {  	_ =	swait.ge [sflag:s14], $0xC00  }
0x6d: {  	[sflag:s14] =	ssyncset.done $0x0  }
0x6e: {  	[sflag:s14] =	ssyncadd.s32 $0xFFFFF400  }
0x6f: {  	_ =	swait.ge [sflag:s23], $0xC00  }
0x70: {  	[sflag:s23] =	ssyncset.done $0x0  }
0x71: {  	[sflag:s23] =	ssyncadd.s32 $0xFFFFF400  }
0x72: {  	[spmem:s3] =	stream.indirect.scatter.add.f32 [tilespmem:s22], [sflag:$0x3], $0x80, s21, s18, $0xb8;
	[tilespmem:$0x1FA00] =	vst v63  }
0x73: {  	_ =	swait.ge [sflag:s14], $0xC00  }
0x74: {  	s13 =	simm.s32 $0x80;
	s15 =	simm.s32 $0x100;
	[sflag:s14] =	ssyncset.done $0x0  }
.LBB2_2:
0x75: {  	s12 =	smov.u32 s10;
	s10 =	sadd.s32 s13, s10;
	[sflag:s14] =	ssyncadd.s32 $0xFFFFF400  }
0x76: {  	[tilespmem:s16], [sflag:$0x3] =	stream.linear.gather [hbm4b:s10+s5], $0x400, $0x38;
	[tilespmem:$0x1FA00] =	vst v63  }
0x77: {  	s11 =	smov.u32 s15;
	s6 =	sadd.s32 $0x80, s15;
	_ =	swait.ge [sflag:s14], $0x400  }
0x78: {  	p1 =	sne.s32 s15, $0x1A00;
	s15 =	rddreg [dreg:$0x5];
	[sflag:s14] =	ssyncset.done $0x0  }
0x79: {  	[sflag:s14] =	ssyncadd.s32 $0xFFFFFC00;
	s10 =	sadd.s32 s13, s15  }
0x7a: {  	[tilespmem:s17], [sflag:$0x3] =	stream.linear.gather [hbm4b:s10+s5], $0x400, $0x38;
	[tilespmem:$0x1FA00] =	vst v63  }
0x7b: {  	_ =	swait.ge [sflag:s14], $0x400  }
0x7c: {  	[sflag:s14] =	ssyncset.done $0x0  }
0x7d: {  	[sflag:s14] =	ssyncadd.s32 $0xFFFFFC00  }
0x7e: {  	[tilespmem:s19], [sflag:$0x1] =	stream.indirect.gather [spmem:s4], $0x80, s16, s18, $0xb8;
	[tilespmem:$0x1FA00] =	vst v63  }
0x7f: {  	_ =	swait.ge [sflag:s20], $0xC00  }
0x80: {  	[sflag:s20] =	ssyncset.done $0x0  }
0x81: {  	[sflag:s20] =	ssyncadd.s32 $0xFFFFF400  }
0x82: {  	[tilespmem:s22], [sflag:$0x2] =	stream.indirect.gather [spmem:s4], $0x80, s24, s18, $0xb8;
	[tilespmem:$0x1FA00] =	vst v63  }
0x83: {  	_ = 	snop  }
0x84: {  	[spmem:s3] =	stream.indirect.scatter.add.f32 [tilespmem:s19], [sflag:$0x3], $0x80, s17, s18, $0xb8;
	[tilespmem:$0x1FA00] =	vst v63  }
0x85: {  	_ =	swait.ge [sflag:s14], $0xC00  }
0x86: {  	[sflag:s14] =	ssyncset.done $0x0  }
0x87: {  	[sflag:s14] =	ssyncadd.s32 $0xFFFFF400  }
0x88: {  	_ =	swait.ge [sflag:s23], $0xC00  }
0x89: {  	[sflag:s23] =	ssyncset.done $0x0  }
0x8a: {  	[sflag:s23] =	ssyncadd.s32 $0xFFFFF400  }
0x8b: {  	[tilespmem:s19], [sflag:$0x1] =	stream.indirect.gather [spmem:s4], $0x80, s25, s18, $0xb8;
	[tilespmem:$0x1FA00] =	vst v63  }
0x8c: {  	_ = 	snop  }
0x8d: {  	[spmem:s3] =	stream.indirect.scatter.add.f32 [tilespmem:s22], [sflag:$0x3], $0x80, s26, s18, $0xb8;
	[tilespmem:$0x1FA00] =	vst v63  }
0x8e: {  	_ =	swait.ge [sflag:s14], $0xC00  }
0x8f: {  	[sflag:s14] =	ssyncset.done $0x0  }
0x90: {  	[sflag:s14] =	ssyncadd.s32 $0xFFFFF400  }
0x91: {  	_ =	swait.ge [sflag:s20], $0xC00  }
0x92: {  	[sflag:s20] =	ssyncset.done $0x0  }
0x93: {  	[sflag:s20] =	ssyncadd.s32 $0xFFFFF400  }
0x94: {  	[tilespmem:s22], [sflag:$0x2] =	stream.indirect.gather [spmem:s4], $0x80, s28, s18, $0xb8;
	[tilespmem:$0x1FA00] =	vst v63  }
0x95: {  	_ = 	snop  }
0x96: {  	[spmem:s3] =	stream.indirect.scatter.add.f32 [tilespmem:s19], [sflag:$0x3], $0x80, s29, s18, $0xb8;
	[tilespmem:$0x1FA00] =	vst v63  }
0x97: {  	_ =	swait.ge [sflag:s14], $0xC00  }
0x98: {  	[sflag:s14] =	ssyncset.done $0x0  }
0x99: {  	[sflag:s14] =	ssyncadd.s32 $0xFFFFF400  }
0x9a: {  	_ =	swait.ge [sflag:s23], $0xC00  }
0x9b: {  	[sflag:s23] =	ssyncset.done $0x0  }
0x9c: {  	[sflag:s23] =	ssyncadd.s32 $0xFFFFF400  }
0x9d: {  	[tilespmem:s19], [sflag:$0x1] =	stream.indirect.gather [spmem:s4], $0x80, s30, s18, $0xb8;
	[tilespmem:$0x1FA00] =	vst v63  }
0x9e: {  	_ = 	snop  }
0x9f: {  	[spmem:s3] =	stream.indirect.scatter.add.f32 [tilespmem:s22], [sflag:$0x3], $0x80, s31, s18, $0xb8;
	[tilespmem:$0x1FA00] =	vst v63  }
0xa0: {  	_ =	swait.ge [sflag:s14], $0xC00  }
0xa1: {  	[sflag:s14] =	ssyncset.done $0x0  }
0xa2: {  	[sflag:s14] =	ssyncadd.s32 $0xFFFFF400  }
0xa3: {  	_ =	swait.ge [sflag:s20], $0xC00  }
0xa4: {  	[sflag:s20] =	ssyncset.done $0x0  }
0xa5: {  	[sflag:s20] =	ssyncadd.s32 $0xFFFFF400  }
0xa6: {  	[tilespmem:s22], [sflag:$0x2] =	stream.indirect.gather [spmem:s4], $0x80, s0, s18, $0xb8;
	[tilespmem:$0x1FA00] =	vst v63  }
0xa7: {  	_ = 	snop  }
0xa8: {  	[spmem:s3] =	stream.indirect.scatter.add.f32 [tilespmem:s19], [sflag:$0x3], $0x80, s2, s18, $0xb8;
	[tilespmem:$0x1FA00] =	vst v63  }
0xa9: {  	_ =	swait.ge [sflag:s14], $0xC00  }
0xaa: {  	[sflag:s14] =	ssyncset.done $0x0  }
0xab: {  	[sflag:s14] =	ssyncadd.s32 $0xFFFFF400  }
0xac: {  	_ =	swait.ge [sflag:s23], $0xC00  }
0xad: {  	[sflag:s23] =	ssyncset.done $0x0  }
0xae: {  	[sflag:s23] =	ssyncadd.s32 $0xFFFFF400  }
0xaf: {  	[tilespmem:s19], [sflag:$0x1] =	stream.indirect.gather [spmem:s4], $0x80, s1, s18, $0xb8;
	[tilespmem:$0x1FA00] =	vst v63  }
0xb0: {  	_ = 	snop  }
0xb1: {  	[spmem:s3] =	stream.indirect.scatter.add.f32 [tilespmem:s22], [sflag:$0x3], $0x80, s7, s18, $0xb8;
	[tilespmem:$0x1FA00] =	vst v63  }
0xb2: {  	_ =	swait.ge [sflag:s14], $0xC00  }
0xb3: {  	[sflag:s14] =	ssyncset.done $0x0  }
0xb4: {  	[sflag:s14] =	ssyncadd.s32 $0xFFFFF400  }
0xb5: {  	_ =	swait.ge [sflag:s20], $0xC00  }
0xb6: {  	[sflag:s20] =	ssyncset.done $0x0  }
0xb7: {  	[sflag:s20] =	ssyncadd.s32 $0xFFFFF400  }
0xb8: {  	[tilespmem:s22], [sflag:$0x2] =	stream.indirect.gather [spmem:s4], $0x80, s8, s18, $0xb8;
	[tilespmem:$0x1FA00] =	vst v63  }
0xb9: {  	_ = 	snop  }
0xba: {  	[spmem:s3] =	stream.indirect.scatter.add.f32 [tilespmem:s19], [sflag:$0x3], $0x80, s9, s18, $0xb8;
	[tilespmem:$0x1FA00] =	vst v63  }
0xbb: {  	_ =	swait.ge [sflag:s14], $0xC00  }
0xbc: {  	[sflag:s14] =	ssyncset.done $0x0  }
0xbd: {  	[sflag:s14] =	ssyncadd.s32 $0xFFFFF400  }
0xbe: {  	_ =	swait.ge [sflag:s23], $0xC00  }
.Ltmp0:
0xbf: {  	[sflag:s23] =	ssyncset.done $0x0;
	(pc) =	sbr.rel @p1 .LBB2_2-.Ltmp0, $4  }
0xc0: {  	[sflag:s23] =	ssyncadd.s32 $0xFFFFF400  }
0xc1: {  	[spmem:s3] =	stream.indirect.scatter.add.f32 [tilespmem:s22], [sflag:$0x3], $0x80, s21, s18, $0xb8;
	[tilespmem:$0x1FA00] =	vst v63  }
0xc2: {  	s13 =	smov.u32 s11;
	_ =	swait.ge [sflag:s14], $0xC00  }
0xc3: {  	s15 =	smov.u32 s6;
	s10 =	smov.u32 s12;
	[sflag:s14] =	ssyncset.done $0x0  }
0xc4: {  	s6 =	sadd.s32 s13, s10;
	[sflag:s14] =	ssyncadd.s32 $0xFFFFF400  }
0xc5: {  	[tilespmem:s16], [sflag:$0x3] =	stream.linear.gather [hbm4b:s6+s5], $0x400, $0x38;
	[tilespmem:$0x1FA00] =	vst v63  }
0xc6: {  	_ =	swait.ge [sflag:s14], $0x400  }
0xc7: {  	s24 =	rddreg [dreg:$0x5];
	[sflag:s14] =	ssyncset.done $0x0  }
0xc8: {  	[sflag:s14] =	ssyncadd.s32 $0xFFFFFC00;
	s6 =	sadd.s32 s13, s24  }
0xc9: {  	[tilespmem:s17], [sflag:$0x3] =	stream.linear.gather [hbm4b:s6+s5], $0x400, $0x38;
	[tilespmem:$0x1FA00] =	vst v63  }
0xca: {  	_ =	swait.ge [sflag:s14], $0x400  }
0xcb: {  	[sflag:s14] =	ssyncset.done $0x0  }
0xcc: {  	[sflag:s14] =	ssyncadd.s32 $0xFFFFFC00  }
0xcd: {  	[tilespmem:s19], [sflag:$0x1] =	stream.indirect.gather [spmem:s4], $0x80, s16, s18, $0xb8;
	[tilespmem:$0x1FA00] =	vst v63  }
0xce: {  	_ =	swait.ge [sflag:s20], $0xC00  }
0xcf: {  	[sflag:s20] =	ssyncset.done $0x0  }
0xd0: {  	s13 =	simm.s32 $0x1DA80;
	[sflag:s20] =	ssyncadd.s32 $0xFFFFF400  }
0xd1: {  	[tilespmem:s22], [sflag:$0x2] =	stream.indirect.gather [spmem:s4], $0x80, s13, s18, $0xb8;
	[tilespmem:$0x1FA00] =	vst v63  }
0xd2: {  	_ = 	snop  }
0xd3: {  	[spmem:s3] =	stream.indirect.scatter.add.f32 [tilespmem:s19], [sflag:$0x3], $0x80, s17, s18, $0xb8;
	[tilespmem:$0x1FA00] =	vst v63  }
0xd4: {  	_ =	swait.ge [sflag:s14], $0xC00  }
0xd5: {  	[sflag:s14] =	ssyncset.done $0x0  }
0xd6: {  	[sflag:s14] =	ssyncadd.s32 $0xFFFFF400  }
0xd7: {  	_ =	swait.ge [sflag:s23], $0xC00  }
0xd8: {  	[sflag:s23] =	ssyncset.done $0x0  }
0xd9: {  	s15 =	simm.s32 $0x1DB00;
	[sflag:s23] =	ssyncadd.s32 $0xFFFFF400  }
0xda: {  	[tilespmem:s19], [sflag:$0x1] =	stream.indirect.gather [spmem:s4], $0x80, s15, s18, $0xb8;
	[tilespmem:$0x1FA00] =	vst v63  }
0xdb: {  	s0 =	simm.s32 $0x1DE80  }
0xdc: {  	[spmem:s3] =	stream.indirect.scatter.add.f32 [tilespmem:s22], [sflag:$0x3], $0x80, s0, s18, $0xb8;
	[tilespmem:$0x1FA00] =	vst v63  }
0xdd: {  	_ =	swait.ge [sflag:s14], $0xC00  }
0xde: {  	[sflag:s14] =	ssyncset.done $0x0  }
0xdf: {  	[sflag:s14] =	ssyncadd.s32 $0xFFFFF400  }
0xe0: {  	_ =	swait.ge [sflag:s20], $0xC00  }
0xe1: {  	[sflag:s20] =	ssyncset.done $0x0  }
0xe2: {  	s1 =	simm.s32 $0x1DB80;
	[sflag:s20] =	ssyncadd.s32 $0xFFFFF400  }
0xe3: {  	[tilespmem:s22], [sflag:$0x2] =	stream.indirect.gather [spmem:s4], $0x80, s1, s18, $0xb8;
	[tilespmem:$0x1FA00] =	vst v63  }
0xe4: {  	s2 =	simm.s32 $0x1DF00  }
0xe5: {  	[spmem:s3] =	stream.indirect.scatter.add.f32 [tilespmem:s19], [sflag:$0x3], $0x80, s2, s18, $0xb8;
	[tilespmem:$0x1FA00] =	vst v63  }
0xe6: {  	_ =	swait.ge [sflag:s14], $0xC00  }
0xe7: {  	[sflag:s14] =	ssyncset.done $0x0  }
0xe8: {  	[sflag:s14] =	ssyncadd.s32 $0xFFFFF400  }
0xe9: {  	_ =	swait.ge [sflag:s23], $0xC00  }
0xea: {  	[sflag:s23] =	ssyncset.done $0x0  }
0xeb: {  	s7 =	simm.s32 $0x1DC00;
	[sflag:s23] =	ssyncadd.s32 $0xFFFFF400  }
0xec: {  	[tilespmem:s19], [sflag:$0x1] =	stream.indirect.gather [spmem:s4], $0x80, s7, s18, $0xb8;
	[tilespmem:$0x1FA00] =	vst v63  }
0xed: {  	s8 =	simm.s32 $0x1DF80  }
0xee: {  	[spmem:s3] =	stream.indirect.scatter.add.f32 [tilespmem:s22], [sflag:$0x3], $0x80, s8, s18, $0xb8;
	[tilespmem:$0x1FA00] =	vst v63  }
0xef: {  	_ =	swait.ge [sflag:s14], $0xC00  }
0xf0: {  	[sflag:s14] =	ssyncset.done $0x0  }
0xf1: {  	[sflag:s14] =	ssyncadd.s32 $0xFFFFF400  }
0xf2: {  	_ =	swait.ge [sflag:s20], $0xC00  }
0xf3: {  	[sflag:s20] =	ssyncset.done $0x0  }
0xf4: {  	s9 =	simm.s32 $0x1DC80;
	[sflag:s20] =	ssyncadd.s32 $0xFFFFF400  }
0xf5: {  	[tilespmem:s22], [sflag:$0x2] =	stream.indirect.gather [spmem:s4], $0x80, s9, s18, $0xb8;
	[tilespmem:$0x1FA00] =	vst v63  }
0xf6: {  	s21 =	simm.s32 $0x1E000  }
0xf7: {  	[spmem:s3] =	stream.indirect.scatter.add.f32 [tilespmem:s19], [sflag:$0x3], $0x80, s21, s18, $0xb8;
	[tilespmem:$0x1FA00] =	vst v63  }
0xf8: {  	_ =	swait.ge [sflag:s14], $0xC00  }
0xf9: {  	[sflag:s14] =	ssyncset.done $0x0  }
0xfa: {  	[sflag:s14] =	ssyncadd.s32 $0xFFFFF400  }
0xfb: {  	_ =	swait.ge [sflag:s23], $0xC00  }
0xfc: {  	[sflag:s23] =	ssyncset.done $0x0  }
0xfd: {  	s25 =	simm.s32 $0x1DD00;
	[sflag:s23] =	ssyncadd.s32 $0xFFFFF400  }
0xfe: {  	[tilespmem:s19], [sflag:$0x1] =	stream.indirect.gather [spmem:s4], $0x80, s25, s18, $0xb8;
	[tilespmem:$0x1FA00] =	vst v63  }
0xff: {  	s26 =	simm.s32 $0x1E080  }
0x100: {  	[spmem:s3] =	stream.indirect.scatter.add.f32 [tilespmem:s22], [sflag:$0x3], $0x80, s26, s18, $0xb8;
	[tilespmem:$0x1FA00] =	vst v63  }
0x101: {  	_ =	swait.ge [sflag:s14], $0xC00  }
0x102: {  	[sflag:s14] =	ssyncset.done $0x0  }
0x103: {  	[sflag:s14] =	ssyncadd.s32 $0xFFFFF400  }
0x104: {  	_ =	swait.ge [sflag:s20], $0xC00  }
0x105: {  	[sflag:s20] =	ssyncset.done $0x0  }
0x106: {  	s10 =	simm.s32 $0x1DD80;
	[sflag:s20] =	ssyncadd.s32 $0xFFFFF400  }
0x107: {  	[tilespmem:s22], [sflag:$0x2] =	stream.indirect.gather [spmem:s4], $0x80, s10, s18, $0xb8;
	[tilespmem:$0x1FA00] =	vst v63  }
0x108: {  	s11 =	simm.s32 $0x1E100  }
0x109: {  	[spmem:s3] =	stream.indirect.scatter.add.f32 [tilespmem:s19], [sflag:$0x3], $0x80, s11, s18, $0xb8;
	[tilespmem:$0x1FA00] =	vst v63  }
0x10a: {  	_ =	swait.ge [sflag:s14], $0xC00  }
0x10b: {  	[sflag:s14] =	ssyncset.done $0x0  }
0x10c: {  	[sflag:s14] =	ssyncadd.s32 $0xFFFFF400  }
0x10d: {  	_ =	swait.ge [sflag:s23], $0xC00  }
0x10e: {  	[sflag:s23] =	ssyncset.done $0x0  }
0x10f: {  	s24 =	simm.s32 $0x1E180;
	[sflag:s23] =	ssyncadd.s32 $0xFFFFF400  }
0x110: {  	[spmem:s3] =	stream.indirect.scatter.add.f32 [tilespmem:s22], [sflag:$0x3], $0x80, s24, s18, $0xb8;
	[tilespmem:$0x1FA00] =	vst v63  }
0x111: {  	_ =	swait.ge [sflag:s14], $0xC00  }
0x112: {  	[sflag:s14] =	ssyncset.done $0x0  }
0x113: {  	[sflag:s14] =	ssyncadd.s32 $0xFFFFF400  }
0x114: {  	[bflag:$0x0] =	sbarrier.arrive $0xFFFF  }
0x115: {  	s6 =	rddreg [dreg:$0x8]  }
0x116: {  	s10 =	rddreg [dreg:$0xa]  }
0x117: {  	s11 =	rddreg [dreg:$0xe]  }
0x118: {  	[spmem:s11], [sflag:s6] =	dma.local @!p0 [hbm:s10], $0x2780  }
0x119: {  	s6 =	simm.s32 @!p0 $0x3  }
0x11a: {  	_ =	swait.ge @!p0 [sflag:s6], $0x2780  }
0x11b: {  	[sflag:s6] =	ssyncset.done @!p0 $0x0  }
0x11c: {  	[sflag:s6] =	ssyncadd.s32 @!p0 $0xFFFFD880  }
0x11d: {  	[bflag:$0x0] =	sbarrier.arrive $0xFFFF  }
0x11e: {  	s11 =	rddreg [dreg:$0x7]  }
0x11f: {  	s25 =	sadd.s32 $0x0, s11  }
0x120: {  	[tilespmem:s16], [sflag:$0x3] =	stream.linear.gather [hbm4b:s25+s5], $0x400, $0x38;
	[tilespmem:$0x1FA00] =	vst v63  }
0x121: {  	_ =	swait.ge [sflag:s14], $0x400  }
0x122: {  	s26 =	rddreg [dreg:$0x6];
	[sflag:s14] =	ssyncset.done $0x0  }
0x123: {  	[sflag:s14] =	ssyncadd.s32 $0xFFFFFC00;
	s6 =	sadd.s32 $0x0, s26  }
0x124: {  	[tilespmem:s17], [sflag:$0x3] =	stream.linear.gather [hbm4b:s6+s5], $0x400, $0x38;
	[tilespmem:$0x1FA00] =	vst v63  }
0x125: {  	_ =	swait.ge [sflag:s14], $0x400  }
0x126: {  	[sflag:s14] =	ssyncset.done $0x0  }
0x127: {  	[sflag:s14] =	ssyncadd.s32 $0xFFFFFC00  }
0x128: {  	[tilespmem:s19], [sflag:$0x1] =	stream.indirect.gather [spmem:s4], $0x80, s16, s18, $0xb8;
	[tilespmem:$0x1FA00] =	vst v63  }
0x129: {  	_ =	swait.ge [sflag:s20], $0xC00  }
0x12a: {  	[sflag:s20] =	ssyncset.done $0x0  }
0x12b: {  	[sflag:s20] =	ssyncadd.s32 $0xFFFFF400  }
0x12c: {  	[tilespmem:s22], [sflag:$0x2] =	stream.indirect.gather [spmem:s4], $0x80, s13, s18, $0xb8;
	[tilespmem:$0x1FA00] =	vst v63  }
0x12d: {  	_ = 	snop  }
0x12e: {  	[spmem:s3] =	stream.indirect.scatter.add.f32 [tilespmem:s19], [sflag:$0x3], $0x80, s17, s18, $0xb8;
	[tilespmem:$0x1FA00] =	vst v63  }
0x12f: {  	_ =	swait.ge [sflag:s14], $0xC00  }
0x130: {  	[sflag:s14] =	ssyncset.done $0x0  }
0x131: {  	[sflag:s14] =	ssyncadd.s32 $0xFFFFF400  }
0x132: {  	_ =	swait.ge [sflag:s23], $0xC00  }
0x133: {  	[sflag:s23] =	ssyncset.done $0x0  }
0x134: {  	[sflag:s23] =	ssyncadd.s32 $0xFFFFF400  }
0x135: {  	[tilespmem:s19], [sflag:$0x1] =	stream.indirect.gather [spmem:s4], $0x80, s15, s18, $0xb8;
	[tilespmem:$0x1FA00] =	vst v63  }
0x136: {  	_ = 	snop  }
0x137: {  	[spmem:s3] =	stream.indirect.scatter.add.f32 [tilespmem:s22], [sflag:$0x3], $0x80, s0, s18, $0xb8;
	[tilespmem:$0x1FA00] =	vst v63  }
0x138: {  	_ =	swait.ge [sflag:s14], $0xC00  }
0x139: {  	[sflag:s14] =	ssyncset.done $0x0  }
0x13a: {  	[sflag:s14] =	ssyncadd.s32 $0xFFFFF400  }
0x13b: {  	_ =	swait.ge [sflag:s20], $0xC00  }
0x13c: {  	[sflag:s20] =	ssyncset.done $0x0  }
0x13d: {  	[sflag:s20] =	ssyncadd.s32 $0xFFFFF400  }
0x13e: {  	[tilespmem:s22], [sflag:$0x2] =	stream.indirect.gather [spmem:s4], $0x80, s1, s18, $0xb8;
	[tilespmem:$0x1FA00] =	vst v63  }
0x13f: {  	_ = 	snop  }
0x140: {  	[spmem:s3] =	stream.indirect.scatter.add.f32 [tilespmem:s19], [sflag:$0x3], $0x80, s2, s18, $0xb8;
	[tilespmem:$0x1FA00] =	vst v63  }
0x141: {  	_ =	swait.ge [sflag:s14], $0xC00  }
0x142: {  	[sflag:s14] =	ssyncset.done $0x0  }
0x143: {  	[sflag:s14] =	ssyncadd.s32 $0xFFFFF400  }
0x144: {  	_ =	swait.ge [sflag:s23], $0xC00  }
0x145: {  	[sflag:s23] =	ssyncset.done $0x0  }
0x146: {  	[sflag:s23] =	ssyncadd.s32 $0xFFFFF400  }
0x147: {  	[tilespmem:s19], [sflag:$0x1] =	stream.indirect.gather [spmem:s4], $0x80, s7, s18, $0xb8;
	[tilespmem:$0x1FA00] =	vst v63  }
0x148: {  	_ = 	snop  }
0x149: {  	[spmem:s3] =	stream.indirect.scatter.add.f32 [tilespmem:s22], [sflag:$0x3], $0x80, s8, s18, $0xb8;
	[tilespmem:$0x1FA00] =	vst v63  }
0x14a: {  	_ =	swait.ge [sflag:s14], $0xC00  }
0x14b: {  	[sflag:s14] =	ssyncset.done $0x0  }
0x14c: {  	[sflag:s14] =	ssyncadd.s32 $0xFFFFF400  }
0x14d: {  	_ =	swait.ge [sflag:s20], $0xC00  }
0x14e: {  	[sflag:s20] =	ssyncset.done $0x0  }
0x14f: {  	[sflag:s20] =	ssyncadd.s32 $0xFFFFF400  }
0x150: {  	[tilespmem:s22], [sflag:$0x2] =	stream.indirect.gather [spmem:s4], $0x80, s9, s18, $0xb8;
	[tilespmem:$0x1FA00] =	vst v63  }
0x151: {  	_ = 	snop  }
0x152: {  	[spmem:s3] =	stream.indirect.scatter.add.f32 [tilespmem:s19], [sflag:$0x3], $0x80, s21, s18, $0xb8;
	[tilespmem:$0x1FA00] =	vst v63  }
0x153: {  	_ =	swait.ge [sflag:s14], $0xC00  }
0x154: {  	[sflag:s14] =	ssyncset.done $0x0  }
0x155: {  	[sflag:s14] =	ssyncadd.s32 $0xFFFFF400  }
0x156: {  	_ =	swait.ge [sflag:s23], $0xC00  }
0x157: {  	[sflag:s23] =	ssyncset.done $0x0  }
0x158: {  	s8 =	simm.s32 $0x1DD00;
	[sflag:s23] =	ssyncadd.s32 $0xFFFFF400  }
0x159: {  	[tilespmem:s19], [sflag:$0x1] =	stream.indirect.gather [spmem:s4], $0x80, s8, s18, $0xb8;
	[tilespmem:$0x1FA00] =	vst v63  }
0x15a: {  	s9 =	simm.s32 $0x1E080  }
0x15b: {  	[spmem:s3] =	stream.indirect.scatter.add.f32 [tilespmem:s22], [sflag:$0x3], $0x80, s9, s18, $0xb8;
	[tilespmem:$0x1FA00] =	vst v63  }
0x15c: {  	_ =	swait.ge [sflag:s14], $0xC00  }
0x15d: {  	[sflag:s14] =	ssyncset.done $0x0  }
0x15e: {  	[sflag:s14] =	ssyncadd.s32 $0xFFFFF400  }
0x15f: {  	_ =	swait.ge [sflag:s20], $0xC00  }
0x160: {  	[sflag:s20] =	ssyncset.done $0x0  }
0x161: {  	s10 =	simm.s32 $0x1DD80;
	[sflag:s20] =	ssyncadd.s32 $0xFFFFF400  }
0x162: {  	[tilespmem:s22], [sflag:$0x2] =	stream.indirect.gather [spmem:s4], $0x80, s10, s18, $0xb8;
	[tilespmem:$0x1FA00] =	vst v63  }
0x163: {  	s28 =	simm.s32 $0x1DB80;
	s13 =	simm.s32 $0x1E100  }
0x164: {  	[spmem:s3] =	stream.indirect.scatter.add.f32 [tilespmem:s19], [sflag:$0x3], $0x80, s13, s18, $0xb8;
	[tilespmem:$0x1FA00] =	vst v63  }
0x165: {  	s29 =	simm.s32 $0x1DF00;
	s30 =	simm.s32 $0x1DC00;
	_ =	swait.ge [sflag:s14], $0xC00  }
0x166: {  	s31 =	simm.s32 $0x1DF80;
	s24 =	simm.s32 $0x1DA80;
	[sflag:s14] =	ssyncset.done $0x0  }
0x167: {  	s25 =	simm.s32 $0x1DB00;
	s26 =	simm.s32 $0x1DE80;
	[sflag:s14] =	ssyncadd.s32 $0xFFFFF400  }
0x168: {  	s6 =	simm.s32 $0x100;
	s15 =	simm.s32 $0x1E180;
	_ =	swait.ge [sflag:s23], $0xC00  }
0x169: {  	s0 =	simm.s32 $0x1DC80;
	s1 =	simm.s32 $0x1DD00;
	[sflag:s23] =	ssyncset.done $0x0  }
0x16a: {  	s2 =	simm.s32 $0x1E000;
	s7 =	simm.s32 $0x1E080;
	[sflag:s23] =	ssyncadd.s32 $0xFFFFF400  }
0x16b: {  	[spmem:s3] =	stream.indirect.scatter.add.f32 [tilespmem:s22], [sflag:$0x3], $0x80, s15, s18, $0xb8;
	[tilespmem:$0x1FA00] =	vst v63  }
0x16c: {  	s21 =	simm.s32 $0x1E180;
	s8 =	simm.s32 $0x1DD80;
	_ =	swait.ge [sflag:s14], $0xC00  }
0x16d: {  	s9 =	simm.s32 $0x1E100;
	s13 =	simm.s32 $0x80;
	[sflag:s14] =	ssyncset.done $0x0  }
.LBB2_4:
0x16e: {  	s10 =	sadd.s32 s13, s11;
	[sflag:s14] =	ssyncadd.s32 $0xFFFFF400  }
0x16f: {  	[tilespmem:s16], [sflag:$0x3] =	stream.linear.gather [hbm4b:s10+s5], $0x400, $0x38;
	[tilespmem:$0x1FA00] =	vst v63  }
0x170: {  	s11 =	smov.u32 s6;
	_ =	swait.ge [sflag:s14], $0x400  }
0x171: {  	s15 =	sadd.s32 $0x80, s6;
	s10 =	rddreg [dreg:$0x6];
	[sflag:s14] =	ssyncset.done $0x0  }
0x172: {  	p1 =	sne.s32 s6, $0x1A00;
	[sflag:s14] =	ssyncadd.s32 $0xFFFFFC00;
	s6 =	sadd.s32 s13, s10  }
0x173: {  	[tilespmem:s17], [sflag:$0x3] =	stream.linear.gather [hbm4b:s6+s5], $0x400, $0x38;
	[tilespmem:$0x1FA00] =	vst v63  }
0x174: {  	s13 =	smov.u32 s11;
	s11 =	rddreg [dreg:$0x7];
	_ =	swait.ge [sflag:s14], $0x400  }
0x175: {  	[sflag:s14] =	ssyncset.done $0x0  }
0x176: {  	[sflag:s14] =	ssyncadd.s32 $0xFFFFFC00  }
0x177: {  	[tilespmem:s19], [sflag:$0x1] =	stream.indirect.gather [spmem:s4], $0x80, s16, s18, $0xb8;
	[tilespmem:$0x1FA00] =	vst v63  }
0x178: {  	_ =	swait.ge [sflag:s20], $0xC00  }
0x179: {  	[sflag:s20] =	ssyncset.done $0x0  }
0x17a: {  	[sflag:s20] =	ssyncadd.s32 $0xFFFFF400  }
0x17b: {  	[tilespmem:s22], [sflag:$0x2] =	stream.indirect.gather [spmem:s4], $0x80, s24, s18, $0xb8;
	[tilespmem:$0x1FA00] =	vst v63  }
0x17c: {  	_ = 	snop  }
0x17d: {  	[spmem:s3] =	stream.indirect.scatter.add.f32 [tilespmem:s19], [sflag:$0x3], $0x80, s17, s18, $0xb8;
	[tilespmem:$0x1FA00] =	vst v63  }
0x17e: {  	_ =	swait.ge [sflag:s14], $0xC00  }
0x17f: {  	[sflag:s14] =	ssyncset.done $0x0  }
0x180: {  	[sflag:s14] =	ssyncadd.s32 $0xFFFFF400  }
0x181: {  	_ =	swait.ge [sflag:s23], $0xC00  }
0x182: {  	[sflag:s23] =	ssyncset.done $0x0  }
0x183: {  	[sflag:s23] =	ssyncadd.s32 $0xFFFFF400  }
0x184: {  	[tilespmem:s19], [sflag:$0x1] =	stream.indirect.gather [spmem:s4], $0x80, s25, s18, $0xb8;
	[tilespmem:$0x1FA00] =	vst v63  }
0x185: {  	_ = 	snop  }
0x186: {  	[spmem:s3] =	stream.indirect.scatter.add.f32 [tilespmem:s22], [sflag:$0x3], $0x80, s26, s18, $0xb8;
	[tilespmem:$0x1FA00] =	vst v63  }
0x187: {  	_ =	swait.ge [sflag:s14], $0xC00  }
0x188: {  	[sflag:s14] =	ssyncset.done $0x0  }
0x189: {  	[sflag:s14] =	ssyncadd.s32 $0xFFFFF400  }
0x18a: {  	_ =	swait.ge [sflag:s20], $0xC00  }
0x18b: {  	[sflag:s20] =	ssyncset.done $0x0  }
0x18c: {  	[sflag:s20] =	ssyncadd.s32 $0xFFFFF400  }
0x18d: {  	[tilespmem:s22], [sflag:$0x2] =	stream.indirect.gather [spmem:s4], $0x80, s28, s18, $0xb8;
	[tilespmem:$0x1FA00] =	vst v63  }
0x18e: {  	_ = 	snop  }
0x18f: {  	[spmem:s3] =	stream.indirect.scatter.add.f32 [tilespmem:s19], [sflag:$0x3], $0x80, s29, s18, $0xb8;
	[tilespmem:$0x1FA00] =	vst v63  }
0x190: {  	_ =	swait.ge [sflag:s14], $0xC00  }
0x191: {  	[sflag:s14] =	ssyncset.done $0x0  }
0x192: {  	[sflag:s14] =	ssyncadd.s32 $0xFFFFF400  }
0x193: {  	_ =	swait.ge [sflag:s23], $0xC00  }
0x194: {  	[sflag:s23] =	ssyncset.done $0x0  }
0x195: {  	[sflag:s23] =	ssyncadd.s32 $0xFFFFF400  }
0x196: {  	[tilespmem:s19], [sflag:$0x1] =	stream.indirect.gather [spmem:s4], $0x80, s30, s18, $0xb8;
	[tilespmem:$0x1FA00] =	vst v63  }
0x197: {  	_ = 	snop  }
0x198: {  	[spmem:s3] =	stream.indirect.scatter.add.f32 [tilespmem:s22], [sflag:$0x3], $0x80, s31, s18, $0xb8;
	[tilespmem:$0x1FA00] =	vst v63  }
0x199: {  	_ =	swait.ge [sflag:s14], $0xC00  }
0x19a: {  	[sflag:s14] =	ssyncset.done $0x0  }
0x19b: {  	[sflag:s14] =	ssyncadd.s32 $0xFFFFF400  }
0x19c: {  	_ =	swait.ge [sflag:s20], $0xC00  }
0x19d: {  	[sflag:s20] =	ssyncset.done $0x0  }
0x19e: {  	[sflag:s20] =	ssyncadd.s32 $0xFFFFF400  }
0x19f: {  	[tilespmem:s22], [sflag:$0x2] =	stream.indirect.gather [spmem:s4], $0x80, s0, s18, $0xb8;
	[tilespmem:$0x1FA00] =	vst v63  }
0x1a0: {  	_ = 	snop  }
0x1a1: {  	[spmem:s3] =	stream.indirect.scatter.add.f32 [tilespmem:s19], [sflag:$0x3], $0x80, s2, s18, $0xb8;
	[tilespmem:$0x1FA00] =	vst v63  }
0x1a2: {  	_ =	swait.ge [sflag:s14], $0xC00  }
0x1a3: {  	[sflag:s14] =	ssyncset.done $0x0  }
0x1a4: {  	[sflag:s14] =	ssyncadd.s32 $0xFFFFF400  }
0x1a5: {  	_ =	swait.ge [sflag:s23], $0xC00  }
0x1a6: {  	[sflag:s23] =	ssyncset.done $0x0  }
0x1a7: {  	[sflag:s23] =	ssyncadd.s32 $0xFFFFF400  }
0x1a8: {  	[tilespmem:s19], [sflag:$0x1] =	stream.indirect.gather [spmem:s4], $0x80, s1, s18, $0xb8;
	[tilespmem:$0x1FA00] =	vst v63  }
0x1a9: {  	_ = 	snop  }
0x1aa: {  	[spmem:s3] =	stream.indirect.scatter.add.f32 [tilespmem:s22], [sflag:$0x3], $0x80, s7, s18, $0xb8;
	[tilespmem:$0x1FA00] =	vst v63  }
0x1ab: {  	_ =	swait.ge [sflag:s14], $0xC00  }
0x1ac: {  	[sflag:s14] =	ssyncset.done $0x0  }
0x1ad: {  	[sflag:s14] =	ssyncadd.s32 $0xFFFFF400  }
0x1ae: {  	_ =	swait.ge [sflag:s20], $0xC00  }
0x1af: {  	[sflag:s20] =	ssyncset.done $0x0  }
0x1b0: {  	[sflag:s20] =	ssyncadd.s32 $0xFFFFF400  }
0x1b1: {  	[tilespmem:s22], [sflag:$0x2] =	stream.indirect.gather [spmem:s4], $0x80, s8, s18, $0xb8;
	[tilespmem:$0x1FA00] =	vst v63  }
0x1b2: {  	_ = 	snop  }
0x1b3: {  	[spmem:s3] =	stream.indirect.scatter.add.f32 [tilespmem:s19], [sflag:$0x3], $0x80, s9, s18, $0xb8;
	[tilespmem:$0x1FA00] =	vst v63  }
0x1b4: {  	_ =	swait.ge [sflag:s14], $0xC00  }
0x1b5: {  	[sflag:s14] =	ssyncset.done $0x0  }
0x1b6: {  	[sflag:s14] =	ssyncadd.s32 $0xFFFFF400  }
0x1b7: {  	_ =	swait.ge [sflag:s23], $0xC00  }
.Ltmp1:
0x1b8: {  	[sflag:s23] =	ssyncset.done $0x0;
	(pc) =	sbr.rel @p1 .LBB2_4-.Ltmp1, $4  }
0x1b9: {  	[sflag:s23] =	ssyncadd.s32 $0xFFFFF400  }
0x1ba: {  	[spmem:s3] =	stream.indirect.scatter.add.f32 [tilespmem:s22], [sflag:$0x3], $0x80, s21, s18, $0xb8;
	[tilespmem:$0x1FA00] =	vst v63  }
0x1bb: {  	_ =	swait.ge [sflag:s14], $0xC00  }
0x1bc: {  	s6 =	smov.u32 s15;
	[sflag:s14] =	ssyncset.done $0x0  }
0x1bd: {  	s6 =	sadd.s32 s13, s11;
	[sflag:s14] =	ssyncadd.s32 $0xFFFFF400  }
0x1be: {  	[tilespmem:s16], [sflag:$0x3] =	stream.linear.gather [hbm4b:s6+s5], $0x400, $0x38;
	[tilespmem:$0x1FA00] =	vst v63  }
0x1bf: {  	_ =	swait.ge [sflag:s14], $0x400  }
0x1c0: {  	s15 =	rddreg [dreg:$0x6];
	[sflag:s14] =	ssyncset.done $0x0  }
0x1c1: {  	s6 =	sadd.s32 s13, s15;
	[sflag:s14] =	ssyncadd.s32 $0xFFFFFC00  }
0x1c2: {  	[tilespmem:s17], [sflag:$0x3] =	stream.linear.gather [hbm4b:s6+s5], $0x400, $0x38;
	[tilespmem:$0x1FA00] =	vst v63  }
0x1c3: {  	_ =	swait.ge [sflag:s14], $0x400  }
0x1c4: {  	[sflag:s14] =	ssyncset.done $0x0  }
0x1c5: {  	[sflag:s14] =	ssyncadd.s32 $0xFFFFFC00  }
0x1c6: {  	[tilespmem:s19], [sflag:$0x1] =	stream.indirect.gather [spmem:s4], $0x80, s16, s18, $0xb8;
	[tilespmem:$0x1FA00] =	vst v63  }
0x1c7: {  	_ =	swait.ge [sflag:s20], $0xC00  }
0x1c8: {  	[sflag:s20] =	ssyncset.done $0x0  }
0x1c9: {  	[sflag:s20] =	ssyncadd.s32 $0xFFFFF400  }
0x1ca: {  	[tilespmem:s22], [sflag:$0x2] =	stream.indirect.gather [spmem:s4], $0x80, s24, s18, $0xb8;
	[tilespmem:$0x1FA00] =	vst v63  }
0x1cb: {  	_ = 	snop  }
0x1cc: {  	[spmem:s3] =	stream.indirect.scatter.add.f32 [tilespmem:s19], [sflag:$0x3], $0x80, s17, s18, $0xb8;
	[tilespmem:$0x1FA00] =	vst v63  }
0x1cd: {  	_ =	swait.ge [sflag:s14], $0xC00  }
0x1ce: {  	[sflag:s14] =	ssyncset.done $0x0  }
0x1cf: {  	[sflag:s14] =	ssyncadd.s32 $0xFFFFF400  }
0x1d0: {  	_ =	swait.ge [sflag:s23], $0xC00  }
0x1d1: {  	[sflag:s23] =	ssyncset.done $0x0  }
0x1d2: {  	[sflag:s23] =	ssyncadd.s32 $0xFFFFF400  }
0x1d3: {  	[tilespmem:s19], [sflag:$0x1] =	stream.indirect.gather [spmem:s4], $0x80, s25, s18, $0xb8;
	[tilespmem:$0x1FA00] =	vst v63  }
0x1d4: {  	_ = 	snop  }
0x1d5: {  	[spmem:s3] =	stream.indirect.scatter.add.f32 [tilespmem:s22], [sflag:$0x3], $0x80, s26, s18, $0xb8;
	[tilespmem:$0x1FA00] =	vst v63  }
0x1d6: {  	_ =	swait.ge [sflag:s14], $0xC00  }
0x1d7: {  	[sflag:s14] =	ssyncset.done $0x0  }
0x1d8: {  	[sflag:s14] =	ssyncadd.s32 $0xFFFFF400  }
0x1d9: {  	_ =	swait.ge [sflag:s20], $0xC00  }
0x1da: {  	[sflag:s20] =	ssyncset.done $0x0  }
0x1db: {  	[sflag:s20] =	ssyncadd.s32 $0xFFFFF400  }
0x1dc: {  	[tilespmem:s22], [sflag:$0x2] =	stream.indirect.gather [spmem:s4], $0x80, s28, s18, $0xb8;
	[tilespmem:$0x1FA00] =	vst v63  }
0x1dd: {  	_ = 	snop  }
0x1de: {  	[spmem:s3] =	stream.indirect.scatter.add.f32 [tilespmem:s19], [sflag:$0x3], $0x80, s29, s18, $0xb8;
	[tilespmem:$0x1FA00] =	vst v63  }
0x1df: {  	_ =	swait.ge [sflag:s14], $0xC00  }
0x1e0: {  	[sflag:s14] =	ssyncset.done $0x0  }
0x1e1: {  	[sflag:s14] =	ssyncadd.s32 $0xFFFFF400  }
0x1e2: {  	_ =	swait.ge [sflag:s23], $0xC00  }
0x1e3: {  	[sflag:s23] =	ssyncset.done $0x0  }
0x1e4: {  	[sflag:s23] =	ssyncadd.s32 $0xFFFFF400  }
0x1e5: {  	[tilespmem:s19], [sflag:$0x1] =	stream.indirect.gather [spmem:s4], $0x80, s30, s18, $0xb8;
	[tilespmem:$0x1FA00] =	vst v63  }
0x1e6: {  	_ = 	snop  }
0x1e7: {  	[spmem:s3] =	stream.indirect.scatter.add.f32 [tilespmem:s22], [sflag:$0x3], $0x80, s31, s18, $0xb8;
	[tilespmem:$0x1FA00] =	vst v63  }
0x1e8: {  	_ =	swait.ge [sflag:s14], $0xC00  }
0x1e9: {  	[sflag:s14] =	ssyncset.done $0x0  }
0x1ea: {  	[sflag:s14] =	ssyncadd.s32 $0xFFFFF400  }
0x1eb: {  	_ =	swait.ge [sflag:s20], $0xC00  }
0x1ec: {  	[sflag:s20] =	ssyncset.done $0x0  }
0x1ed: {  	[sflag:s20] =	ssyncadd.s32 $0xFFFFF400  }
0x1ee: {  	[tilespmem:s22], [sflag:$0x2] =	stream.indirect.gather [spmem:s4], $0x80, s0, s18, $0xb8;
	[tilespmem:$0x1FA00] =	vst v63  }
0x1ef: {  	_ = 	snop  }
0x1f0: {  	[spmem:s3] =	stream.indirect.scatter.add.f32 [tilespmem:s19], [sflag:$0x3], $0x80, s2, s18, $0xb8;
	[tilespmem:$0x1FA00] =	vst v63  }
0x1f1: {  	_ =	swait.ge [sflag:s14], $0xC00  }
0x1f2: {  	[sflag:s14] =	ssyncset.done $0x0  }
0x1f3: {  	[sflag:s14] =	ssyncadd.s32 $0xFFFFF400  }
0x1f4: {  	_ =	swait.ge [sflag:s23], $0xC00  }
0x1f5: {  	[sflag:s23] =	ssyncset.done $0x0  }
0x1f6: {  	[sflag:s23] =	ssyncadd.s32 $0xFFFFF400  }
0x1f7: {  	[tilespmem:s19], [sflag:$0x1] =	stream.indirect.gather [spmem:s4], $0x80, s1, s18, $0xb8;
	[tilespmem:$0x1FA00] =	vst v63  }
0x1f8: {  	_ = 	snop  }
0x1f9: {  	[spmem:s3] =	stream.indirect.scatter.add.f32 [tilespmem:s22], [sflag:$0x3], $0x80, s7, s18, $0xb8;
	[tilespmem:$0x1FA00] =	vst v63  }
0x1fa: {  	_ =	swait.ge [sflag:s14], $0xC00  }
0x1fb: {  	[sflag:s14] =	ssyncset.done $0x0  }
0x1fc: {  	[sflag:s14] =	ssyncadd.s32 $0xFFFFF400  }
0x1fd: {  	_ =	swait.ge [sflag:s20], $0xC00  }
0x1fe: {  	[sflag:s20] =	ssyncset.done $0x0  }
0x1ff: {  	[sflag:s20] =	ssyncadd.s32 $0xFFFFF400  }
0x200: {  	[tilespmem:s22], [sflag:$0x2] =	stream.indirect.gather [spmem:s4], $0x80, s8, s18, $0xb8;
	[tilespmem:$0x1FA00] =	vst v63  }
0x201: {  	_ = 	snop  }
0x202: {  	[spmem:s3] =	stream.indirect.scatter.add.f32 [tilespmem:s19], [sflag:$0x3], $0x80, s9, s18, $0xb8;
	[tilespmem:$0x1FA00] =	vst v63  }
0x203: {  	_ =	swait.ge [sflag:s14], $0xC00  }
0x204: {  	[sflag:s14] =	ssyncset.done $0x0  }
0x205: {  	[sflag:s14] =	ssyncadd.s32 $0xFFFFF400  }
0x206: {  	_ =	swait.ge [sflag:s23], $0xC00  }
0x207: {  	[sflag:s23] =	ssyncset.done $0x0  }
0x208: {  	[sflag:s23] =	ssyncadd.s32 $0xFFFFF400  }
0x209: {  	[spmem:s3] =	stream.indirect.scatter.add.f32 [tilespmem:s22], [sflag:$0x3], $0x80, s21, s18, $0xb8;
	[tilespmem:$0x1FA00] =	vst v63  }
0x20a: {  	_ =	swait.ge [sflag:s14], $0xC00  }
0x20b: {  	[sflag:s14] =	ssyncset.done $0x0  }
0x20c: {  	[sflag:s14] =	ssyncadd.s32 $0xFFFFF400  }
0x20d: {  	[bflag:$0x0] =	sbarrier.arrive $0xFFFF  }
0x20e: {  	s15 =	rddreg [dreg:$0x8]  }
0x20f: {  	s10 =	rddreg [dreg:$0xb]  }
0x210: {  	s13 =	rddreg [dreg:$0xd]  }
0x211: {  	[hbm:s10], [sflag:s15] =	dma.local [spmem:s13], $0x2780  }
0x212: {  	_ =	swait.ge [sflag:s14], $0x2780  }
0x213: {  	s10 =	rddreg [dreg:$0xf]  }
0x214: {  	s11 =	rddreg [dreg:$0xc];
	s10 =	sadd.s32 $0x1, s10  }
0x215: {  	p1 =	sne.s32 s10, s11  }
.Ltmp2:
0x216: {  	_ = 	snop;
	(pc) =	sbr.rel @p1 .LBB2_1-.Ltmp2, $3  }
0x217: {  	_ =	sdelay $0x1  }
0x218: {  	[sflag:s14] =	ssyncset.done $0x0  }
0x219: {  	[sflag:s14] =	ssyncadd.s32 $0xFFFFD880;
	[dreg:$0xf] =	wrdreg s10;
	s10 =	smov.u32 s12  }
0x21a: {  	_ =	sfence.sel $0x180000  }
0x21b: {  	[bflag:$0x0] =	sbarrier.arrive $0xFFFF  }
0x21c: {  	_ =	strace $0x9000004D  }
0x21d: {  	s0 =	stileid.u32;
	[bflag:$0x2] =	sbarrier.arrive $0xFFFF  }
0x21e: {  	p0 =	sne.s32 s0, $0x0;
	s0 =	rddreg [dreg:$0x4]  }
0x21f: {  	s0 =	sadd.s32 @!p0 $0x100000, s0  }
0x220: {  	[sflag:s0] =	ssyncadd.tile.s32 @!p0 $0x1;
	_ =	shalt  }
.Lfunc_end2:
_tile_overlayer_lowered:
.L_overlay_start_2:
0x221: {  	(tag) =	ssettag $0x2  }
0x222: {  	s0 =	rddreg [dreg:$0x0];
	s2 =	stileid.u32  }
0x223: {  	s1 =	rddreg [dreg:$0x1];
	p0 =	sne.s32 s2, $0x0  }
0x224: {  	s3 =	rddreg [dreg:$0x2];
	[bflag:$0x3] =	sbarrier.arrive $0xFFFF;
	s2 =	simm.s32 @!p0 $0x1C03  }
0x225: {  	[timem:s3], [sflag:s2] =	dma.local @!p0 [hbm:s0], s1  }
0x226: {  	s0 =	simm.s32 @!p0 $0x3  }
0x227: {  	_ =	swait.ge @!p0 [sflag:s0], s1  }
0x228: {  	s1 =	ssub.s32 @!p0 $0x0, s1;
	[sflag:s0] =	ssyncset.done @!p0 $0x0  }
0x229: {  	[sflag:s0] =	ssyncadd.s32 @!p0 s1  }
0x22a: {  	[bflag:$0x3] =	sbarrier.arrive $0xFFFF  }
0x22b: {  	_ =	shalt  }

// kernel: kernel.8.cloned.1.call-start
scs
__scs_entry_jumppad:
0x0: {  	(pc) =	sbr.rel $0x88, $3  }
0x1: {  	(tag) =	ssettag $0x0;
	lr =	simm.s32 $0x1  }
0x2: {  	[smem:$0x3F9B] =	sst lr;
	_ =	strace $0xD0000000  }
0x3: {  	_ = 	snop  }
0x4: {  	_ = 	snop  }
0x5: {  	_ = 	snop  }
0x6: {  	_ = 	snop  }
0x7: {  	_ = 	snop  }
__scs_overlays_trampoline_lowered:
0x8: {  	[smem:$0x3FAA] =	sst s0  }
0x9: {  	[smem:$0x3FAB] =	sst s1  }
0xa: {  	[smem:$0x3FAC] =	sst s2  }
0xb: {  	[smem:$0x3FAD] =	sst s3  }
0xc: {  	[smem:$0x3FAE] =	sst s4  }
0xd: {  	[smem:$0x3FAF] =	sst s5  }
0xe: {  	[smem:$0x3FB0] =	sst s6  }
0xf: {  	[smem:$0x3FB1] =	sst s7  }
0x10: {  	[smem:$0x3FB2] =	sst s8  }
0x11: {  	[smem:$0x3FB3] =	sst s9;
	s0 =	simm.s32 @!p0 $0x0  }
0x12: {  	s1 =	sld [smem:$0x3F99];
	s0 =	simm.s32 @p0 $0x1  }
0x13: {  	[smem:$0x3FB4] =	sst s0;
	s0 =	simm.s32 @!p1 $0x0  }
0x14: {  	s2 =	sld [smem:$0x3F98];
	s0 =	simm.s32 @p1 $0x1  }
0x15: {  	[smem:$0x3FB5] =	sst s0;
	s0 =	simm.s32 @!p2 $0x0  }
0x16: {  	s3 =	sld [smem:$0x3FDB];
	s0 =	simm.s32 @p2 $0x1  }
0x17: {  	s4 =	simm.s32 $0x1BF5;
	[smem:$0x3FB7] =	sst s0  }
0x18: {  	s0 =	sld [smem:$0x3F9A];
	_ =	swait.ge [sflag:s4], $0x0  }
0x19: {  	s7 =	sld [smem:$0x3F9B]  }
0x1a: {  	s8 =	sadd.s32 $0xFFFFE003, lr  }
0x1b: {  	s9 =	sadd.s32 $0xFFFFFEF7, lr;
	s5 =	simm.s32 $0xFFFFFFFF;
	p2 =	slt.u32 s8, $0xFFFFF086  }
0x1c: {  	p1 =	slt.u32 s9, $0xF7A;
	s5 =	simm.s32 @!p2 $0x0  }
0x1d: {  	s5 =	simm.s32 @p1 $0x1;
	p0 =	seq.s32 s7, s2  }
0x1e: {  	s7 =	smul.u32 @!p0 $0xF7A, s2;
	p2 =	seq.s32 @!p0 s5, $0x0  }
0x1f: {  	s9 =	smul.u32 $0xF7A, s1;
	s8 =	simm.s32 @!p0 $0x1BF5;
	p2 =	por !p2, p0  }
0x20: {  	[sflag:s8] =	ssyncset.s32 @!p0 $0xFFFFF086;
	s6 =	sadd.s32 @!p0 s3, s7;
	s7 =	simm.s32 @!p0 $0x108  }
0x21: {  	s3 =	sadd.s32 s3, s9;
	s6 =	sadd.s32 @!p0 $0x88, s6;
	s7 =	simm.s32 @p2 $0x1082  }
0x22: {  	[simem:s7], [sflag:s8] =	dma.local @!p0 [hbm:s6], $0xF7A  }
0x23: {  	s9 =	sor.u32 $0xD0000000, s2;
	s6 =	simm.s32 $0x108;
	_ =	swait.ge @!p0 [sflag:s8], $0x0  }
0x24: {  	s3 =	sadd.s32 $0x88, s3;
	s6 =	simm.s32 @!p1 $0x1082;
	[sflag:s4] =	ssyncset.s32 $0xFFFFF086  }
0x25: {  	[simem:s6], [sflag:s4] =	dma.local [hbm:s3], $0xF7A  }
0x26: {  	[smem:$0x3F9B] =	sst s1;
	(tag) =	ssettag s2;
	_ =	strace s9  }
0x27: {  	s1 =	sld [smem:$0x3FAB]  }
0x28: {  	s2 =	sld [smem:$0x3FAC]  }
0x29: {  	s4 =	sld [smem:$0x3FAE]  }
0x2a: {  	p0 =	seq.s32 s5, $0x0;
	s5 =	sld [smem:$0x3FAF]  }
0x2b: {  	s6 =	sld [smem:$0x3FB0]  }
0x2c: {  	s7 =	sld [smem:$0x3FB1]  }
0x2d: {  	s3 =	simm.s32 $0x108;
	s8 =	sld [smem:$0x3FB2]  }
0x2e: {  	s3 =	simm.s32 @!p0 $0x1082;
	s9 =	sld [smem:$0x3FB3]  }
0x2f: {  	lr =	sadd.s32 s0, s3;
	s0 =	sld [smem:$0x3FAA]  }
0x30: {  	s3 =	sld [smem:$0x3FAD]  }
0x31: {  	[smem:$0x3FB6] =	sst s10  }
0x32: {  	s10 =	sld [smem:$0x3FB4];
	_ =	sdelay $0x3  }
0x33: {  	p0 =	seq.s32 s10, $0x1;
	s10 =	sld [smem:$0x3FB6];
	_ =	sdelay $0x3  }
0x34: {  	[smem:$0x3FB6] =	sst s10  }
0x35: {  	s10 =	sld [smem:$0x3FB5];
	_ =	sdelay $0x3  }
0x36: {  	p1 =	seq.s32 s10, $0x1;
	s10 =	sld [smem:$0x3FB6];
	_ =	sdelay $0x3  }
0x37: {  	[smem:$0x3FB6] =	sst s10  }
0x38: {  	s10 =	sld [smem:$0x3FB7]  }
0x39: {  	_ = 	snop;
	(pc) =	sbr.ind lr, $3  }
0x3a: {  	_ = 	snop  }
0x3b: {  	_ = 	snop  }
0x3c: {  	p2 =	seq.s32 s10, $0x1;
	s10 =	sld [smem:$0x3FB6]  }
0x3d: {  	_ =	shalt  }
0x3e: {  	_ =	shalt  }
0x3f: {  	_ =	shalt  }
0x40: {  	_ =	shalt  }
0x41: {  	_ =	shalt  }
0x42: {  	_ =	shalt  }
0x43: {  	_ =	shalt  }
0x44: {  	_ =	shalt  }
0x45: {  	_ =	shalt  }
0x46: {  	_ =	shalt  }
0x47: {  	_ =	shalt  }
0x48: {  	_ =	shalt  }
0x49: {  	_ =	shalt  }
0x4a: {  	_ =	shalt  }
0x4b: {  	_ =	shalt  }
0x4c: {  	_ =	shalt  }
0x4d: {  	_ =	shalt  }
0x4e: {  	_ =	shalt  }
0x4f: {  	_ =	shalt  }
0x50: {  	_ =	shalt  }
0x51: {  	_ =	shalt  }
0x52: {  	_ =	shalt  }
0x53: {  	_ =	shalt  }
0x54: {  	_ =	shalt  }
0x55: {  	_ =	shalt  }
0x56: {  	_ =	shalt  }
0x57: {  	_ =	shalt  }
0x58: {  	_ =	shalt  }
0x59: {  	_ =	shalt  }
0x5a: {  	_ =	shalt  }
0x5b: {  	_ =	shalt  }
0x5c: {  	_ =	shalt  }
0x5d: {  	_ =	shalt  }
0x5e: {  	_ =	shalt  }
0x5f: {  	_ =	shalt  }
0x60: {  	_ =	shalt  }
0x61: {  	_ =	shalt  }
0x62: {  	_ =	shalt  }
0x63: {  	_ =	shalt  }
0x64: {  	_ =	shalt  }
0x65: {  	_ =	shalt  }
0x66: {  	_ =	shalt  }
0x67: {  	_ =	shalt  }
0x68: {  	_ =	shalt  }
0x69: {  	_ =	shalt  }
0x6a: {  	_ =	shalt  }
0x6b: {  	_ =	shalt  }
0x6c: {  	_ =	shalt  }
0x6d: {  	_ =	shalt  }
0x6e: {  	_ =	shalt  }
0x6f: {  	_ =	shalt  }
0x70: {  	_ =	shalt  }
0x71: {  	_ =	shalt  }
0x72: {  	_ =	shalt  }
0x73: {  	_ =	shalt  }
0x74: {  	_ =	shalt  }
0x75: {  	_ =	shalt  }
0x76: {  	_ =	shalt  }
0x77: {  	_ =	shalt  }
0x78: {  	_ =	shalt  }
0x79: {  	_ =	shalt  }
0x7a: {  	_ =	shalt  }
0x7b: {  	_ =	shalt  }
0x7c: {  	_ =	shalt  }
0x7d: {  	_ =	shalt  }
0x7e: {  	_ =	shalt  }
0x7f: {  	_ =	shalt  }
0x80: {  	_ =	shalt  }
0x81: {  	_ =	shalt  }
0x82: {  	_ =	shalt  }
0x83: {  	_ =	shalt  }
0x84: {  	_ =	shalt  }
0x85: {  	_ =	shalt  }
0x86: {  	_ =	shalt  }
0x87: {  	_ =	shalt  }
.Lfunc_end0:
.L_simem_size_0:
called_computation_lowered:
.L_overlay_start_0:
0x88: {  	s2 =	sld [smem:$0x3FD9]  }
0x89: {  	s3 =	sld [smem:$0x3FFE];
	_ =	sdelay $0x1  }
0x8a: {  	s1 =	srdreg.scid  }
0x8b: {  	s0 =	sand.u32 $0x1, s1  }
0x8c: {  	s17 =	sshll.u32 s0, $0xA;
	s2 =	sadd.s32 s3, s2  }
0x8d: {  	s2 =	sadd.s32 s2, s17  }
0x8e: {  	[smem:$0x3FC2] =	sst s2  }
0x8f: {  	_ = 	snop  }
0x90: {  	s2 =	sld [smem:$0x3FD0];
	(tm) =	ssettm $0x1  }
0x91: {  	s18 =	sld [smem:$0x3FFB];
	_ =	sdelay $0x3  }
0x92: {  	_ =	strace s18  }
0x93: {  	s3 =	sld [smem:$0x3FFC];
	_ =	sdelay $0x3  }
0x94: {  	_ =	strace s3  }
0x95: {  	s3 =	sld [smem:$0x3FFD];
	_ =	sdelay $0x3  }
0x96: {  	_ =	strace s3  }
0x97: {  	_ =	strace $0x8FFFFFFF  }
0x98: {  	s19 =	sld [smem:$0x3FDB];
	_ =	sdelay $0x1  }
0x99: {  	s4 =	simm.s32 $_scs_section_size  }
0x9a: {  	s5 =	simm.s32 $_size__tile_overlayer_lowered;
	s6 =	simm.s32 $_tile_overlayer_lowered  }
0x9b: {  	s22 =	simm.s32 $0x1BFF;
	s21 =	sshll.u32 s6, $0x1;
	s3 =	sadd.s32 s4, s19  }
0x9c: {  	s7 =	simm.s32 $0x0;
	s20 =	sshll.u32 s5, $0x1;
	s5 =	sadd.s32 s21, s3  }
0x9d: {  	[timem:s7], [sflag:s22] =	dma.local [hbm:s5], s20  }
0x9e: {  	_ =	swait.ge [sflag:s22], s20  }
0x9f: {  	s4 =	ssub.s32 $0x0, s20;
	[sflag:s22] =	ssyncset.done $0x0  }
0xa0: {  	[sflag:s22] =	ssyncadd.s32 s4;
	_ =	sdelay $0x1  }
0xa1: {  	s23 =	simm.s32 $0x1B8B  }
0xa2: {  	_ =	swait.ge [sflag:s23], $0x1  }
0xa3: {  	[sflag:s23] =	ssyncset.done $0x0  }
0xa4: {  	s25 =	simm.s32 $0x1B8E;
	s24 =	sld [smem:$0x3FFE];
	[sflag:s23] =	ssyncadd.s32 $0xFFFFFFFF  }
0xa5: {  	s26 =	simm.s32 $execute0_lowered;
	[smem:$0x3FD2] =	sst s25  }
0xa6: {  	s5 =	sshll.u32 s26, $0x1;
	_ =	strace $0x80000046;
	[dreg:$0x1] =	wrdreg $0xFFFFFFFF  }
0xa7: {  	s28 =	simm.s32 $_size_execute0_lowered;
	s3 =	sadd.s32 s3, s5;
	[dreg:$0x0] =	wrdreg $0x0  }
0xa8: {  	s5 =	sshll.u32 s28, $0x1;
	[dreg:$0x2] =	wrdreg s3  }
0xa9: {  	[dreg:$0x3] =	wrdreg s5  }
0xaa: {  	[dreg:$0x4] =	wrdreg $0xC0  }
0xab: {  	_ =	task [dreg:s7], $0x5FFFF  }
0xac: {  	[dreg:$0x1] =	wrdreg $0xFFFFFFFF  }
0xad: {  	[dreg:$0x0] =	wrdreg $0x60  }
0xae: {  	[dreg:$0x2] =	wrdreg s2  }
0xaf: {  	[dreg:$0x3] =	wrdreg s24  }
0xb0: {  	[dreg:$0x4] =	wrdreg $0x0  }
0xb1: {  	[dreg:$0x5] =	wrdreg $0x9  }
0xb2: {  	_ =	task.clear_ibuf [dreg:s7], $0x6FFFF;
	_ =	strace $0x90000046  }
0xb3: {  	s29 =	simm.s32 $0x9;
	_ =	strace $0x80000048  }
0xb4: {  	_ =	swait.ge [sflag:s29], $0x1  }
0xb5: {  	[sflag:s29] =	ssyncadd.s32 $0xFFFFFFFF  }
0xb6: {  	_ =	strace $0x90000048  }
0xb7: {  	_ =	sfence  }
0xb8: {  	s30 =	sld [smem:$0x0];
	_ =	sdelay $0x2  }
0xb9: {  	s31 =	sshll.u32 s1, $0xD;
	s1 =	sshrl.u32 s1, $0x2  }
0xba: {  	s3 =	sand.u32 $0x4000, s31;
	s1 =	sadd.s32 s1, s30  }
0xbb: {  	s0 =	sor.u32 s3, s0;
	s1 =	sshll.u32 s1, $0x11  }
0xbc: {  	s0 =	sor.u32 s1, s0  }
0xbd: {  	s0 =	sadd.s32 $0x8F2B, s0  }
0xbe: {  	[sflag:s0] =	ssyncadd.remote.s32 $0x1  }
0xbf: {  	_ =	sfence.sel $0xFFFF  }
0xc0: {  	[dreg:$0x0] =	wrdreg $0xFFFFFFFF;
	(pc) =	sbr.abs _section_cstart, $3  }
0xc1: {  	[dreg:$0x1] =	wrdreg $0xFFFFFFFF  }
0xc2: {  	_ =	task.clear_ibuf [dreg:s7], $0x2FFFF;
	_ =	strace $0x9FFFFFFF  }
0xc3: {  	(tm) =	ssettm $0x7FFFFFFF  }
tec
execute0_lowered:
.L_overlay_start_1:
0x0: {  	(tag) =	ssettag $0x1  }
0x1: {  	s7 =	rddreg [dreg:$0x0]  }
0x2: {  	s6 =	rddreg [dreg:$0x1]  }
0x3: {  	s2 =	rddreg [dreg:$0x2]  }
0x4: {  	s0 =	rddreg [dreg:$0x3];
	s3 =	simm.s32 $0x0;
	s4 =	srdreg.scid  }
0x5: {  	s1 =	stileid.u32;
	s12 =	simm.s32 $0x2A80;
	s13 =	simm.s32 $0x280  }
0x6: {  	s14 =	simm.s32 $0x80;
	s15 =	simm.s32 $0x20;
	s16 =	simm.s32 $0x10  }
0x7: {  	s17 =	simm.s32 $0x0;
	[smem:$0x7FF] =	sst s3;
	s8 =	sand.u32 $0x1, s4  }
0x8: {  	s9 =	smul.u32 $0x500, s1;
	s4 =	sadd.s32 $0x1A00, s6;
	s5 =	sadd.s32 $0x1C00, s6  }
0x9: {  	s26 =	smul.u32 $0xA00, s1;
	s31 =	sshll.u32 s1, $0x6;
	_ =	strace $0x80000047  }
0xa: {  	s10 =	sshll.u32 s8, $0x7;
	s11 =	sshll.u32 s8, $0x4;
	s28 =	ssub.s32 $0x2, s8  }
0xb: {  	s9 =	sor.u32 s10, s9;
	s29 =	sor.u32 s1, s11;
	s30 =	sshrl.u32 s28, $0x1  }
0xc: {  	s10 =	sshrl.u32 s26, $0x2;
	s9 =	sshrl.u32 s9, $0x3;
	s8 =	smul.u32 $0x500, s29  }
0xd: {  	s11 =	ssub.s32 s28, s30;
	s10 =	sadd.s32 s10, s2;
	s9 =	sadd.s32 s9, s6  }
0xe: {  	s6 =	sor.u32 $0x1C01, s31;
	s10 =	sshrl.u32 s10, $0x3;
	s7 =	sadd.s32 s7, s8  }
0xf: {  	s8 =	sadd.s32 $0x1E00, s9;
	s9 =	smax.u32 s11, $0x1;
	s11 =	simm.s32 $0x1  }
.LBB2_1:
0x10: {  	[spmem:s10], [sflag:s6] =	dma.local [hbm:s5], $0x50  }
0x11: {  	_ =	swait.ge [sflag:s11], $0x50  }
0x12: {  	[sflag:s11] =	ssyncset.done $0x0  }
0x13: {  	[sflag:s11] =	ssyncadd.s32 $0xFFFFFFB0  }
0x14: {  	[tilespmem:s12], [sflag:$0x1] =	stream.linear.gather [hbm4b:s4+s3], $0x80, $0x38;
	[tilespmem:$0x2B00] =	vst v63  }
0x15: {  	_ =	swait.ge [sflag:s11], $0x80  }
0x16: {  	[sflag:s11] =	ssyncset.done $0x0  }
0x17: {  	[sflag:s11] =	ssyncadd.s32 $0xFFFFFF80  }
0x18: {  	[tilespmem:s13], [sflag:$0x1] =	stream.linear.gather [hbm4b:s7+s3], $0x2800, $0x38;
	[tilespmem:$0x2B00] =	vst v63  }
0x19: {  	_ =	swait.ge [sflag:s11], $0x2800  }
0x1a: {  	[sflag:s11] =	ssyncset.done $0x0  }
0x1b: {  	[sflag:s11] =	ssyncadd.s32 $0xFFFFD800  }
0x1c: {  	s18 =	simm.s32 $0x280;
	[bflag:$0x0] =	sbarrier.arrive $0xFFFF  }
0x1d: {  	[spmem:s2] =	stream.indirect.scatter.add.f32 [tilespmem:s12], [sflag:$0x1], $0x1, s18, s14, $0xb8;
	[tilespmem:$0x2B00] =	vst v63  }
0x1e: {  	s18 =	simm.s32 $0x200;
	_ =	swait.ge [sflag:s11], $0x80  }
.LBB2_2:
0x1f: {  	s19 =	sshra.s32 s18, $0x2;
	[sflag:s11] =	ssyncset.done $0x0;
	p0 =	sne.s32 s18, $0x9E00  }
.Ltmp0:
0x20: {  	s19 =	sadd.s32 $0x280, s19;
	[sflag:s11] =	ssyncadd.s32 $0xFFFFFF80;
	(pc) =	sbr.rel @p0 .LBB2_2-.Ltmp0, $3  }
0x21: {  	[spmem:s2] =	stream.indirect.scatter.add.f32 [tilespmem:s12], [sflag:$0x1], $0x1, s19, s14, $0xb8;
	[tilespmem:$0x2B00] =	vst v63  }
0x22: {  	s18 =	sadd.s32 $0x200, s18;
	_ =	sdelay $0x1  }
0x23: {  	_ =	swait.ge [sflag:s11], $0x80  }
0x24: {  	[sflag:s11] =	ssyncset.done $0x0;
	s17 =	sadd.s32 $0x1, s17  }
0x25: {  	[sflag:s11] =	ssyncadd.s32 $0xFFFFFF80;
	p0 =	sne.s32 s17, s9  }
.Ltmp1:
0x26: {  	[bflag:$0x0] =	sbarrier.arrive $0xFFFF;
	(pc) =	sbr.rel @p0 .LBB2_1-.Ltmp1, $4  }
0x27: {  	[hbm:s8@s15], [sflag:s6] =	dma.strided [spmem:s10@s16], $0x50, s11, $0x10   }
0x28: {  	_ =	swait.ge [sflag:s11], $0x50  }
0x29: {  	[sflag:s11] =	ssyncset.done $0x0  }
0x2a: {  	[sflag:s11] =	ssyncadd.s32 $0xFFFFFFB0  }
0x2b: {  	_ =	sfence.sel $0x180000  }
0x2c: {  	[bflag:$0x0] =	sbarrier.arrive $0xFFFF  }
0x2d: {  	p0 =	sne.s32 s1, $0x0;
	_ =	strace $0x90000047  }
0x2e: {  	s0 =	sadd.s32 @!p0 $0x100000, s0;
	[bflag:$0x2] =	sbarrier.arrive $0xFFFF  }
0x2f: {  	[sflag:s0] =	ssyncadd.tile.s32 @!p0 $0x1;
	_ =	shalt  }
.Lfunc_end2:
_tile_overlayer_lowered:
.L_overlay_start_2:
0x30: {  	(tag) =	ssettag $0x2  }
0x31: {  	s0 =	rddreg [dreg:$0x0];
	s2 =	stileid.u32  }
0x32: {  	s1 =	rddreg [dreg:$0x1];
	p0 =	sne.s32 s2, $0x0  }
0x33: {  	s3 =	rddreg [dreg:$0x2];
	[bflag:$0x3] =	sbarrier.arrive $0xFFFF;
	s2 =	simm.s32 @!p0 $0x1C01  }
0x34: {  	[timem:s3], [sflag:s2] =	dma.local @!p0 [hbm:s0], s1  }
0x35: {  	s0 =	simm.s32 @!p0 $0x1  }
0x36: {  	_ =	swait.ge @!p0 [sflag:s0], s1  }
0x37: {  	s1 =	ssub.s32 @!p0 $0x0, s1;
	[sflag:s0] =	ssyncset.done @!p0 $0x0  }
0x38: {  	[sflag:s0] =	ssyncadd.s32 @!p0 s1  }
0x39: {  	[bflag:$0x3] =	sbarrier.arrive $0xFFFF  }
0x3a: {  	_ =	shalt  }

</sc_bundles>
